<compile_context>
chip_gen: v7x
topology: tpu7x:2x2x1
jax: 0.10.2.dev20260603
libtpu: 0.0.44.dev20260713+nightly
codegen_flags: <defaults>
</compile_context>

<pallas_src>
import functools

import jax
import jax.numpy as jnp
from jax import lax
from jax.experimental import pallas as pl
from jax.experimental.pallas import tpu as pltpu
from jax.experimental.pallas import tpu_sc as plsc


def kernel(center_ids, context_ids, center_weight, center_biase, context_weight, context_biase):
    del context_ids
    B = center_ids.shape[0]
    V, D = center_weight.shape
    L = 16
    W = 4 * D

    info = plsc.get_sparse_core_info()
    NC, NS = info.num_cores, info.num_subcores
    NW = NC * NS
    n = B // NW
    C = 256
    n_chunks = n // C

    ids = center_ids.astype(jnp.int32)
    cw2 = center_weight.reshape(V // 4, W)
    xw2 = context_weight.reshape(V // 4, W)
    cbf = center_biase.reshape(V)
    xbf = context_biase.reshape(V)
    mesh = plsc.VectorSubcoreMesh(core_axis_name="c", subcore_axis_name="s")

    @functools.partial(
        pl.kernel,
        mesh=mesh,
        compiler_params=pltpu.CompilerParams(
            needs_layout_passes=False,
        ),
        out_type=jax.ShapeDtypeStruct((B,), jnp.float32),
        scratch_types=[
            pltpu.VMEM((n,), jnp.int32),
            pltpu.VMEM((n,), jnp.int32),
            pltpu.VMEM((C, W), jnp.float32),
            pltpu.VMEM((C, W), jnp.float32),
            pltpu.VMEM((n,), jnp.float32),
            pltpu.VMEM((n,), jnp.float32),
            pltpu.VMEM((n,), jnp.float32),
            pltpu.SemaphoreType.DMA,
        ],
    )
    def glove_sc(ids_hbm, cw_hbm, cb_hbm, xw_hbm, xb_hbm, out_hbm,
                 idx_v, q_v, cwb, xwb, cbb, xbb, out_v, sem):
        wid = lax.axis_index("s") * NC + lax.axis_index("c")
        base = wid * n

        pltpu.sync_copy(ids_hbm.at[pl.ds(base, n)], idx_v)
        lanes = lax.iota(jnp.int32, L)

        def blocks(g):
            iv = idx_v[pl.ds(g * L, L)]
            q_v[pl.ds(g * L, L)] = iv >> 2

        pl.loop(0, n // L)(blocks)

        g3 = pltpu.async_copy(cb_hbm.at[idx_v], cbb, sem)
        g4 = pltpu.async_copy(xb_hbm.at[idx_v], xbb, sem)

        for c in range(n_chunks):
            g1 = pltpu.async_copy(cw_hbm.at[q_v.at[pl.ds(c * C, C)]], cwb, sem)
            g2 = pltpu.async_copy(xw_hbm.at[q_v.at[pl.ds(c * C, C)]], xwb, sem)
            g1.wait()
            g2.wait()
            if c == 0:
                g3.wait()
                g4.wait()

            def comp(t):
                o = t * L
                acc = cbb[pl.ds(c * C + o, L)] + xbb[pl.ds(c * C + o, L)]
                iv = idx_v[pl.ds(c * C + o, L)]
                for k in range(L):
                    col = (iv[k] & 3) * D
                    cols = col + lanes
                    rowv = jnp.full((L,), o + k, dtype=jnp.int32)
                    p = plsc.load_gather(cwb, [rowv, cols]) * plsc.load_gather(xwb, [rowv, cols])
                    p = p + plsc.load_gather(cwb, [rowv, cols + L]) * plsc.load_gather(xwb, [rowv, cols + L])
                    s = jnp.sum(p)
                    acc = acc + jnp.where(lanes == k, s, jnp.float32(0.0))
                out_v[pl.ds(c * C + o, L)] = acc

            pl.loop(0, C // L)(comp)

        pltpu.sync_copy(out_v, out_hbm.at[pl.ds(base, n)])

    out = glove_sc(ids, cw2, cbf, xw2, xbf)
    return out.reshape(B, 1)

# --- scband reference (transcript-rebuilt; emitter-appended) ---
"""Pipeline reference for scband-glove-2267742732324 (READ-ONLY COPY).

The authoritative reference and input builder live on the scoring server;
editing this copy changes nothing except your own understanding.
"""

import jax, jax.numpy as jnp
import numpy as np

VOCAB = 1000000
DIM = 32
BATCH = 16384

def setup_inputs(seed: int = 0) -> dict:
    key = jax.random.key(seed)
    k1, k2, k3, k4, k5, k6 = jax.random.split(key, 6)
    center_ids = jax.random.randint(k1, (BATCH,), 0, VOCAB, dtype=jnp.int64) if jax.config.jax_enable_x64 else jax.random.randint(k1, (BATCH,), 0, VOCAB).astype(jnp.int32)
    context_ids = jax.random.randint(k2, (BATCH,), 0, VOCAB).astype(center_ids.dtype)
    center_weight = jax.random.normal(k3, (VOCAB, DIM), dtype=jnp.float32) * 0.02
    center_biase = jax.random.normal(k4, (VOCAB, 1), dtype=jnp.float32) * 0.02
    context_weight = jax.random.normal(k5, (VOCAB, DIM), dtype=jnp.float32) * 0.02
    context_biase = jax.random.normal(k6, (VOCAB, 1), dtype=jnp.float32) * 0.02
    return {
        "center_ids": center_ids,
        "context_ids": context_ids,
        "center_weight": center_weight,
        "center_biase": center_biase,
        "context_weight": context_weight,
        "context_biase": context_biase,
    }

def reference(center_ids, context_ids, center_weight, center_biase, context_weight, context_biase):
    # Faithful to the original torch forward: NOTE the original module uses
    # center_ids for ALL four lookups (context_ids is unused in forward).
    center_w = jnp.take(center_weight, center_ids, axis=0)
    center_b = jnp.take(center_biase, center_ids, axis=0)
    context_w = jnp.take(context_weight, center_ids, axis=0)
    context_b = jnp.take(context_biase, center_ids, axis=0)
    return jnp.sum(center_w * context_w, axis=1, keepdims=True) + center_b + context_b

if __name__ == "__main__":
    import jax
    _d = setup_inputs()
    print(jax.jit(kernel)(*tuple(_d.values())))

</pallas_src>

<mosaic_0001>
#map = affine_map<(d0, d1) -> (0)>
#map1 = affine_map<(d0, d1) -> (0, 0)>
module attributes {stable_mosaic.version = 14 : i64} {
  func.func @glove_sc(%arg0: i32, %arg1: i32, %arg2: memref<16384xi32, #tpu.memory_space<hbm>>, %arg3: memref<250000x128xf32, #tpu.memory_space<hbm>>, %arg4: memref<1000000xf32, #tpu.memory_space<hbm>>, %arg5: memref<250000x128xf32, #tpu.memory_space<hbm>>, %arg6: memref<1000000xf32, #tpu.memory_space<hbm>>, %arg7: memref<16384xf32, #tpu.memory_space<hbm>>, %arg8: memref<512xi32, #tpu.memory_space<vmem>>, %arg9: memref<512xi32, #tpu.memory_space<vmem>>, %arg10: memref<256x128xf32, #tpu.memory_space<vmem>>, %arg11: memref<256x128xf32, #tpu.memory_space<vmem>>, %arg12: memref<512xf32, #tpu.memory_space<vmem>>, %arg13: memref<512xf32, #tpu.memory_space<vmem>>, %arg14: memref<512xf32, #tpu.memory_space<vmem>>, %arg15: memref<!tpu.dma_semaphore, #tpu.memory_space<semaphore_mem>>) attributes {dimension_semantics = [#tpu.dimension_semantics<core_parallel>, #tpu.dimension_semantics<subcore_parallel>], iteration_bounds = array<i64: 2, 16>, scalar_prefetch = 0 : i64, scratch_operands = 8 : i64, tpu.core_type = #tpu.core_type<sc_vector_subcore>, window_params = [{transform_indices = #map}, {transform_indices = #map1}, {transform_indices = #map}, {transform_indices = #map1}, {transform_indices = #map}, {transform_indices = #map}]} {
    %mul3A = arith.constant 2 : i32
    %mul3A_0 = arith.muli %arg1, %mul3A : i32
    %add3A = arith.addi %mul3A_0, %arg0 : i32
    %mul3A_1 = arith.constant 512 : i32
    %mul3A_2 = arith.muli %add3A, %mul3A_1 : i32
    "tpu.region"() ({
      %run_scoped3A = tpu.sem_alloc : memref<!tpu.dma_semaphore, #tpu.memory_space<semaphore_mem>>
      %dma_start3A_63 = tpu.memref_slice %arg2[%mul3A_2] : memref<16384xi32, #tpu.memory_space<hbm>> -> memref<512xi32, #tpu.memory_space<hbm>>
      %dma_start3A_64 = tpu.memref_slice %arg2[%mul3A_2] : memref<16384xi32, #tpu.memory_space<hbm>> -> memref<512xi32, #tpu.memory_space<hbm>>
      tpu.enqueue_dma source(%dma_start3A_64 : memref<512xi32, #tpu.memory_space<hbm>>) target(%arg8 : memref<512xi32, #tpu.memory_space<vmem>>) target_semaphore(%run_scoped3A : memref<!tpu.dma_semaphore, #tpu.memory_space<semaphore_mem>>)
      %dma_wait3A_65 = tpu.memref_slice %arg2[%mul3A_2] : memref<16384xi32, #tpu.memory_space<hbm>> -> memref<512xi32, #tpu.memory_space<hbm>>
      %dma_wait3A_66 = tpu.memref_slice %arg2[%mul3A_2] : memref<16384xi32, #tpu.memory_space<hbm>> -> memref<512xi32, #tpu.memory_space<hbm>>
      tpu.wait_dma2 semaphore(%run_scoped3A : memref<!tpu.dma_semaphore, #tpu.memory_space<semaphore_mem>>) src(%dma_wait3A_66 : memref<512xi32, #tpu.memory_space<hbm>>) dst(%arg8 : memref<512xi32, #tpu.memory_space<vmem>>)
      tpu.yield
    }) : () -> ()
    %iota3A = tpu.iota {dimensions = array<i32: 0>} : vector<16xi32>
    %scan3A = arith.constant 0 : i32
    %scan3A_3 = arith.constant 32 : i32
    %scan3A_4 = arith.addi %scan3A, %scan3A_3 : i32
    %scan3A_5 = arith.constant 1 : i32
    scf.for %scan3A_63 = %scan3A to %scan3A_4 step %scan3A_5  : i32 {
      %mul3A_64 = arith.constant 1 : i32
      %mul3A_65 = arith.muli %scan3A_63, %mul3A_64 : i32
      %add3A_66 = arith.constant 0 : i32
      %add3A_67 = arith.addi %add3A_66, %mul3A_65 : i32
      %mul3A_68 = arith.constant 16 : i32
      %mul3A_69 = arith.muli %add3A_67, %mul3A_68 : i32
      %get3A = arith.index_cast %mul3A_69 : i32 to index
      %get3A_70 = tpu.vector_load %arg8[%get3A] {strides = array<i32>} : memref<512xi32, #tpu.memory_space<vmem>>, vector<16xi32>,
      %shift_right_arithmetic3A = arith.constant 2 : i32
      %shift_right_arithmetic3A_71 = vector.broadcast %shift_right_arithmetic3A : i32 to vector<16xi32>
      %shift_right_arithmetic3A_72 = arith.shrsi %get3A_70, %shift_right_arithmetic3A_71 : vector<16xi32>
      %mul3A_73 = arith.constant 16 : i32
      %mul3A_74 = arith.muli %add3A_67, %mul3A_73 : i32
      %swap3A = arith.index_cast %mul3A_74 : i32 to index
      %swap3A_75 = tpu.vector_load %arg9[%swap3A] {strides = array<i32>} : memref<512xi32, #tpu.memory_space<vmem>>, vector<16xi32>,
      tpu.vector_store %arg9[%swap3A], %shift_right_arithmetic3A_72 {strides = array<i32>} : memref<512xi32, #tpu.memory_space<vmem>>, vector<16xi32>,
    }
    %scan3A_6 = arith.constant 32 : i32
    %dma_start3A = arith.constant 0 : i32
    %dma_start3A_7 = tpu.memref_slice %arg4[%dma_start3A] : memref<1000000xf32, #tpu.memory_space<hbm>> -> memref<1000000xf32, #tpu.memory_space<hbm>>
    tpu.enqueue_indirect_dma source(%dma_start3A_7 : memref<1000000xf32, #tpu.memory_space<hbm>>) target(%arg12 : memref<512xf32, #tpu.memory_space<vmem>>) offsets(%arg8 : memref<512xi32, #tpu.memory_space<vmem>>) semaphore(%arg15 : memref<!tpu.dma_semaphore, #tpu.memory_space<semaphore_mem>>)
    %dma_start3A_8 = arith.constant 0 : i32
    %dma_start3A_9 = tpu.memref_slice %arg6[%dma_start3A_8] : memref<1000000xf32, #tpu.memory_space<hbm>> -> memref<1000000xf32, #tpu.memory_space<hbm>>
    tpu.enqueue_indirect_dma source(%dma_start3A_9 : memref<1000000xf32, #tpu.memory_space<hbm>>) target(%arg13 : memref<512xf32, #tpu.memory_space<vmem>>) offsets(%arg8 : memref<512xi32, #tpu.memory_space<vmem>>) semaphore(%arg15 : memref<!tpu.dma_semaphore, #tpu.memory_space<semaphore_mem>>)
    %dma_start3A_10 = arith.constant 0 : i32
    %dma_start3A_11 = tpu.memref_slice %arg9[%dma_start3A_10] : memref<512xi32, #tpu.memory_space<vmem>> -> memref<256xi32, #tpu.memory_space<vmem>>
    %dma_start3A_12 = arith.constant 0 : i32
    %dma_start3A_13 = arith.constant 0 : i32
    %dma_start3A_14 = tpu.memref_slice %arg3[%dma_start3A_12, %dma_start3A_13] : memref<250000x128xf32, #tpu.memory_space<hbm>> -> memref<250000x128xf32, #tpu.memory_space<hbm>>
    tpu.enqueue_indirect_dma source(%dma_start3A_14 : memref<250000x128xf32, #tpu.memory_space<hbm>>) target(%arg10 : memref<256x128xf32, #tpu.memory_space<vmem>>) offsets(%dma_start3A_11 : memref<256xi32, #tpu.memory_space<vmem>>) semaphore(%arg15 : memref<!tpu.dma_semaphore, #tpu.memory_space<semaphore_mem>>)
    %dma_start3A_15 = arith.constant 0 : i32
    %dma_start3A_16 = tpu.memref_slice %arg9[%dma_start3A_15] : memref<512xi32, #tpu.memory_space<vmem>> -> memref<256xi32, #tpu.memory_space<vmem>>
    %dma_start3A_17 = arith.constant 0 : i32
    %dma_start3A_18 = arith.constant 0 : i32
    %dma_start3A_19 = tpu.memref_slice %arg5[%dma_start3A_17, %dma_start3A_18] : memref<250000x128xf32, #tpu.memory_space<hbm>> -> memref<250000x128xf32, #tpu.memory_space<hbm>>
    tpu.enqueue_indirect_dma source(%dma_start3A_19 : memref<250000x128xf32, #tpu.memory_space<hbm>>) target(%arg11 : memref<256x128xf32, #tpu.memory_space<vmem>>) offsets(%dma_start3A_16 : memref<256xi32, #tpu.memory_space<vmem>>) semaphore(%arg15 : memref<!tpu.dma_semaphore, #tpu.memory_space<semaphore_mem>>)
    %dma_wait3A = arith.constant 0 : i32
    %dma_wait3A_20 = tpu.memref_slice %arg9[%dma_wait3A] : memref<512xi32, #tpu.memory_space<vmem>> -> memref<256xi32, #tpu.memory_space<vmem>>
    %dma_wait3A_21 = arith.constant 0 : i32
    %dma_wait3A_22 = arith.constant 0 : i32
    %dma_wait3A_23 = tpu.memref_slice %arg3[%dma_wait3A_21, %dma_wait3A_22] : memref<250000x128xf32, #tpu.memory_space<hbm>> -> memref<250000x128xf32, #tpu.memory_space<hbm>>
    tpu.wait_indirect_dma semaphore(%arg15 : memref<!tpu.dma_semaphore, #tpu.memory_space<semaphore_mem>>) src(%dma_wait3A_23 : memref<250000x128xf32, #tpu.memory_space<hbm>>) dst(%arg10 : memref<256x128xf32, #tpu.memory_space<vmem>>)
    %dma_wait3A_24 = arith.constant 0 : i32
    %dma_wait3A_25 = tpu.memref_slice %arg9[%dma_wait3A_24] : memref<512xi32, #tpu.memory_space<vmem>> -> memref<256xi32, #tpu.memory_space<vmem>>
    %dma_wait3A_26 = arith.constant 0 : i32
    %dma_wait3A_27 = arith.constant 0 : i32
    %dma_wait3A_28 = tpu.memref_slice %arg5[%dma_wait3A_26, %dma_wait3A_27] : memref<250000x128xf32, #tpu.memory_space<hbm>> -> memref<250000x128xf32, #tpu.memory_space<hbm>>
    tpu.wait_indirect_dma semaphore(%arg15 : memref<!tpu.dma_semaphore, #tpu.memory_space<semaphore_mem>>) src(%dma_wait3A_28 : memref<250000x128xf32, #tpu.memory_space<hbm>>) dst(%arg11 : memref<256x128xf32, #tpu.memory_space<vmem>>)
    %dma_wait3A_29 = arith.constant 0 : i32
    %dma_wait3A_30 = tpu.memref_slice %arg4[%dma_wait3A_29] : memref<1000000xf32, #tpu.memory_space<hbm>> -> memref<1000000xf32, #tpu.memory_space<hbm>>
    tpu.wait_indirect_dma semaphore(%arg15 : memref<!tpu.dma_semaphore, #tpu.memory_space<semaphore_mem>>) src(%dma_wait3A_30 : memref<1000000xf32, #tpu.memory_space<hbm>>) dst(%arg12 : memref<512xf32, #tpu.memory_space<vmem>>)
    %dma_wait3A_31 = arith.constant 0 : i32
    %dma_wait3A_32 = tpu.memref_slice %arg6[%dma_wait3A_31] : memref<1000000xf32, #tpu.memory_space<hbm>> -> memref<1000000xf32, #tpu.memory_space<hbm>>
    tpu.wait_indirect_dma semaphore(%arg15 : memref<!tpu.dma_semaphore, #tpu.memory_space<semaphore_mem>>) src(%dma_wait3A_32 : memref<1000000xf32, #tpu.memory_space<hbm>>) dst(%arg13 : memref<512xf32, #tpu.memory_space<vmem>>)
    %scan3A_33 = arith.constant 0 : i32
    %scan3A_34 = arith.constant 16 : i32
    %scan3A_35 = arith.addi %scan3A_33, %scan3A_34 : i32
    %scan3A_36 = arith.constant 1 : i32
    scf.for %scan3A_63 = %scan3A_33 to %scan3A_35 step %scan3A_36  : i32 {
      %mul3A_64 = arith.constant 1 : i32
      %mul3A_65 = arith.muli %scan3A_63, %mul3A_64 : i32
      %add3A_66 = arith.constant 0 : i32
      %add3A_67 = arith.addi %add3A_66, %mul3A_65 : i32
      %mul3A_68 = arith.constant 16 : i32
      %mul3A_69 = arith.muli %add3A_67, %mul3A_68 : i32
      %add3A_70 = arith.constant 0 : i32
      %add3A_71 = arith.addi %add3A_70, %mul3A_69 : i32
      %get3A = arith.index_cast %add3A_71 : i32 to index
      %get3A_72 = tpu.vector_load %arg12[%get3A] {strides = array<i32>} : memref<512xf32, #tpu.memory_space<vmem>>, vector<16xf32>,
      %add3A_73 = arith.constant 0 : i32
      %add3A_74 = arith.addi %add3A_73, %mul3A_69 : i32
      %get3A_75 = arith.index_cast %add3A_74 : i32 to index
      %get3A_76 = tpu.vector_load %arg13[%get3A_75] {strides = array<i32>} : memref<512xf32, #tpu.memory_space<vmem>>, vector<16xf32>,
      %add3A_77 = arith.addf %get3A_72, %get3A_76 : vector<16xf32>
      %add3A_78 = arith.constant 0 : i32
      %add3A_79 = arith.addi %add3A_78, %mul3A_69 : i32
      %get3A_80 = arith.index_cast %add3A_79 : i32 to index
      %get3A_81 = tpu.vector_load %arg8[%get3A_80] {strides = array<i32>} : memref<512xi32, #tpu.memory_space<vmem>>, vector<16xi32>,
      %slice3A = vector.extract_strided_slice %get3A_81 {offsets = [0], sizes = [1], strides = [1]} : vector<16xi32> to vector<1xi32>
      %squeeze3A = vector.extract %slice3A[0] : i32 from vector<1xi32>
      %and3A = arith.constant 3 : i32
      %and3A_82 = arith.andi %squeeze3A, %and3A : i32
      %mul3A_83 = arith.constant 32 : i32
      %mul3A_84 = arith.muli %and3A_82, %mul3A_83 : i32
      %add3A_85 = vector.broadcast %mul3A_84 : i32 to vector<16xi32>
      %add3A_86 = arith.addi %add3A_85, %iota3A : vector<16xi32>
      %add3A_87 = arith.constant 0 : i32
      %add3A_88 = arith.addi %mul3A_69, %add3A_87 : i32
      %broadcast_in_dim3A = vector.broadcast %add3A_88 : i32 to vector<16xi32>
      %gather3A = tpu.vector_load_idx %arg10[%broadcast_in_dim3A, %add3A_86] : memref<256x128xf32, #tpu.memory_space<vmem>>[vector<16xi32>, vector<16xi32>], vector<16xf32>,
      %gather3A_89 = tpu.vector_load_idx %arg11[%broadcast_in_dim3A, %add3A_86] : memref<256x128xf32, #tpu.memory_space<vmem>>[vector<16xi32>, vector<16xi32>], vector<16xf32>,
      %mul3A_90 = arith.mulf %gather3A, %gather3A_89 : vector<16xf32>
      %add3A_91 = arith.constant 16 : i32
      %add3A_92 = vector.broadcast %add3A_91 : i32 to vector<16xi32>
      %add3A_93 = arith.addi %add3A_86, %add3A_92 : vector<16xi32>
      %gather3A_94 = tpu.vector_load_idx %arg10[%broadcast_in_dim3A, %add3A_93] : memref<256x128xf32, #tpu.memory_space<vmem>>[vector<16xi32>, vector<16xi32>], vector<16xf32>,
      %add3A_95 = arith.constant 16 : i32
      %add3A_96 = vector.broadcast %add3A_95 : i32 to vector<16xi32>
      %add3A_97 = arith.addi %add3A_86, %add3A_96 : vector<16xi32>
      %gather3A_98 = tpu.vector_load_idx %arg11[%broadcast_in_dim3A, %add3A_97] : memref<256x128xf32, #tpu.memory_space<vmem>>[vector<16xi32>, vector<16xi32>], vector<16xf32>,
      %mul3A_99 = arith.mulf %gather3A_94, %gather3A_98 : vector<16xf32>
      %add3A_100 = arith.addf %mul3A_90, %mul3A_99 : vector<16xf32>
      %reduce_sum3A = arith.constant true
      %reduce_sum3A_101 = vector.broadcast %reduce_sum3A : i1 to vector<16xi1>
      %reduce_sum3A_102 = tpu.scan <sum>, %add3A_100 masked %reduce_sum3A_101 : vector<16xf32>, vector<16xi1> -> vector<16xf32>
      %reduce_sum3A_103 = vector.extract %reduce_sum3A_102[15] : f32 from vector<16xf32>
      %eq3A = arith.constant 0 : i32
      %eq3A_104 = vector.broadcast %eq3A : i32 to vector<16xi32>
      %eq3A_105 = arith.cmpi eq, %iota3A, %eq3A_104 : vector<16xi32>
      %jit3A = arith.constant 0.000000e+00 : f32
      %broadcast_in_dim3A_106 = vector.broadcast %reduce_sum3A_103 : f32 to vector<16xf32>
      %broadcast_in_dim3A_107 = vector.broadcast %jit3A : f32 to vector<16xf32>
      %select_n3A = arith.select %eq3A_105, %broadcast_in_dim3A_106, %broadcast_in_dim3A_107 : vector<16xi1>, vector<16xf32>
      %add3A_108 = arith.addf %add3A_77, %select_n3A : vector<16xf32>
      %slice3A_109 = vector.extract_strided_slice %get3A_81 {offsets = [1], sizes = [1], strides = [1]} : vector<16xi32> to vector<1xi32>
      %squeeze3A_110 = vector.extract %slice3A_109[0] : i32 from vector<1xi32>
      %and3A_111 = arith.constant 3 : i32
      %and3A_112 = arith.andi %squeeze3A_110, %and3A_111 : i32
      %mul3A_113 = arith.constant 32 : i32
      %mul3A_114 = arith.muli %and3A_112, %mul3A_113 : i32
      %add3A_115 = vector.broadcast %mul3A_114 : i32 to vector<16xi32>
      %add3A_116 = arith.addi %add3A_115, %iota3A : vector<16xi32>
      %add3A_117 = arith.constant 1 : i32
      %add3A_118 = arith.addi %mul3A_69, %add3A_117 : i32
      %broadcast_in_dim3A_119 = vector.broadcast %add3A_118 : i32 to vector<16xi32>
      %gather3A_120 = tpu.vector_load_idx %arg10[%broadcast_in_dim3A_119, %add3A_116] : memref<256x128xf32, #tpu.memory_space<vmem>>[vector<16xi32>, vector<16xi32>], vector<16xf32>,
      %gather3A_121 = tpu.vector_load_idx %arg11[%broadcast_in_dim3A_119, %add3A_116] : memref<256x128xf32, #tpu.memory_space<vmem>>[vector<16xi32>, vector<16xi32>], vector<16xf32>,
      %mul3A_122 = arith.mulf %gather3A_120, %gather3A_121 : vector<16xf32>
      %add3A_123 = arith.constant 16 : i32
      %add3A_124 = vector.broadcast %add3A_123 : i32 to vector<16xi32>
      %add3A_125 = arith.addi %add3A_116, %add3A_124 : vector<16xi32>
      %gather3A_126 = tpu.vector_load_idx %arg10[%broadcast_in_dim3A_119, %add3A_125] : memref<256x128xf32, #tpu.memory_space<vmem>>[vector<16xi32>, vector<16xi32>], vector<16xf32>,
      %add3A_127 = arith.constant 16 : i32
      %add3A_128 = vector.broadcast %add3A_127 : i32 to vector<16xi32>
      %add3A_129 = arith.addi %add3A_116, %add3A_128 : vector<16xi32>
      %gather3A_130 = tpu.vector_load_idx %arg11[%broadcast_in_dim3A_119, %add3A_129] : memref<256x128xf32, #tpu.memory_space<vmem>>[vector<16xi32>, vector<16xi32>], vector<16xf32>,
      %mul3A_131 = arith.mulf %gather3A_126, %gather3A_130 : vector<16xf32>
      %add3A_132 = arith.addf %mul3A_122, %mul3A_131 : vector<16xf32>
      %reduce_sum3A_133 = arith.constant true
      %reduce_sum3A_134 = vector.broadcast %reduce_sum3A_133 : i1 to vector<16xi1>
      %reduce_sum3A_135 = tpu.scan <sum>, %add3A_132 masked %reduce_sum3A_134 : vector<16xf32>, vector<16xi1> -> vector<16xf32>
      %reduce_sum3A_136 = vector.extract %reduce_sum3A_135[15] : f32 from vector<16xf32>
      %eq3A_137 = arith.constant 1 : i32
      %eq3A_138 = vector.broadcast %eq3A_137 : i32 to vector<16xi32>
      %eq3A_139 = arith.cmpi eq, %iota3A, %eq3A_138 : vector<16xi32>
      %jit3A_140 = arith.constant 0.000000e+00 : f32
      %broadcast_in_dim3A_141 = vector.broadcast %reduce_sum3A_136 : f32 to vector<16xf32>
      %broadcast_in_dim3A_142 = vector.broadcast %jit3A_140 : f32 to vector<16xf32>
      %select_n3A_143 = arith.select %eq3A_139, %broadcast_in_dim3A_141, %broadcast_in_dim3A_142 : vector<16xi1>, vector<16xf32>
      %add3A_144 = arith.addf %add3A_108, %select_n3A_143 : vector<16xf32>
      %slice3A_145 = vector.extract_strided_slice %get3A_81 {offsets = [2], sizes = [1], strides = [1]} : vector<16xi32> to vector<1xi32>
      %squeeze3A_146 = vector.extract %slice3A_145[0] : i32 from vector<1xi32>
      %and3A_147 = arith.constant 3 : i32
      %and3A_148 = arith.andi %squeeze3A_146, %and3A_147 : i32
      %mul3A_149 = arith.constant 32 : i32
      %mul3A_150 = arith.muli %and3A_148, %mul3A_149 : i32
      %add3A_151 = vector.broadcast %mul3A_150 : i32 to vector<16xi32>
      %add3A_152 = arith.addi %add3A_151, %iota3A : vector<16xi32>
      %add3A_153 = arith.constant 2 : i32
      %add3A_154 = arith.addi %mul3A_69, %add3A_153 : i32
      %broadcast_in_dim3A_155 = vector.broadcast %add3A_154 : i32 to vector<16xi32>
      %gather3A_156 = tpu.vector_load_idx %arg10[%broadcast_in_dim3A_155, %add3A_152] : memref<256x128xf32, #tpu.memory_space<vmem>>[vector<16xi32>, vector<16xi32>], vector<16xf32>,
      %gather3A_157 = tpu.vector_load_idx %arg11[%broadcast_in_dim3A_155, %add3A_152] : memref<256x128xf32, #tpu.memory_space<vmem>>[vector<16xi32>, vector<16xi32>], vector<16xf32>,
      %mul3A_158 = arith.mulf %gather3A_156, %gather3A_157 : vector<16xf32>
      %add3A_159 = arith.constant 16 : i32
      %add3A_160 = vector.broadcast %add3A_159 : i32 to vector<16xi32>
      %add3A_161 = arith.addi %add3A_152, %add3A_160 : vector<16xi32>
      %gather3A_162 = tpu.vector_load_idx %arg10[%broadcast_in_dim3A_155, %add3A_161] : memref<256x128xf32, #tpu.memory_space<vmem>>[vector<16xi32>, vector<16xi32>], vector<16xf32>,
      %add3A_163 = arith.constant 16 : i32
      %add3A_164 = vector.broadcast %add3A_163 : i32 to vector<16xi32>
      %add3A_165 = arith.addi %add3A_152, %add3A_164 : vector<16xi32>
      %gather3A_166 = tpu.vector_load_idx %arg11[%broadcast_in_dim3A_155, %add3A_165] : memref<256x128xf32, #tpu.memory_space<vmem>>[vector<16xi32>, vector<16xi32>], vector<16xf32>,
      %mul3A_167 = arith.mulf %gather3A_162, %gather3A_166 : vector<16xf32>
      %add3A_168 = arith.addf %mul3A_158, %mul3A_167 : vector<16xf32>
      %reduce_sum3A_169 = arith.constant true
      %reduce_sum3A_170 = vector.broadcast %reduce_sum3A_169 : i1 to vector<16xi1>
      %reduce_sum3A_171 = tpu.scan <sum>, %add3A_168 masked %reduce_sum3A_170 : vector<16xf32>, vector<16xi1> -> vector<16xf32>
      %reduce_sum3A_172 = vector.extract %reduce_sum3A_171[15] : f32 from vector<16xf32>
      %eq3A_173 = arith.constant 2 : i32
      %eq3A_174 = vector.broadcast %eq3A_173 : i32 to vector<16xi32>
      %eq3A_175 = arith.cmpi eq, %iota3A, %eq3A_174 : vector<16xi32>
      %jit3A_176 = arith.constant 0.000000e+00 : f32
      %broadcast_in_dim3A_177 = vector.broadcast %reduce_sum3A_172 : f32 to vector<16xf32>
      %broadcast_in_dim3A_178 = vector.broadcast %jit3A_176 : f32 to vector<16xf32>
      %select_n3A_179 = arith.select %eq3A_175, %broadcast_in_dim3A_177, %broadcast_in_dim3A_178 : vector<16xi1>, vector<16xf32>
      %add3A_180 = arith.addf %add3A_144, %select_n3A_179 : vector<16xf32>
      %slice3A_181 = vector.extract_strided_slice %get3A_81 {offsets = [3], sizes = [1], strides = [1]} : vector<16xi32> to vector<1xi32>
      %squeeze3A_182 = vector.extract %slice3A_181[0] : i32 from vector<1xi32>
      %and3A_183 = arith.constant 3 : i32
      %and3A_184 = arith.andi %squeeze3A_182, %and3A_183 : i32
      %mul3A_185 = arith.constant 32 : i32
      %mul3A_186 = arith.muli %and3A_184, %mul3A_185 : i32
      %add3A_187 = vector.broadcast %mul3A_186 : i32 to vector<16xi32>
      %add3A_188 = arith.addi %add3A_187, %iota3A : vector<16xi32>
      %add3A_189 = arith.constant 3 : i32
      %add3A_190 = arith.addi %mul3A_69, %add3A_189 : i32
      %broadcast_in_dim3A_191 = vector.broadcast %add3A_190 : i32 to vector<16xi32>
      %gather3A_192 = tpu.vector_load_idx %arg10[%broadcast_in_dim3A_191, %add3A_188] : memref<256x128xf32, #tpu.memory_space<vmem>>[vector<16xi32>, vector<16xi32>], vector<16xf32>,
      %gather3A_193 = tpu.vector_load_idx %arg11[%broadcast_in_dim3A_191, %add3A_188] : memref<256x128xf32, #tpu.memory_space<vmem>>[vector<16xi32>, vector<16xi32>], vector<16xf32>,
      %mul3A_194 = arith.mulf %gather3A_192, %gather3A_193 : vector<16xf32>
      %add3A_195 = arith.constant 16 : i32
      %add3A_196 = vector.broadcast %add3A_195 : i32 to vector<16xi32>
      %add3A_197 = arith.addi %add3A_188, %add3A_196 : vector<16xi32>
      %gather3A_198 = tpu.vector_load_idx %arg10[%broadcast_in_dim3A_191, %add3A_197] : memref<256x128xf32, #tpu.memory_space<vmem>>[vector<16xi32>, vector<16xi32>], vector<16xf32>,
      %add3A_199 = arith.constant 16 : i32
      %add3A_200 = vector.broadcast %add3A_199 : i32 to vector<16xi32>
      %add3A_201 = arith.addi %add3A_188, %add3A_200 : vector<16xi32>
      %gather3A_202 = tpu.vector_load_idx %arg11[%broadcast_in_dim3A_191, %add3A_201] : memref<256x128xf32, #tpu.memory_space<vmem>>[vector<16xi32>, vector<16xi32>], vector<16xf32>,
      %mul3A_203 = arith.mulf %gather3A_198, %gather3A_202 : vector<16xf32>
      %add3A_204 = arith.addf %mul3A_194, %mul3A_203 : vector<16xf32>
      %reduce_sum3A_205 = arith.constant true
      %reduce_sum3A_206 = vector.broadcast %reduce_sum3A_205 : i1 to vector<16xi1>
      %reduce_sum3A_207 = tpu.scan <sum>, %add3A_204 masked %reduce_sum3A_206 : vector<16xf32>, vector<16xi1> -> vector<16xf32>
      %reduce_sum3A_208 = vector.extract %reduce_sum3A_207[15] : f32 from vector<16xf32>
      %eq3A_209 = arith.constant 3 : i32
      %eq3A_210 = vector.broadcast %eq3A_209 : i32 to vector<16xi32>
      %eq3A_211 = arith.cmpi eq, %iota3A, %eq3A_210 : vector<16xi32>
      %jit3A_212 = arith.constant 0.000000e+00 : f32
      %broadcast_in_dim3A_213 = vector.broadcast %reduce_sum3A_208 : f32 to vector<16xf32>
      %broadcast_in_dim3A_214 = vector.broadcast %jit3A_212 : f32 to vector<16xf32>
      %select_n3A_215 = arith.select %eq3A_211, %broadcast_in_dim3A_213, %broadcast_in_dim3A_214 : vector<16xi1>, vector<16xf32>
      %add3A_216 = arith.addf %add3A_180, %select_n3A_215 : vector<16xf32>
      %slice3A_217 = vector.extract_strided_slice %get3A_81 {offsets = [4], sizes = [1], strides = [1]} : vector<16xi32> to vector<1xi32>
      %squeeze3A_218 = vector.extract %slice3A_217[0] : i32 from vector<1xi32>
      %and3A_219 = arith.constant 3 : i32
      %and3A_220 = arith.andi %squeeze3A_218, %and3A_219 : i32
      %mul3A_221 = arith.constant 32 : i32
      %mul3A_222 = arith.muli %and3A_220, %mul3A_221 : i32
      %add3A_223 = vector.broadcast %mul3A_222 : i32 to vector<16xi32>
      %add3A_224 = arith.addi %add3A_223, %iota3A : vector<16xi32>
      %add3A_225 = arith.constant 4 : i32
      %add3A_226 = arith.addi %mul3A_69, %add3A_225 : i32
      %broadcast_in_dim3A_227 = vector.broadcast %add3A_226 : i32 to vector<16xi32>
      %gather3A_228 = tpu.vector_load_idx %arg10[%broadcast_in_dim3A_227, %add3A_224] : memref<256x128xf32, #tpu.memory_space<vmem>>[vector<16xi32>, vector<16xi32>], vector<16xf32>,
      %gather3A_229 = tpu.vector_load_idx %arg11[%broadcast_in_dim3A_227, %add3A_224] : memref<256x128xf32, #tpu.memory_space<vmem>>[vector<16xi32>, vector<16xi32>], vector<16xf32>,
      %mul3A_230 = arith.mulf %gather3A_228, %gather3A_229 : vector<16xf32>
      %add3A_231 = arith.constant 16 : i32
      %add3A_232 = vector.broadcast %add3A_231 : i32 to vector<16xi32>
      %add3A_233 = arith.addi %add3A_224, %add3A_232 : vector<16xi32>
      %gather3A_234 = tpu.vector_load_idx %arg10[%broadcast_in_dim3A_227, %add3A_233] : memref<256x128xf32, #tpu.memory_space<vmem>>[vector<16xi32>, vector<16xi32>], vector<16xf32>,
      %add3A_235 = arith.constant 16 : i32
      %add3A_236 = vector.broadcast %add3A_235 : i32 to vector<16xi32>
      %add3A_237 = arith.addi %add3A_224, %add3A_236 : vector<16xi32>
      %gather3A_238 = tpu.vector_load_idx %arg11[%broadcast_in_dim3A_227, %add3A_237] : memref<256x128xf32, #tpu.memory_space<vmem>>[vector<16xi32>, vector<16xi32>], vector<16xf32>,
      %mul3A_239 = arith.mulf %gather3A_234, %gather3A_238 : vector<16xf32>
      %add3A_240 = arith.addf %mul3A_230, %mul3A_239 : vector<16xf32>
      %reduce_sum3A_241 = arith.constant true
      %reduce_sum3A_242 = vector.broadcast %reduce_sum3A_241 : i1 to vector<16xi1>
      %reduce_sum3A_243 = tpu.scan <sum>, %add3A_240 masked %reduce_sum3A_242 : vector<16xf32>, vector<16xi1> -> vector<16xf32>
      %reduce_sum3A_244 = vector.extract %reduce_sum3A_243[15] : f32 from vector<16xf32>
      %eq3A_245 = arith.constant 4 : i32
      %eq3A_246 = vector.broadcast %eq3A_245 : i32 to vector<16xi32>
      %eq3A_247 = arith.cmpi eq, %iota3A, %eq3A_246 : vector<16xi32>
      %jit3A_248 = arith.constant 0.000000e+00 : f32
      %broadcast_in_dim3A_249 = vector.broadcast %reduce_sum3A_244 : f32 to vector<16xf32>
      %broadcast_in_dim3A_250 = vector.broadcast %jit3A_248 : f32 to vector<16xf32>
      %select_n3A_251 = arith.select %eq3A_247, %broadcast_in_dim3A_249, %broadcast_in_dim3A_250 : vector<16xi1>, vector<16xf32>
      %add3A_252 = arith.addf %add3A_216, %select_n3A_251 : vector<16xf32>
      %slice3A_253 = vector.extract_strided_slice %get3A_81 {offsets = [5], sizes = [1], strides = [1]} : vector<16xi32> to vector<1xi32>
      %squeeze3A_254 = vector.extract %slice3A_253[0] : i32 from vector<1xi32>
      %and3A_255 = arith.constant 3 : i32
      %and3A_256 = arith.andi %squeeze3A_254, %and3A_255 : i32
      %mul3A_257 = arith.constant 32 : i32
      %mul3A_258 = arith.muli %and3A_256, %mul3A_257 : i32
      %add3A_259 = vector.broadcast %mul3A_258 : i32 to vector<16xi32>
      %add3A_260 = arith.addi %add3A_259, %iota3A : vector<16xi32>
      %add3A_261 = arith.constant 5 : i32
      %add3A_262 = arith.addi %mul3A_69, %add3A_261 : i32
      %broadcast_in_dim3A_263 = vector.broadcast %add3A_262 : i32 to vector<16xi32>
      %gather3A_264 = tpu.vector_load_idx %arg10[%broadcast_in_dim3A_263, %add3A_260] : memref<256x128xf32, #tpu.memory_space<vmem>>[vector<16xi32>, vector<16xi32>], vector<16xf32>,
      %gather3A_265 = tpu.vector_load_idx %arg11[%broadcast_in_dim3A_263, %add3A_260] : memref<256x128xf32, #tpu.memory_space<vmem>>[vector<16xi32>, vector<16xi32>], vector<16xf32>,
      %mul3A_266 = arith.mulf %gather3A_264, %gather3A_265 : vector<16xf32>
      %add3A_267 = arith.constant 16 : i32
      %add3A_268 = vector.broadcast %add3A_267 : i32 to vector<16xi32>
      %add3A_269 = arith.addi %add3A_260, %add3A_268 : vector<16xi32>
      %gather3A_270 = tpu.vector_load_idx %arg10[%broadcast_in_dim3A_263, %add3A_269] : memref<256x128xf32, #tpu.memory_space<vmem>>[vector<16xi32>, vector<16xi32>], vector<16xf32>,
      %add3A_271 = arith.constant 16 : i32
      %add3A_272 = vector.broadcast %add3A_271 : i32 to vector<16xi32>
      %add3A_273 = arith.addi %add3A_260, %add3A_272 : vector<16xi32>
      %gather3A_274 = tpu.vector_load_idx %arg11[%broadcast_in_dim3A_263, %add3A_273] : memref<256x128xf32, #tpu.memory_space<vmem>>[vector<16xi32>, vector<16xi32>], vector<16xf32>,
      %mul3A_275 = arith.mulf %gather3A_270, %gather3A_274 : vector<16xf32>
      %add3A_276 = arith.addf %mul3A_266, %mul3A_275 : vector<16xf32>
      %reduce_sum3A_277 = arith.constant true
      %reduce_sum3A_278 = vector.broadcast %reduce_sum3A_277 : i1 to vector<16xi1>
      %reduce_sum3A_279 = tpu.scan <sum>, %add3A_276 masked %reduce_sum3A_278 : vector<16xf32>, vector<16xi1> -> vector<16xf32>
      %reduce_sum3A_280 = vector.extract %reduce_sum3A_279[15] : f32 from vector<16xf32>
      %eq3A_281 = arith.constant 5 : i32
      %eq3A_282 = vector.broadcast %eq3A_281 : i32 to vector<16xi32>
      %eq3A_283 = arith.cmpi eq, %iota3A, %eq3A_282 : vector<16xi32>
      %jit3A_284 = arith.constant 0.000000e+00 : f32
      %broadcast_in_dim3A_285 = vector.broadcast %reduce_sum3A_280 : f32 to vector<16xf32>
      %broadcast_in_dim3A_286 = vector.broadcast %jit3A_284 : f32 to vector<16xf32>
      %select_n3A_287 = arith.select %eq3A_283, %broadcast_in_dim3A_285, %broadcast_in_dim3A_286 : vector<16xi1>, vector<16xf32>
      %add3A_288 = arith.addf %add3A_252, %select_n3A_287 : vector<16xf32>
      %slice3A_289 = vector.extract_strided_slice %get3A_81 {offsets = [6], sizes = [1], strides = [1]} : vector<16xi32> to vector<1xi32>
      %squeeze3A_290 = vector.extract %slice3A_289[0] : i32 from vector<1xi32>
      %and3A_291 = arith.constant 3 : i32
      %and3A_292 = arith.andi %squeeze3A_290, %and3A_291 : i32
      %mul3A_293 = arith.constant 32 : i32
      %mul3A_294 = arith.muli %and3A_292, %mul3A_293 : i32
      %add3A_295 = vector.broadcast %mul3A_294 : i32 to vector<16xi32>
      %add3A_296 = arith.addi %add3A_295, %iota3A : vector<16xi32>
      %add3A_297 = arith.constant 6 : i32
      %add3A_298 = arith.addi %mul3A_69, %add3A_297 : i32
      %broadcast_in_dim3A_299 = vector.broadcast %add3A_298 : i32 to vector<16xi32>
      %gather3A_300 = tpu.vector_load_idx %arg10[%broadcast_in_dim3A_299, %add3A_296] : memref<256x128xf32, #tpu.memory_space<vmem>>[vector<16xi32>, vector<16xi32>], vector<16xf32>,
      %gather3A_301 = tpu.vector_load_idx %arg11[%broadcast_in_dim3A_299, %add3A_296] : memref<256x128xf32, #tpu.memory_space<vmem>>[vector<16xi32>, vector<16xi32>], vector<16xf32>,
      %mul3A_302 = arith.mulf %gather3A_300, %gather3A_301 : vector<16xf32>
      %add3A_303 = arith.constant 16 : i32
      %add3A_304 = vector.broadcast %add3A_303 : i32 to vector<16xi32>
      %add3A_305 = arith.addi %add3A_296, %add3A_304 : vector<16xi32>
      %gather3A_306 = tpu.vector_load_idx %arg10[%broadcast_in_dim3A_299, %add3A_305] : memref<256x128xf32, #tpu.memory_space<vmem>>[vector<16xi32>, vector<16xi32>], vector<16xf32>,
      %add3A_307 = arith.constant 16 : i32
      %add3A_308 = vector.broadcast %add3A_307 : i32 to vector<16xi32>
      %add3A_309 = arith.addi %add3A_296, %add3A_308 : vector<16xi32>
      %gather3A_310 = tpu.vector_load_idx %arg11[%broadcast_in_dim3A_299, %add3A_309] : memref<256x128xf32, #tpu.memory_space<vmem>>[vector<16xi32>, vector<16xi32>], vector<16xf32>,
      %mul3A_311 = arith.mulf %gather3A_306, %gather3A_310 : vector<16xf32>
      %add3A_312 = arith.addf %mul3A_302, %mul3A_311 : vector<16xf32>
      %reduce_sum3A_313 = arith.constant true
      %reduce_sum3A_314 = vector.broadcast %reduce_sum3A_313 : i1 to vector<16xi1>
      %reduce_sum3A_315 = tpu.scan <sum>, %add3A_312 masked %reduce_sum3A_314 : vector<16xf32>, vector<16xi1> -> vector<16xf32>
      %reduce_sum3A_316 = vector.extract %reduce_sum3A_315[15] : f32 from vector<16xf32>
      %eq3A_317 = arith.constant 6 : i32
      %eq3A_318 = vector.broadcast %eq3A_317 : i32 to vector<16xi32>
      %eq3A_319 = arith.cmpi eq, %iota3A, %eq3A_318 : vector<16xi32>
      %jit3A_320 = arith.constant 0.000000e+00 : f32
      %broadcast_in_dim3A_321 = vector.broadcast %reduce_sum3A_316 : f32 to vector<16xf32>
      %broadcast_in_dim3A_322 = vector.broadcast %jit3A_320 : f32 to vector<16xf32>
      %select_n3A_323 = arith.select %eq3A_319, %broadcast_in_dim3A_321, %broadcast_in_dim3A_322 : vector<16xi1>, vector<16xf32>
      %add3A_324 = arith.addf %add3A_288, %select_n3A_323 : vector<16xf32>
      %slice3A_325 = vector.extract_strided_slice %get3A_81 {offsets = [7], sizes = [1], strides = [1]} : vector<16xi32> to vector<1xi32>
      %squeeze3A_326 = vector.extract %slice3A_325[0] : i32 from vector<1xi32>
      %and3A_327 = arith.constant 3 : i32
      %and3A_328 = arith.andi %squeeze3A_326, %and3A_327 : i32
      %mul3A_329 = arith.constant 32 : i32
      %mul3A_330 = arith.muli %and3A_328, %mul3A_329 : i32
      %add3A_331 = vector.broadcast %mul3A_330 : i32 to vector<16xi32>
      %add3A_332 = arith.addi %add3A_331, %iota3A : vector<16xi32>
      %add3A_333 = arith.constant 7 : i32
      %add3A_334 = arith.addi %mul3A_69, %add3A_333 : i32
      %broadcast_in_dim3A_335 = vector.broadcast %add3A_334 : i32 to vector<16xi32>
      %gather3A_336 = tpu.vector_load_idx %arg10[%broadcast_in_dim3A_335, %add3A_332] : memref<256x128xf32, #tpu.memory_space<vmem>>[vector<16xi32>, vector<16xi32>], vector<16xf32>,
      %gather3A_337 = tpu.vector_load_idx %arg11[%broadcast_in_dim3A_335, %add3A_332] : memref<256x128xf32, #tpu.memory_space<vmem>>[vector<16xi32>, vector<16xi32>], vector<16xf32>,
      %mul3A_338 = arith.mulf %gather3A_336, %gather3A_337 : vector<16xf32>
      %add3A_339 = arith.constant 16 : i32
      %add3A_340 = vector.broadcast %add3A_339 : i32 to vector<16xi32>
      %add3A_341 = arith.addi %add3A_332, %add3A_340 : vector<16xi32>
      %gather3A_342 = tpu.vector_load_idx %arg10[%broadcast_in_dim3A_335, %add3A_341] : memref<256x128xf32, #tpu.memory_space<vmem>>[vector<16xi32>, vector<16xi32>], vector<16xf32>,
      %add3A_343 = arith.constant 16 : i32
      %add3A_344 = vector.broadcast %add3A_343 : i32 to vector<16xi32>
      %add3A_345 = arith.addi %add3A_332, %add3A_344 : vector<16xi32>
      %gather3A_346 = tpu.vector_load_idx %arg11[%broadcast_in_dim3A_335, %add3A_345] : memref<256x128xf32, #tpu.memory_space<vmem>>[vector<16xi32>, vector<16xi32>], vector<16xf32>,
      %mul3A_347 = arith.mulf %gather3A_342, %gather3A_346 : vector<16xf32>
      %add3A_348 = arith.addf %mul3A_338, %mul3A_347 : vector<16xf32>
      %reduce_sum3A_349 = arith.constant true
      %reduce_sum3A_350 = vector.broadcast %reduce_sum3A_349 : i1 to vector<16xi1>
      %reduce_sum3A_351 = tpu.scan <sum>, %add3A_348 masked %reduce_sum3A_350 : vector<16xf32>, vector<16xi1> -> vector<16xf32>
      %reduce_sum3A_352 = vector.extract %reduce_sum3A_351[15] : f32 from vector<16xf32>
      %eq3A_353 = arith.constant 7 : i32
      %eq3A_354 = vector.broadcast %eq3A_353 : i32 to vector<16xi32>
      %eq3A_355 = arith.cmpi eq, %iota3A, %eq3A_354 : vector<16xi32>
      %jit3A_356 = arith.constant 0.000000e+00 : f32
      %broadcast_in_dim3A_357 = vector.broadcast %reduce_sum3A_352 : f32 to vector<16xf32>
      %broadcast_in_dim3A_358 = vector.broadcast %jit3A_356 : f32 to vector<16xf32>
      %select_n3A_359 = arith.select %eq3A_355, %broadcast_in_dim3A_357, %broadcast_in_dim3A_358 : vector<16xi1>, vector<16xf32>
      %add3A_360 = arith.addf %add3A_324, %select_n3A_359 : vector<16xf32>
      %slice3A_361 = vector.extract_strided_slice %get3A_81 {offsets = [8], sizes = [1], strides = [1]} : vector<16xi32> to vector<1xi32>
      %squeeze3A_362 = vector.extract %slice3A_361[0] : i32 from vector<1xi32>
      %and3A_363 = arith.constant 3 : i32
      %and3A_364 = arith.andi %squeeze3A_362, %and3A_363 : i32
      %mul3A_365 = arith.constant 32 : i32
      %mul3A_366 = arith.muli %and3A_364, %mul3A_365 : i32
      %add3A_367 = vector.broadcast %mul3A_366 : i32 to vector<16xi32>
      %add3A_368 = arith.addi %add3A_367, %iota3A : vector<16xi32>
      %add3A_369 = arith.constant 8 : i32
      %add3A_370 = arith.addi %mul3A_69, %add3A_369 : i32
      %broadcast_in_dim3A_371 = vector.broadcast %add3A_370 : i32 to vector<16xi32>
      %gather3A_372 = tpu.vector_load_idx %arg10[%broadcast_in_dim3A_371, %add3A_368] : memref<256x128xf32, #tpu.memory_space<vmem>>[vector<16xi32>, vector<16xi32>], vector<16xf32>,
      %gather3A_373 = tpu.vector_load_idx %arg11[%broadcast_in_dim3A_371, %add3A_368] : memref<256x128xf32, #tpu.memory_space<vmem>>[vector<16xi32>, vector<16xi32>], vector<16xf32>,
      %mul3A_374 = arith.mulf %gather3A_372, %gather3A_373 : vector<16xf32>
      %add3A_375 = arith.constant 16 : i32
      %add3A_376 = vector.broadcast %add3A_375 : i32 to vector<16xi32>
      %add3A_377 = arith.addi %add3A_368, %add3A_376 : vector<16xi32>
      %gather3A_378 = tpu.vector_load_idx %arg10[%broadcast_in_dim3A_371, %add3A_377] : memref<256x128xf32, #tpu.memory_space<vmem>>[vector<16xi32>, vector<16xi32>], vector<16xf32>,
      %add3A_379 = arith.constant 16 : i32
      %add3A_380 = vector.broadcast %add3A_379 : i32 to vector<16xi32>
      %add3A_381 = arith.addi %add3A_368, %add3A_380 : vector<16xi32>
      %gather3A_382 = tpu.vector_load_idx %arg11[%broadcast_in_dim3A_371, %add3A_381] : memref<256x128xf32, #tpu.memory_space<vmem>>[vector<16xi32>, vector<16xi32>], vector<16xf32>,
      %mul3A_383 = arith.mulf %gather3A_378, %gather3A_382 : vector<16xf32>
      %add3A_384 = arith.addf %mul3A_374, %mul3A_383 : vector<16xf32>
      %reduce_sum3A_385 = arith.constant true
      %reduce_sum3A_386 = vector.broadcast %reduce_sum3A_385 : i1 to vector<16xi1>
      %reduce_sum3A_387 = tpu.scan <sum>, %add3A_384 masked %reduce_sum3A_386 : vector<16xf32>, vector<16xi1> -> vector<16xf32>
      %reduce_sum3A_388 = vector.extract %reduce_sum3A_387[15] : f32 from vector<16xf32>
      %eq3A_389 = arith.constant 8 : i32
      %eq3A_390 = vector.broadcast %eq3A_389 : i32 to vector<16xi32>
      %eq3A_391 = arith.cmpi eq, %iota3A, %eq3A_390 : vector<16xi32>
      %jit3A_392 = arith.constant 0.000000e+00 : f32
      %broadcast_in_dim3A_393 = vector.broadcast %reduce_sum3A_388 : f32 to vector<16xf32>
      %broadcast_in_dim3A_394 = vector.broadcast %jit3A_392 : f32 to vector<16xf32>
      %select_n3A_395 = arith.select %eq3A_391, %broadcast_in_dim3A_393, %broadcast_in_dim3A_394 : vector<16xi1>, vector<16xf32>
      %add3A_396 = arith.addf %add3A_360, %select_n3A_395 : vector<16xf32>
      %slice3A_397 = vector.extract_strided_slice %get3A_81 {offsets = [9], sizes = [1], strides = [1]} : vector<16xi32> to vector<1xi32>
      %squeeze3A_398 = vector.extract %slice3A_397[0] : i32 from vector<1xi32>
      %and3A_399 = arith.constant 3 : i32
      %and3A_400 = arith.andi %squeeze3A_398, %and3A_399 : i32
      %mul3A_401 = arith.constant 32 : i32
      %mul3A_402 = arith.muli %and3A_400, %mul3A_401 : i32
      %add3A_403 = vector.broadcast %mul3A_402 : i32 to vector<16xi32>
      %add3A_404 = arith.addi %add3A_403, %iota3A : vector<16xi32>
      %add3A_405 = arith.constant 9 : i32
      %add3A_406 = arith.addi %mul3A_69, %add3A_405 : i32
      %broadcast_in_dim3A_407 = vector.broadcast %add3A_406 : i32 to vector<16xi32>
      %gather3A_408 = tpu.vector_load_idx %arg10[%broadcast_in_dim3A_407, %add3A_404] : memref<256x128xf32, #tpu.memory_space<vmem>>[vector<16xi32>, vector<16xi32>], vector<16xf32>,
      %gather3A_409 = tpu.vector_load_idx %arg11[%broadcast_in_dim3A_407, %add3A_404] : memref<256x128xf32, #tpu.memory_space<vmem>>[vector<16xi32>, vector<16xi32>], vector<16xf32>,
      %mul3A_410 = arith.mulf %gather3A_408, %gather3A_409 : vector<16xf32>
      %add3A_411 = arith.constant 16 : i32
      %add3A_412 = vector.broadcast %add3A_411 : i32 to vector<16xi32>
      %add3A_413 = arith.addi %add3A_404, %add3A_412 : vector<16xi32>
      %gather3A_414 = tpu.vector_load_idx %arg10[%broadcast_in_dim3A_407, %add3A_413] : memref<256x128xf32, #tpu.memory_space<vmem>>[vector<16xi32>, vector<16xi32>], vector<16xf32>,
      %add3A_415 = arith.constant 16 : i32
      %add3A_416 = vector.broadcast %add3A_415 : i32 to vector<16xi32>
      %add3A_417 = arith.addi %add3A_404, %add3A_416 : vector<16xi32>
      %gather3A_418 = tpu.vector_load_idx %arg11[%broadcast_in_dim3A_407, %add3A_417] : memref<256x128xf32, #tpu.memory_space<vmem>>[vector<16xi32>, vector<16xi32>], vector<16xf32>,
      %mul3A_419 = arith.mulf %gather3A_414, %gather3A_418 : vector<16xf32>
      %add3A_420 = arith.addf %mul3A_410, %mul3A_419 : vector<16xf32>
      %reduce_sum3A_421 = arith.constant true
      %reduce_sum3A_422 = vector.broadcast %reduce_sum3A_421 : i1 to vector<16xi1>
      %reduce_sum3A_423 = tpu.scan <sum>, %add3A_420 masked %reduce_sum3A_422 : vector<16xf32>, vector<16xi1> -> vector<16xf32>
      %reduce_sum3A_424 = vector.extract %reduce_sum3A_423[15] : f32 from vector<16xf32>
      %eq3A_425 = arith.constant 9 : i32
      %eq3A_426 = vector.broadcast %eq3A_425 : i32 to vector<16xi32>
      %eq3A_427 = arith.cmpi eq, %iota3A, %eq3A_426 : vector<16xi32>
      %jit3A_428 = arith.constant 0.000000e+00 : f32
      %broadcast_in_dim3A_429 = vector.broadcast %reduce_sum3A_424 : f32 to vector<16xf32>
      %broadcast_in_dim3A_430 = vector.broadcast %jit3A_428 : f32 to vector<16xf32>
      %select_n3A_431 = arith.select %eq3A_427, %broadcast_in_dim3A_429, %broadcast_in_dim3A_430 : vector<16xi1>, vector<16xf32>
      %add3A_432 = arith.addf %add3A_396, %select_n3A_431 : vector<16xf32>
      %slice3A_433 = vector.extract_strided_slice %get3A_81 {offsets = [10], sizes = [1], strides = [1]} : vector<16xi32> to vector<1xi32>
      %squeeze3A_434 = vector.extract %slice3A_433[0] : i32 from vector<1xi32>
      %and3A_435 = arith.constant 3 : i32
      %and3A_436 = arith.andi %squeeze3A_434, %and3A_435 : i32
      %mul3A_437 = arith.constant 32 : i32
      %mul3A_438 = arith.muli %and3A_436, %mul3A_437 : i32
      %add3A_439 = vector.broadcast %mul3A_438 : i32 to vector<16xi32>
      %add3A_440 = arith.addi %add3A_439, %iota3A : vector<16xi32>
      %add3A_441 = arith.constant 10 : i32
      %add3A_442 = arith.addi %mul3A_69, %add3A_441 : i32
      %broadcast_in_dim3A_443 = vector.broadcast %add3A_442 : i32 to vector<16xi32>
      %gather3A_444 = tpu.vector_load_idx %arg10[%broadcast_in_dim3A_443, %add3A_440] : memref<256x128xf32, #tpu.memory_space<vmem>>[vector<16xi32>, vector<16xi32>], vector<16xf32>,
      %gather3A_445 = tpu.vector_load_idx %arg11[%broadcast_in_dim3A_443, %add3A_440] : memref<256x128xf32, #tpu.memory_space<vmem>>[vector<16xi32>, vector<16xi32>], vector<16xf32>,
      %mul3A_446 = arith.mulf %gather3A_444, %gather3A_445 : vector<16xf32>
      %add3A_447 = arith.constant 16 : i32
      %add3A_448 = vector.broadcast %add3A_447 : i32 to vector<16xi32>
      %add3A_449 = arith.addi %add3A_440, %add3A_448 : vector<16xi32>
      %gather3A_450 = tpu.vector_load_idx %arg10[%broadcast_in_dim3A_443, %add3A_449] : memref<256x128xf32, #tpu.memory_space<vmem>>[vector<16xi32>, vector<16xi32>], vector<16xf32>,
      %add3A_451 = arith.constant 16 : i32
      %add3A_452 = vector.broadcast %add3A_451 : i32 to vector<16xi32>
      %add3A_453 = arith.addi %add3A_440, %add3A_452 : vector<16xi32>
      %gather3A_454 = tpu.vector_load_idx %arg11[%broadcast_in_dim3A_443, %add3A_453] : memref<256x128xf32, #tpu.memory_space<vmem>>[vector<16xi32>, vector<16xi32>], vector<16xf32>,
      %mul3A_455 = arith.mulf %gather3A_450, %gather3A_454 : vector<16xf32>
      %add3A_456 = arith.addf %mul3A_446, %mul3A_455 : vector<16xf32>
      %reduce_sum3A_457 = arith.constant true
      %reduce_sum3A_458 = vector.broadcast %reduce_sum3A_457 : i1 to vector<16xi1>
      %reduce_sum3A_459 = tpu.scan <sum>, %add3A_456 masked %reduce_sum3A_458 : vector<16xf32>, vector<16xi1> -> vector<16xf32>
      %reduce_sum3A_460 = vector.extract %reduce_sum3A_459[15] : f32 from vector<16xf32>
      %eq3A_461 = arith.constant 10 : i32
      %eq3A_462 = vector.broadcast %eq3A_461 : i32 to vector<16xi32>
      %eq3A_463 = arith.cmpi eq, %iota3A, %eq3A_462 : vector<16xi32>
      %jit3A_464 = arith.constant 0.000000e+00 : f32
      %broadcast_in_dim3A_465 = vector.broadcast %reduce_sum3A_460 : f32 to vector<16xf32>
      %broadcast_in_dim3A_466 = vector.broadcast %jit3A_464 : f32 to vector<16xf32>
      %select_n3A_467 = arith.select %eq3A_463, %broadcast_in_dim3A_465, %broadcast_in_dim3A_466 : vector<16xi1>, vector<16xf32>
      %add3A_468 = arith.addf %add3A_432, %select_n3A_467 : vector<16xf32>
      %slice3A_469 = vector.extract_strided_slice %get3A_81 {offsets = [11], sizes = [1], strides = [1]} : vector<16xi32> to vector<1xi32>
      %squeeze3A_470 = vector.extract %slice3A_469[0] : i32 from vector<1xi32>
      %and3A_471 = arith.constant 3 : i32
      %and3A_472 = arith.andi %squeeze3A_470, %and3A_471 : i32
      %mul3A_473 = arith.constant 32 : i32
      %mul3A_474 = arith.muli %and3A_472, %mul3A_473 : i32
      %add3A_475 = vector.broadcast %mul3A_474 : i32 to vector<16xi32>
      %add3A_476 = arith.addi %add3A_475, %iota3A : vector<16xi32>
      %add3A_477 = arith.constant 11 : i32
      %add3A_478 = arith.addi %mul3A_69, %add3A_477 : i32
      %broadcast_in_dim3A_479 = vector.broadcast %add3A_478 : i32 to vector<16xi32>
      %gather3A_480 = tpu.vector_load_idx %arg10[%broadcast_in_dim3A_479, %add3A_476] : memref<256x128xf32, #tpu.memory_space<vmem>>[vector<16xi32>, vector<16xi32>], vector<16xf32>,
      %gather3A_481 = tpu.vector_load_idx %arg11[%broadcast_in_dim3A_479, %add3A_476] : memref<256x128xf32, #tpu.memory_space<vmem>>[vector<16xi32>, vector<16xi32>], vector<16xf32>,
      %mul3A_482 = arith.mulf %gather3A_480, %gather3A_481 : vector<16xf32>
      %add3A_483 = arith.constant 16 : i32
      %add3A_484 = vector.broadcast %add3A_483 : i32 to vector<16xi32>
      %add3A_485 = arith.addi %add3A_476, %add3A_484 : vector<16xi32>
      %gather3A_486 = tpu.vector_load_idx %arg10[%broadcast_in_dim3A_479, %add3A_485] : memref<256x128xf32, #tpu.memory_space<vmem>>[vector<16xi32>, vector<16xi32>], vector<16xf32>,
      %add3A_487 = arith.constant 16 : i32
      %add3A_488 = vector.broadcast %add3A_487 : i32 to vector<16xi32>
      %add3A_489 = arith.addi %add3A_476, %add3A_488 : vector<16xi32>
      %gather3A_490 = tpu.vector_load_idx %arg11[%broadcast_in_dim3A_479, %add3A_489] : memref<256x128xf32, #tpu.memory_space<vmem>>[vector<16xi32>, vector<16xi32>], vector<16xf32>,
      %mul3A_491 = arith.mulf %gather3A_486, %gather3A_490 : vector<16xf32>
      %add3A_492 = arith.addf %mul3A_482, %mul3A_491 : vector<16xf32>
      %reduce_sum3A_493 = arith.constant true
      %reduce_sum3A_494 = vector.broadcast %reduce_sum3A_493 : i1 to vector<16xi1>
      %reduce_sum3A_495 = tpu.scan <sum>, %add3A_492 masked %reduce_sum3A_494 : vector<16xf32>, vector<16xi1> -> vector<16xf32>
      %reduce_sum3A_496 = vector.extract %reduce_sum3A_495[15] : f32 from vector<16xf32>
      %eq3A_497 = arith.constant 11 : i32
      %eq3A_498 = vector.broadcast %eq3A_497 : i32 to vector<16xi32>
      %eq3A_499 = arith.cmpi eq, %iota3A, %eq3A_498 : vector<16xi32>
      %jit3A_500 = arith.constant 0.000000e+00 : f32
      %broadcast_in_dim3A_501 = vector.broadcast %reduce_sum3A_496 : f32 to vector<16xf32>
      %broadcast_in_dim3A_502 = vector.broadcast %jit3A_500 : f32 to vector<16xf32>
      %select_n3A_503 = arith.select %eq3A_499, %broadcast_in_dim3A_501, %broadcast_in_dim3A_502 : vector<16xi1>, vector<16xf32>
      %add3A_504 = arith.addf %add3A_468, %select_n3A_503 : vector<16xf32>
      %slice3A_505 = vector.extract_strided_slice %get3A_81 {offsets = [12], sizes = [1], strides = [1]} : vector<16xi32> to vector<1xi32>
      %squeeze3A_506 = vector.extract %slice3A_505[0] : i32 from vector<1xi32>
      %and3A_507 = arith.constant 3 : i32
      %and3A_508 = arith.andi %squeeze3A_506, %and3A_507 : i32
      %mul3A_509 = arith.constant 32 : i32
      %mul3A_510 = arith.muli %and3A_508, %mul3A_509 : i32
      %add3A_511 = vector.broadcast %mul3A_510 : i32 to vector<16xi32>
      %add3A_512 = arith.addi %add3A_511, %iota3A : vector<16xi32>
      %add3A_513 = arith.constant 12 : i32
      %add3A_514 = arith.addi %mul3A_69, %add3A_513 : i32
      %broadcast_in_dim3A_515 = vector.broadcast %add3A_514 : i32 to vector<16xi32>
      %gather3A_516 = tpu.vector_load_idx %arg10[%broadcast_in_dim3A_515, %add3A_512] : memref<256x128xf32, #tpu.memory_space<vmem>>[vector<16xi32>, vector<16xi32>], vector<16xf32>,
      %gather3A_517 = tpu.vector_load_idx %arg11[%broadcast_in_dim3A_515, %add3A_512] : memref<256x128xf32, #tpu.memory_space<vmem>>[vector<16xi32>, vector<16xi32>], vector<16xf32>,
      %mul3A_518 = arith.mulf %gather3A_516, %gather3A_517 : vector<16xf32>
      %add3A_519 = arith.constant 16 : i32
      %add3A_520 = vector.broadcast %add3A_519 : i32 to vector<16xi32>
      %add3A_521 = arith.addi %add3A_512, %add3A_520 : vector<16xi32>
      %gather3A_522 = tpu.vector_load_idx %arg10[%broadcast_in_dim3A_515, %add3A_521] : memref<256x128xf32, #tpu.memory_space<vmem>>[vector<16xi32>, vector<16xi32>], vector<16xf32>,
      %add3A_523 = arith.constant 16 : i32
      %add3A_524 = vector.broadcast %add3A_523 : i32 to vector<16xi32>
      %add3A_525 = arith.addi %add3A_512, %add3A_524 : vector<16xi32>
      %gather3A_526 = tpu.vector_load_idx %arg11[%broadcast_in_dim3A_515, %add3A_525] : memref<256x128xf32, #tpu.memory_space<vmem>>[vector<16xi32>, vector<16xi32>], vector<16xf32>,
      %mul3A_527 = arith.mulf %gather3A_522, %gather3A_526 : vector<16xf32>
      %add3A_528 = arith.addf %mul3A_518, %mul3A_527 : vector<16xf32>
      %reduce_sum3A_529 = arith.constant true
      %reduce_sum3A_530 = vector.broadcast %reduce_sum3A_529 : i1 to vector<16xi1>
      %reduce_sum3A_531 = tpu.scan <sum>, %add3A_528 masked %reduce_sum3A_530 : vector<16xf32>, vector<16xi1> -> vector<16xf32>
      %reduce_sum3A_532 = vector.extract %reduce_sum3A_531[15] : f32 from vector<16xf32>
      %eq3A_533 = arith.constant 12 : i32
      %eq3A_534 = vector.broadcast %eq3A_533 : i32 to vector<16xi32>
      %eq3A_535 = arith.cmpi eq, %iota3A, %eq3A_534 : vector<16xi32>
      %jit3A_536 = arith.constant 0.000000e+00 : f32
      %broadcast_in_dim3A_537 = vector.broadcast %reduce_sum3A_532 : f32 to vector<16xf32>
      %broadcast_in_dim3A_538 = vector.broadcast %jit3A_536 : f32 to vector<16xf32>
      %select_n3A_539 = arith.select %eq3A_535, %broadcast_in_dim3A_537, %broadcast_in_dim3A_538 : vector<16xi1>, vector<16xf32>
      %add3A_540 = arith.addf %add3A_504, %select_n3A_539 : vector<16xf32>
      %slice3A_541 = vector.extract_strided_slice %get3A_81 {offsets = [13], sizes = [1], strides = [1]} : vector<16xi32> to vector<1xi32>
      %squeeze3A_542 = vector.extract %slice3A_541[0] : i32 from vector<1xi32>
      %and3A_543 = arith.constant 3 : i32
      %and3A_544 = arith.andi %squeeze3A_542, %and3A_543 : i32
      %mul3A_545 = arith.constant 32 : i32
      %mul3A_546 = arith.muli %and3A_544, %mul3A_545 : i32
      %add3A_547 = vector.broadcast %mul3A_546 : i32 to vector<16xi32>
      %add3A_548 = arith.addi %add3A_547, %iota3A : vector<16xi32>
      %add3A_549 = arith.constant 13 : i32
      %add3A_550 = arith.addi %mul3A_69, %add3A_549 : i32
      %broadcast_in_dim3A_551 = vector.broadcast %add3A_550 : i32 to vector<16xi32>
      %gather3A_552 = tpu.vector_load_idx %arg10[%broadcast_in_dim3A_551, %add3A_548] : memref<256x128xf32, #tpu.memory_space<vmem>>[vector<16xi32>, vector<16xi32>], vector<16xf32>,
      %gather3A_553 = tpu.vector_load_idx %arg11[%broadcast_in_dim3A_551, %add3A_548] : memref<256x128xf32, #tpu.memory_space<vmem>>[vector<16xi32>, vector<16xi32>], vector<16xf32>,
      %mul3A_554 = arith.mulf %gather3A_552, %gather3A_553 : vector<16xf32>
      %add3A_555 = arith.constant 16 : i32
      %add3A_556 = vector.broadcast %add3A_555 : i32 to vector<16xi32>
      %add3A_557 = arith.addi %add3A_548, %add3A_556 : vector<16xi32>
      %gather3A_558 = tpu.vector_load_idx %arg10[%broadcast_in_dim3A_551, %add3A_557] : memref<256x128xf32, #tpu.memory_space<vmem>>[vector<16xi32>, vector<16xi32>], vector<16xf32>,
      %add3A_559 = arith.constant 16 : i32
      %add3A_560 = vector.broadcast %add3A_559 : i32 to vector<16xi32>
      %add3A_561 = arith.addi %add3A_548, %add3A_560 : vector<16xi32>
      %gather3A_562 = tpu.vector_load_idx %arg11[%broadcast_in_dim3A_551, %add3A_561] : memref<256x128xf32, #tpu.memory_space<vmem>>[vector<16xi32>, vector<16xi32>], vector<16xf32>,
      %mul3A_563 = arith.mulf %gather3A_558, %gather3A_562 : vector<16xf32>
      %add3A_564 = arith.addf %mul3A_554, %mul3A_563 : vector<16xf32>
      %reduce_sum3A_565 = arith.constant true
      %reduce_sum3A_566 = vector.broadcast %reduce_sum3A_565 : i1 to vector<16xi1>
      %reduce_sum3A_567 = tpu.scan <sum>, %add3A_564 masked %reduce_sum3A_566 : vector<16xf32>, vector<16xi1> -> vector<16xf32>
      %reduce_sum3A_568 = vector.extract %reduce_sum3A_567[15] : f32 from vector<16xf32>
      %eq3A_569 = arith.constant 13 : i32
      %eq3A_570 = vector.broadcast %eq3A_569 : i32 to vector<16xi32>
      %eq3A_571 = arith.cmpi eq, %iota3A, %eq3A_570 : vector<16xi32>
      %jit3A_572 = arith.constant 0.000000e+00 : f32
      %broadcast_in_dim3A_573 = vector.broadcast %reduce_sum3A_568 : f32 to vector<16xf32>
      %broadcast_in_dim3A_574 = vector.broadcast %jit3A_572 : f32 to vector<16xf32>
      %select_n3A_575 = arith.select %eq3A_571, %broadcast_in_dim3A_573, %broadcast_in_dim3A_574 : vector<16xi1>, vector<16xf32>
      %add3A_576 = arith.addf %add3A_540, %select_n3A_575 : vector<16xf32>
      %slice3A_577 = vector.extract_strided_slice %get3A_81 {offsets = [14], sizes = [1], strides = [1]} : vector<16xi32> to vector<1xi32>
      %squeeze3A_578 = vector.extract %slice3A_577[0] : i32 from vector<1xi32>
      %and3A_579 = arith.constant 3 : i32
      %and3A_580 = arith.andi %squeeze3A_578, %and3A_579 : i32
      %mul3A_581 = arith.constant 32 : i32
      %mul3A_582 = arith.muli %and3A_580, %mul3A_581 : i32
      %add3A_583 = vector.broadcast %mul3A_582 : i32 to vector<16xi32>
      %add3A_584 = arith.addi %add3A_583, %iota3A : vector<16xi32>
      %add3A_585 = arith.constant 14 : i32
      %add3A_586 = arith.addi %mul3A_69, %add3A_585 : i32
      %broadcast_in_dim3A_587 = vector.broadcast %add3A_586 : i32 to vector<16xi32>
      %gather3A_588 = tpu.vector_load_idx %arg10[%broadcast_in_dim3A_587, %add3A_584] : memref<256x128xf32, #tpu.memory_space<vmem>>[vector<16xi32>, vector<16xi32>], vector<16xf32>,
      %gather3A_589 = tpu.vector_load_idx %arg11[%broadcast_in_dim3A_587, %add3A_584] : memref<256x128xf32, #tpu.memory_space<vmem>>[vector<16xi32>, vector<16xi32>], vector<16xf32>,
      %mul3A_590 = arith.mulf %gather3A_588, %gather3A_589 : vector<16xf32>
      %add3A_591 = arith.constant 16 : i32
      %add3A_592 = vector.broadcast %add3A_591 : i32 to vector<16xi32>
      %add3A_593 = arith.addi %add3A_584, %add3A_592 : vector<16xi32>
      %gather3A_594 = tpu.vector_load_idx %arg10[%broadcast_in_dim3A_587, %add3A_593] : memref<256x128xf32, #tpu.memory_space<vmem>>[vector<16xi32>, vector<16xi32>], vector<16xf32>,
      %add3A_595 = arith.constant 16 : i32
      %add3A_596 = vector.broadcast %add3A_595 : i32 to vector<16xi32>
      %add3A_597 = arith.addi %add3A_584, %add3A_596 : vector<16xi32>
      %gather3A_598 = tpu.vector_load_idx %arg11[%broadcast_in_dim3A_587, %add3A_597] : memref<256x128xf32, #tpu.memory_space<vmem>>[vector<16xi32>, vector<16xi32>], vector<16xf32>,
      %mul3A_599 = arith.mulf %gather3A_594, %gather3A_598 : vector<16xf32>
      %add3A_600 = arith.addf %mul3A_590, %mul3A_599 : vector<16xf32>
      %reduce_sum3A_601 = arith.constant true
      %reduce_sum3A_602 = vector.broadcast %reduce_sum3A_601 : i1 to vector<16xi1>
      %reduce_sum3A_603 = tpu.scan <sum>, %add3A_600 masked %reduce_sum3A_602 : vector<16xf32>, vector<16xi1> -> vector<16xf32>
      %reduce_sum3A_604 = vector.extract %reduce_sum3A_603[15] : f32 from vector<16xf32>
      %eq3A_605 = arith.constant 14 : i32
      %eq3A_606 = vector.broadcast %eq3A_605 : i32 to vector<16xi32>
      %eq3A_607 = arith.cmpi eq, %iota3A, %eq3A_606 : vector<16xi32>
      %jit3A_608 = arith.constant 0.000000e+00 : f32
      %broadcast_in_dim3A_609 = vector.broadcast %reduce_sum3A_604 : f32 to vector<16xf32>
      %broadcast_in_dim3A_610 = vector.broadcast %jit3A_608 : f32 to vector<16xf32>
      %select_n3A_611 = arith.select %eq3A_607, %broadcast_in_dim3A_609, %broadcast_in_dim3A_610 : vector<16xi1>, vector<16xf32>
      %add3A_612 = arith.addf %add3A_576, %select_n3A_611 : vector<16xf32>
      %slice3A_613 = vector.extract_strided_slice %get3A_81 {offsets = [15], sizes = [1], strides = [1]} : vector<16xi32> to vector<1xi32>
      %squeeze3A_614 = vector.extract %slice3A_613[0] : i32 from vector<1xi32>
      %and3A_615 = arith.constant 3 : i32
      %and3A_616 = arith.andi %squeeze3A_614, %and3A_615 : i32
      %mul3A_617 = arith.constant 32 : i32
      %mul3A_618 = arith.muli %and3A_616, %mul3A_617 : i32
      %add3A_619 = vector.broadcast %mul3A_618 : i32 to vector<16xi32>
      %add3A_620 = arith.addi %add3A_619, %iota3A : vector<16xi32>
      %add3A_621 = arith.constant 15 : i32
      %add3A_622 = arith.addi %mul3A_69, %add3A_621 : i32
      %broadcast_in_dim3A_623 = vector.broadcast %add3A_622 : i32 to vector<16xi32>
      %gather3A_624 = tpu.vector_load_idx %arg10[%broadcast_in_dim3A_623, %add3A_620] : memref<256x128xf32, #tpu.memory_space<vmem>>[vector<16xi32>, vector<16xi32>], vector<16xf32>,
      %gather3A_625 = tpu.vector_load_idx %arg11[%broadcast_in_dim3A_623, %add3A_620] : memref<256x128xf32, #tpu.memory_space<vmem>>[vector<16xi32>, vector<16xi32>], vector<16xf32>,
      %mul3A_626 = arith.mulf %gather3A_624, %gather3A_625 : vector<16xf32>
      %add3A_627 = arith.constant 16 : i32
      %add3A_628 = vector.broadcast %add3A_627 : i32 to vector<16xi32>
      %add3A_629 = arith.addi %add3A_620, %add3A_628 : vector<16xi32>
      %gather3A_630 = tpu.vector_load_idx %arg10[%broadcast_in_dim3A_623, %add3A_629] : memref<256x128xf32, #tpu.memory_space<vmem>>[vector<16xi32>, vector<16xi32>], vector<16xf32>,
      %add3A_631 = arith.constant 16 : i32
      %add3A_632 = vector.broadcast %add3A_631 : i32 to vector<16xi32>
      %add3A_633 = arith.addi %add3A_620, %add3A_632 : vector<16xi32>
      %gather3A_634 = tpu.vector_load_idx %arg11[%broadcast_in_dim3A_623, %add3A_633] : memref<256x128xf32, #tpu.memory_space<vmem>>[vector<16xi32>, vector<16xi32>], vector<16xf32>,
      %mul3A_635 = arith.mulf %gather3A_630, %gather3A_634 : vector<16xf32>
      %add3A_636 = arith.addf %mul3A_626, %mul3A_635 : vector<16xf32>
      %reduce_sum3A_637 = arith.constant true
      %reduce_sum3A_638 = vector.broadcast %reduce_sum3A_637 : i1 to vector<16xi1>
      %reduce_sum3A_639 = tpu.scan <sum>, %add3A_636 masked %reduce_sum3A_638 : vector<16xf32>, vector<16xi1> -> vector<16xf32>
      %reduce_sum3A_640 = vector.extract %reduce_sum3A_639[15] : f32 from vector<16xf32>
      %eq3A_641 = arith.constant 15 : i32
      %eq3A_642 = vector.broadcast %eq3A_641 : i32 to vector<16xi32>
      %eq3A_643 = arith.cmpi eq, %iota3A, %eq3A_642 : vector<16xi32>
      %jit3A_644 = arith.constant 0.000000e+00 : f32
      %broadcast_in_dim3A_645 = vector.broadcast %reduce_sum3A_640 : f32 to vector<16xf32>
      %broadcast_in_dim3A_646 = vector.broadcast %jit3A_644 : f32 to vector<16xf32>
      %select_n3A_647 = arith.select %eq3A_643, %broadcast_in_dim3A_645, %broadcast_in_dim3A_646 : vector<16xi1>, vector<16xf32>
      %add3A_648 = arith.addf %add3A_612, %select_n3A_647 : vector<16xf32>
      %add3A_649 = arith.constant 0 : i32
      %add3A_650 = arith.addi %add3A_649, %mul3A_69 : i32
      %swap3A = arith.index_cast %add3A_650 : i32 to index
      %swap3A_651 = tpu.vector_load %arg14[%swap3A] {strides = array<i32>} : memref<512xf32, #tpu.memory_space<vmem>>, vector<16xf32>,
      tpu.vector_store %arg14[%swap3A], %add3A_648 {strides = array<i32>} : memref<512xf32, #tpu.memory_space<vmem>>, vector<16xf32>,
    }
    %scan3A_37 = arith.constant 16 : i32
    %dma_start3A_38 = arith.constant 256 : i32
    %dma_start3A_39 = tpu.memref_slice %arg9[%dma_start3A_38] : memref<512xi32, #tpu.memory_space<vmem>> -> memref<256xi32, #tpu.memory_space<vmem>>
    %dma_start3A_40 = arith.constant 0 : i32
    %dma_start3A_41 = arith.constant 0 : i32
    %dma_start3A_42 = tpu.memref_slice %arg3[%dma_start3A_40, %dma_start3A_41] : memref<250000x128xf32, #tpu.memory_space<hbm>> -> memref<250000x128xf32, #tpu.memory_space<hbm>>
    tpu.enqueue_indirect_dma source(%dma_start3A_42 : memref<250000x128xf32, #tpu.memory_space<hbm>>) target(%arg10 : memref<256x128xf32, #tpu.memory_space<vmem>>) offsets(%dma_start3A_39 : memref<256xi32, #tpu.memory_space<vmem>>) semaphore(%arg15 : memref<!tpu.dma_semaphore, #tpu.memory_space<semaphore_mem>>)
    %dma_start3A_43 = arith.constant 256 : i32
    %dma_start3A_44 = tpu.memref_slice %arg9[%dma_start3A_43] : memref<512xi32, #tpu.memory_space<vmem>> -> memref<256xi32, #tpu.memory_space<vmem>>
    %dma_start3A_45 = arith.constant 0 : i32
    %dma_start3A_46 = arith.constant 0 : i32
    %dma_start3A_47 = tpu.memref_slice %arg5[%dma_start3A_45, %dma_start3A_46] : memref<250000x128xf32, #tpu.memory_space<hbm>> -> memref<250000x128xf32, #tpu.memory_space<hbm>>
    tpu.enqueue_indirect_dma source(%dma_start3A_47 : memref<250000x128xf32, #tpu.memory_space<hbm>>) target(%arg11 : memref<256x128xf32, #tpu.memory_space<vmem>>) offsets(%dma_start3A_44 : memref<256xi32, #tpu.memory_space<vmem>>) semaphore(%arg15 : memref<!tpu.dma_semaphore, #tpu.memory_space<semaphore_mem>>)
    %dma_wait3A_48 = arith.constant 256 : i32
    %dma_wait3A_49 = tpu.memref_slice %arg9[%dma_wait3A_48] : memref<512xi32, #tpu.memory_space<vmem>> -> memref<256xi32, #tpu.memory_space<vmem>>
    %dma_wait3A_50 = arith.constant 0 : i32
    %dma_wait3A_51 = arith.constant 0 : i32
    %dma_wait3A_52 = tpu.memref_slice %arg3[%dma_wait3A_50, %dma_wait3A_51] : memref<250000x128xf32, #tpu.memory_space<hbm>> -> memref<250000x128xf32, #tpu.memory_space<hbm>>
    tpu.wait_indirect_dma semaphore(%arg15 : memref<!tpu.dma_semaphore, #tpu.memory_space<semaphore_mem>>) src(%dma_wait3A_52 : memref<250000x128xf32, #tpu.memory_space<hbm>>) dst(%arg10 : memref<256x128xf32, #tpu.memory_space<vmem>>)
    %dma_wait3A_53 = arith.constant 256 : i32
    %dma_wait3A_54 = tpu.memref_slice %arg9[%dma_wait3A_53] : memref<512xi32, #tpu.memory_space<vmem>> -> memref<256xi32, #tpu.memory_space<vmem>>
    %dma_wait3A_55 = arith.constant 0 : i32
    %dma_wait3A_56 = arith.constant 0 : i32
    %dma_wait3A_57 = tpu.memref_slice %arg5[%dma_wait3A_55, %dma_wait3A_56] : memref<250000x128xf32, #tpu.memory_space<hbm>> -> memref<250000x128xf32, #tpu.memory_space<hbm>>
    tpu.wait_indirect_dma semaphore(%arg15 : memref<!tpu.dma_semaphore, #tpu.memory_space<semaphore_mem>>) src(%dma_wait3A_57 : memref<250000x128xf32, #tpu.memory_space<hbm>>) dst(%arg11 : memref<256x128xf32, #tpu.memory_space<vmem>>)
    %scan3A_58 = arith.constant 0 : i32
    %scan3A_59 = arith.constant 16 : i32
    %scan3A_60 = arith.addi %scan3A_58, %scan3A_59 : i32
    %scan3A_61 = arith.constant 1 : i32
    scf.for %scan3A_63 = %scan3A_58 to %scan3A_60 step %scan3A_61  : i32 {
      %mul3A_64 = arith.constant 1 : i32
      %mul3A_65 = arith.muli %scan3A_63, %mul3A_64 : i32
      %add3A_66 = arith.constant 0 : i32
      %add3A_67 = arith.addi %add3A_66, %mul3A_65 : i32
      %mul3A_68 = arith.constant 16 : i32
      %mul3A_69 = arith.muli %add3A_67, %mul3A_68 : i32
      %add3A_70 = arith.constant 256 : i32
      %add3A_71 = arith.addi %add3A_70, %mul3A_69 : i32
      %get3A = arith.index_cast %add3A_71 : i32 to index
      %get3A_72 = tpu.vector_load %arg12[%get3A] {strides = array<i32>} : memref<512xf32, #tpu.memory_space<vmem>>, vector<16xf32>,
      %add3A_73 = arith.constant 256 : i32
      %add3A_74 = arith.addi %add3A_73, %mul3A_69 : i32
      %get3A_75 = arith.index_cast %add3A_74 : i32 to index
      %get3A_76 = tpu.vector_load %arg13[%get3A_75] {strides = array<i32>} : memref<512xf32, #tpu.memory_space<vmem>>, vector<16xf32>,
      %add3A_77 = arith.addf %get3A_72, %get3A_76 : vector<16xf32>
      %add3A_78 = arith.constant 256 : i32
      %add3A_79 = arith.addi %add3A_78, %mul3A_69 : i32
      %get3A_80 = arith.index_cast %add3A_79 : i32 to index
      %get3A_81 = tpu.vector_load %arg8[%get3A_80] {strides = array<i32>} : memref<512xi32, #tpu.memory_space<vmem>>, vector<16xi32>,
      %slice3A = vector.extract_strided_slice %get3A_81 {offsets = [0], sizes = [1], strides = [1]} : vector<16xi32> to vector<1xi32>
      %squeeze3A = vector.extract %slice3A[0] : i32 from vector<1xi32>
      %and3A = arith.constant 3 : i32
      %and3A_82 = arith.andi %squeeze3A, %and3A : i32
      %mul3A_83 = arith.constant 32 : i32
      %mul3A_84 = arith.muli %and3A_82, %mul3A_83 : i32
      %add3A_85 = vector.broadcast %mul3A_84 : i32 to vector<16xi32>
      %add3A_86 = arith.addi %add3A_85, %iota3A : vector<16xi32>
      %add3A_87 = arith.constant 0 : i32
      %add3A_88 = arith.addi %mul3A_69, %add3A_87 : i32
      %broadcast_in_dim3A = vector.broadcast %add3A_88 : i32 to vector<16xi32>
      %gather3A = tpu.vector_load_idx %arg10[%broadcast_in_dim3A, %add3A_86] : memref<256x128xf32, #tpu.memory_space<vmem>>[vector<16xi32>, vector<16xi32>], vector<16xf32>,
      %gather3A_89 = tpu.vector_load_idx %arg11[%broadcast_in_dim3A, %add3A_86] : memref<256x128xf32, #tpu.memory_space<vmem>>[vector<16xi32>, vector<16xi32>], vector<16xf32>,
      %mul3A_90 = arith.mulf %gather3A, %gather3A_89 : vector<16xf32>
      %add3A_91 = arith.constant 16 : i32
      %add3A_92 = vector.broadcast %add3A_91 : i32 to vector<16xi32>
      %add3A_93 = arith.addi %add3A_86, %add3A_92 : vector<16xi32>
      %gather3A_94 = tpu.vector_load_idx %arg10[%broadcast_in_dim3A, %add3A_93] : memref<256x128xf32, #tpu.memory_space<vmem>>[vector<16xi32>, vector<16xi32>], vector<16xf32>,
      %add3A_95 = arith.constant 16 : i32
      %add3A_96 = vector.broadcast %add3A_95 : i32 to vector<16xi32>
      %add3A_97 = arith.addi %add3A_86, %add3A_96 : vector<16xi32>
      %gather3A_98 = tpu.vector_load_idx %arg11[%broadcast_in_dim3A, %add3A_97] : memref<256x128xf32, #tpu.memory_space<vmem>>[vector<16xi32>, vector<16xi32>], vector<16xf32>,
      %mul3A_99 = arith.mulf %gather3A_94, %gather3A_98 : vector<16xf32>
      %add3A_100 = arith.addf %mul3A_90, %mul3A_99 : vector<16xf32>
      %reduce_sum3A = arith.constant true
      %reduce_sum3A_101 = vector.broadcast %reduce_sum3A : i1 to vector<16xi1>
      %reduce_sum3A_102 = tpu.scan <sum>, %add3A_100 masked %reduce_sum3A_101 : vector<16xf32>, vector<16xi1> -> vector<16xf32>
      %reduce_sum3A_103 = vector.extract %reduce_sum3A_102[15] : f32 from vector<16xf32>
      %eq3A = arith.constant 0 : i32
      %eq3A_104 = vector.broadcast %eq3A : i32 to vector<16xi32>
      %eq3A_105 = arith.cmpi eq, %iota3A, %eq3A_104 : vector<16xi32>
      %jit3A = arith.constant 0.000000e+00 : f32
      %broadcast_in_dim3A_106 = vector.broadcast %reduce_sum3A_103 : f32 to vector<16xf32>
      %broadcast_in_dim3A_107 = vector.broadcast %jit3A : f32 to vector<16xf32>
      %select_n3A = arith.select %eq3A_105, %broadcast_in_dim3A_106, %broadcast_in_dim3A_107 : vector<16xi1>, vector<16xf32>
      %add3A_108 = arith.addf %add3A_77, %select_n3A : vector<16xf32>
      %slice3A_109 = vector.extract_strided_slice %get3A_81 {offsets = [1], sizes = [1], strides = [1]} : vector<16xi32> to vector<1xi32>
      %squeeze3A_110 = vector.extract %slice3A_109[0] : i32 from vector<1xi32>
      %and3A_111 = arith.constant 3 : i32
      %and3A_112 = arith.andi %squeeze3A_110, %and3A_111 : i32
      %mul3A_113 = arith.constant 32 : i32
      %mul3A_114 = arith.muli %and3A_112, %mul3A_113 : i32
      %add3A_115 = vector.broadcast %mul3A_114 : i32 to vector<16xi32>
      %add3A_116 = arith.addi %add3A_115, %iota3A : vector<16xi32>
      %add3A_117 = arith.constant 1 : i32
      %add3A_118 = arith.addi %mul3A_69, %add3A_117 : i32
      %broadcast_in_dim3A_119 = vector.broadcast %add3A_118 : i32 to vector<16xi32>
      %gather3A_120 = tpu.vector_load_idx %arg10[%broadcast_in_dim3A_119, %add3A_116] : memref<256x128xf32, #tpu.memory_space<vmem>>[vector<16xi32>, vector<16xi32>], vector<16xf32>,
      %gather3A_121 = tpu.vector_load_idx %arg11[%broadcast_in_dim3A_119, %add3A_116] : memref<256x128xf32, #tpu.memory_space<vmem>>[vector<16xi32>, vector<16xi32>], vector<16xf32>,
      %mul3A_122 = arith.mulf %gather3A_120, %gather3A_121 : vector<16xf32>
      %add3A_123 = arith.constant 16 : i32
      %add3A_124 = vector.broadcast %add3A_123 : i32 to vector<16xi32>
      %add3A_125 = arith.addi %add3A_116, %add3A_124 : vector<16xi32>
      %gather3A_126 = tpu.vector_load_idx %arg10[%broadcast_in_dim3A_119, %add3A_125] : memref<256x128xf32, #tpu.memory_space<vmem>>[vector<16xi32>, vector<16xi32>], vector<16xf32>,
      %add3A_127 = arith.constant 16 : i32
      %add3A_128 = vector.broadcast %add3A_127 : i32 to vector<16xi32>
      %add3A_129 = arith.addi %add3A_116, %add3A_128 : vector<16xi32>
      %gather3A_130 = tpu.vector_load_idx %arg11[%broadcast_in_dim3A_119, %add3A_129] : memref<256x128xf32, #tpu.memory_space<vmem>>[vector<16xi32>, vector<16xi32>], vector<16xf32>,
      %mul3A_131 = arith.mulf %gather3A_126, %gather3A_130 : vector<16xf32>
      %add3A_132 = arith.addf %mul3A_122, %mul3A_131 : vector<16xf32>
      %reduce_sum3A_133 = arith.constant true
      %reduce_sum3A_134 = vector.broadcast %reduce_sum3A_133 : i1 to vector<16xi1>
      %reduce_sum3A_135 = tpu.scan <sum>, %add3A_132 masked %reduce_sum3A_134 : vector<16xf32>, vector<16xi1> -> vector<16xf32>
      %reduce_sum3A_136 = vector.extract %reduce_sum3A_135[15] : f32 from vector<16xf32>
      %eq3A_137 = arith.constant 1 : i32
      %eq3A_138 = vector.broadcast %eq3A_137 : i32 to vector<16xi32>
      %eq3A_139 = arith.cmpi eq, %iota3A, %eq3A_138 : vector<16xi32>
      %jit3A_140 = arith.constant 0.000000e+00 : f32
      %broadcast_in_dim3A_141 = vector.broadcast %reduce_sum3A_136 : f32 to vector<16xf32>
      %broadcast_in_dim3A_142 = vector.broadcast %jit3A_140 : f32 to vector<16xf32>
      %select_n3A_143 = arith.select %eq3A_139, %broadcast_in_dim3A_141, %broadcast_in_dim3A_142 : vector<16xi1>, vector<16xf32>
      %add3A_144 = arith.addf %add3A_108, %select_n3A_143 : vector<16xf32>
      %slice3A_145 = vector.extract_strided_slice %get3A_81 {offsets = [2], sizes = [1], strides = [1]} : vector<16xi32> to vector<1xi32>
      %squeeze3A_146 = vector.extract %slice3A_145[0] : i32 from vector<1xi32>
      %and3A_147 = arith.constant 3 : i32
      %and3A_148 = arith.andi %squeeze3A_146, %and3A_147 : i32
      %mul3A_149 = arith.constant 32 : i32
      %mul3A_150 = arith.muli %and3A_148, %mul3A_149 : i32
      %add3A_151 = vector.broadcast %mul3A_150 : i32 to vector<16xi32>
      %add3A_152 = arith.addi %add3A_151, %iota3A : vector<16xi32>
      %add3A_153 = arith.constant 2 : i32
      %add3A_154 = arith.addi %mul3A_69, %add3A_153 : i32
      %broadcast_in_dim3A_155 = vector.broadcast %add3A_154 : i32 to vector<16xi32>
      %gather3A_156 = tpu.vector_load_idx %arg10[%broadcast_in_dim3A_155, %add3A_152] : memref<256x128xf32, #tpu.memory_space<vmem>>[vector<16xi32>, vector<16xi32>], vector<16xf32>,
      %gather3A_157 = tpu.vector_load_idx %arg11[%broadcast_in_dim3A_155, %add3A_152] : memref<256x128xf32, #tpu.memory_space<vmem>>[vector<16xi32>, vector<16xi32>], vector<16xf32>,
      %mul3A_158 = arith.mulf %gather3A_156, %gather3A_157 : vector<16xf32>
      %add3A_159 = arith.constant 16 : i32
      %add3A_160 = vector.broadcast %add3A_159 : i32 to vector<16xi32>
      %add3A_161 = arith.addi %add3A_152, %add3A_160 : vector<16xi32>
      %gather3A_162 = tpu.vector_load_idx %arg10[%broadcast_in_dim3A_155, %add3A_161] : memref<256x128xf32, #tpu.memory_space<vmem>>[vector<16xi32>, vector<16xi32>], vector<16xf32>,
      %add3A_163 = arith.constant 16 : i32
      %add3A_164 = vector.broadcast %add3A_163 : i32 to vector<16xi32>
      %add3A_165 = arith.addi %add3A_152, %add3A_164 : vector<16xi32>
      %gather3A_166 = tpu.vector_load_idx %arg11[%broadcast_in_dim3A_155, %add3A_165] : memref<256x128xf32, #tpu.memory_space<vmem>>[vector<16xi32>, vector<16xi32>], vector<16xf32>,
      %mul3A_167 = arith.mulf %gather3A_162, %gather3A_166 : vector<16xf32>
      %add3A_168 = arith.addf %mul3A_158, %mul3A_167 : vector<16xf32>
      %reduce_sum3A_169 = arith.constant true
      %reduce_sum3A_170 = vector.broadcast %reduce_sum3A_169 : i1 to vector<16xi1>
      %reduce_sum3A_171 = tpu.scan <sum>, %add3A_168 masked %reduce_sum3A_170 : vector<16xf32>, vector<16xi1> -> vector<16xf32>
      %reduce_sum3A_172 = vector.extract %reduce_sum3A_171[15] : f32 from vector<16xf32>
      %eq3A_173 = arith.constant 2 : i32
      %eq3A_174 = vector.broadcast %eq3A_173 : i32 to vector<16xi32>
      %eq3A_175 = arith.cmpi eq, %iota3A, %eq3A_174 : vector<16xi32>
      %jit3A_176 = arith.constant 0.000000e+00 : f32
      %broadcast_in_dim3A_177 = vector.broadcast %reduce_sum3A_172 : f32 to vector<16xf32>
      %broadcast_in_dim3A_178 = vector.broadcast %jit3A_176 : f32 to vector<16xf32>
      %select_n3A_179 = arith.select %eq3A_175, %broadcast_in_dim3A_177, %broadcast_in_dim3A_178 : vector<16xi1>, vector<16xf32>
      %add3A_180 = arith.addf %add3A_144, %select_n3A_179 : vector<16xf32>
      %slice3A_181 = vector.extract_strided_slice %get3A_81 {offsets = [3], sizes = [1], strides = [1]} : vector<16xi32> to vector<1xi32>
      %squeeze3A_182 = vector.extract %slice3A_181[0] : i32 from vector<1xi32>
      %and3A_183 = arith.constant 3 : i32
      %and3A_184 = arith.andi %squeeze3A_182, %and3A_183 : i32
      %mul3A_185 = arith.constant 32 : i32
      %mul3A_186 = arith.muli %and3A_184, %mul3A_185 : i32
      %add3A_187 = vector.broadcast %mul3A_186 : i32 to vector<16xi32>
      %add3A_188 = arith.addi %add3A_187, %iota3A : vector<16xi32>
      %add3A_189 = arith.constant 3 : i32
      %add3A_190 = arith.addi %mul3A_69, %add3A_189 : i32
      %broadcast_in_dim3A_191 = vector.broadcast %add3A_190 : i32 to vector<16xi32>
      %gather3A_192 = tpu.vector_load_idx %arg10[%broadcast_in_dim3A_191, %add3A_188] : memref<256x128xf32, #tpu.memory_space<vmem>>[vector<16xi32>, vector<16xi32>], vector<16xf32>,
      %gather3A_193 = tpu.vector_load_idx %arg11[%broadcast_in_dim3A_191, %add3A_188] : memref<256x128xf32, #tpu.memory_space<vmem>>[vector<16xi32>, vector<16xi32>], vector<16xf32>,
      %mul3A_194 = arith.mulf %gather3A_192, %gather3A_193 : vector<16xf32>
      %add3A_195 = arith.constant 16 : i32
      %add3A_196 = vector.broadcast %add3A_195 : i32 to vector<16xi32>
      %add3A_197 = arith.addi %add3A_188, %add3A_196 : vector<16xi32>
      %gather3A_198 = tpu.vector_load_idx %arg10[%broadcast_in_dim3A_191, %add3A_197] : memref<256x128xf32, #tpu.memory_space<vmem>>[vector<16xi32>, vector<16xi32>], vector<16xf32>,
      %add3A_199 = arith.constant 16 : i32
      %add3A_200 = vector.broadcast %add3A_199 : i32 to vector<16xi32>
      %add3A_201 = arith.addi %add3A_188, %add3A_200 : vector<16xi32>
      %gather3A_202 = tpu.vector_load_idx %arg11[%broadcast_in_dim3A_191, %add3A_201] : memref<256x128xf32, #tpu.memory_space<vmem>>[vector<16xi32>, vector<16xi32>], vector<16xf32>,
      %mul3A_203 = arith.mulf %gather3A_198, %gather3A_202 : vector<16xf32>
      %add3A_204 = arith.addf %mul3A_194, %mul3A_203 : vector<16xf32>
      %reduce_sum3A_205 = arith.constant true
      %reduce_sum3A_206 = vector.broadcast %reduce_sum3A_205 : i1 to vector<16xi1>
      %reduce_sum3A_207 = tpu.scan <sum>, %add3A_204 masked %reduce_sum3A_206 : vector<16xf32>, vector<16xi1> -> vector<16xf32>
      %reduce_sum3A_208 = vector.extract %reduce_sum3A_207[15] : f32 from vector<16xf32>
      %eq3A_209 = arith.constant 3 : i32
      %eq3A_210 = vector.broadcast %eq3A_209 : i32 to vector<16xi32>
      %eq3A_211 = arith.cmpi eq, %iota3A, %eq3A_210 : vector<16xi32>
      %jit3A_212 = arith.constant 0.000000e+00 : f32
      %broadcast_in_dim3A_213 = vector.broadcast %reduce_sum3A_208 : f32 to vector<16xf32>
      %broadcast_in_dim3A_214 = vector.broadcast %jit3A_212 : f32 to vector<16xf32>
      %select_n3A_215 = arith.select %eq3A_211, %broadcast_in_dim3A_213, %broadcast_in_dim3A_214 : vector<16xi1>, vector<16xf32>
      %add3A_216 = arith.addf %add3A_180, %select_n3A_215 : vector<16xf32>
      %slice3A_217 = vector.extract_strided_slice %get3A_81 {offsets = [4], sizes = [1], strides = [1]} : vector<16xi32> to vector<1xi32>
      %squeeze3A_218 = vector.extract %slice3A_217[0] : i32 from vector<1xi32>
      %and3A_219 = arith.constant 3 : i32
      %and3A_220 = arith.andi %squeeze3A_218, %and3A_219 : i32
      %mul3A_221 = arith.constant 32 : i32
      %mul3A_222 = arith.muli %and3A_220, %mul3A_221 : i32
      %add3A_223 = vector.broadcast %mul3A_222 : i32 to vector<16xi32>
      %add3A_224 = arith.addi %add3A_223, %iota3A : vector<16xi32>
      %add3A_225 = arith.constant 4 : i32
      %add3A_226 = arith.addi %mul3A_69, %add3A_225 : i32
      %broadcast_in_dim3A_227 = vector.broadcast %add3A_226 : i32 to vector<16xi32>
      %gather3A_228 = tpu.vector_load_idx %arg10[%broadcast_in_dim3A_227, %add3A_224] : memref<256x128xf32, #tpu.memory_space<vmem>>[vector<16xi32>, vector<16xi32>], vector<16xf32>,
      %gather3A_229 = tpu.vector_load_idx %arg11[%broadcast_in_dim3A_227, %add3A_224] : memref<256x128xf32, #tpu.memory_space<vmem>>[vector<16xi32>, vector<16xi32>], vector<16xf32>,
      %mul3A_230 = arith.mulf %gather3A_228, %gather3A_229 : vector<16xf32>
      %add3A_231 = arith.constant 16 : i32
      %add3A_232 = vector.broadcast %add3A_231 : i32 to vector<16xi32>
      %add3A_233 = arith.addi %add3A_224, %add3A_232 : vector<16xi32>
      %gather3A_234 = tpu.vector_load_idx %arg10[%broadcast_in_dim3A_227, %add3A_233] : memref<256x128xf32, #tpu.memory_space<vmem>>[vector<16xi32>, vector<16xi32>], vector<16xf32>,
      %add3A_235 = arith.constant 16 : i32
      %add3A_236 = vector.broadcast %add3A_235 : i32 to vector<16xi32>
      %add3A_237 = arith.addi %add3A_224, %add3A_236 : vector<16xi32>
      %gather3A_238 = tpu.vector_load_idx %arg11[%broadcast_in_dim3A_227, %add3A_237] : memref<256x128xf32, #tpu.memory_space<vmem>>[vector<16xi32>, vector<16xi32>], vector<16xf32>,
      %mul3A_239 = arith.mulf %gather3A_234, %gather3A_238 : vector<16xf32>
      %add3A_240 = arith.addf %mul3A_230, %mul3A_239 : vector<16xf32>
      %reduce_sum3A_241 = arith.constant true
      %reduce_sum3A_242 = vector.broadcast %reduce_sum3A_241 : i1 to vector<16xi1>
      %reduce_sum3A_243 = tpu.scan <sum>, %add3A_240 masked %reduce_sum3A_242 : vector<16xf32>, vector<16xi1> -> vector<16xf32>
      %reduce_sum3A_244 = vector.extract %reduce_sum3A_243[15] : f32 from vector<16xf32>
      %eq3A_245 = arith.constant 4 : i32
      %eq3A_246 = vector.broadcast %eq3A_245 : i32 to vector<16xi32>
      %eq3A_247 = arith.cmpi eq, %iota3A, %eq3A_246 : vector<16xi32>
      %jit3A_248 = arith.constant 0.000000e+00 : f32
      %broadcast_in_dim3A_249 = vector.broadcast %reduce_sum3A_244 : f32 to vector<16xf32>
      %broadcast_in_dim3A_250 = vector.broadcast %jit3A_248 : f32 to vector<16xf32>
      %select_n3A_251 = arith.select %eq3A_247, %broadcast_in_dim3A_249, %broadcast_in_dim3A_250 : vector<16xi1>, vector<16xf32>
      %add3A_252 = arith.addf %add3A_216, %select_n3A_251 : vector<16xf32>
      %slice3A_253 = vector.extract_strided_slice %get3A_81 {offsets = [5], sizes = [1], strides = [1]} : vector<16xi32> to vector<1xi32>
      %squeeze3A_254 = vector.extract %slice3A_253[0] : i32 from vector<1xi32>
      %and3A_255 = arith.constant 3 : i32
      %and3A_256 = arith.andi %squeeze3A_254, %and3A_255 : i32
      %mul3A_257 = arith.constant 32 : i32
      %mul3A_258 = arith.muli %and3A_256, %mul3A_257 : i32
      %add3A_259 = vector.broadcast %mul3A_258 : i32 to vector<16xi32>
      %add3A_260 = arith.addi %add3A_259, %iota3A : vector<16xi32>
      %add3A_261 = arith.constant 5 : i32
      %add3A_262 = arith.addi %mul3A_69, %add3A_261 : i32
      %broadcast_in_dim3A_263 = vector.broadcast %add3A_262 : i32 to vector<16xi32>
      %gather3A_264 = tpu.vector_load_idx %arg10[%broadcast_in_dim3A_263, %add3A_260] : memref<256x128xf32, #tpu.memory_space<vmem>>[vector<16xi32>, vector<16xi32>], vector<16xf32>,
      %gather3A_265 = tpu.vector_load_idx %arg11[%broadcast_in_dim3A_263, %add3A_260] : memref<256x128xf32, #tpu.memory_space<vmem>>[vector<16xi32>, vector<16xi32>], vector<16xf32>,
      %mul3A_266 = arith.mulf %gather3A_264, %gather3A_265 : vector<16xf32>
      %add3A_267 = arith.constant 16 : i32
      %add3A_268 = vector.broadcast %add3A_267 : i32 to vector<16xi32>
      %add3A_269 = arith.addi %add3A_260, %add3A_268 : vector<16xi32>
      %gather3A_270 = tpu.vector_load_idx %arg10[%broadcast_in_dim3A_263, %add3A_269] : memref<256x128xf32, #tpu.memory_space<vmem>>[vector<16xi32>, vector<16xi32>], vector<16xf32>,
      %add3A_271 = arith.constant 16 : i32
      %add3A_272 = vector.broadcast %add3A_271 : i32 to vector<16xi32>
      %add3A_273 = arith.addi %add3A_260, %add3A_272 : vector<16xi32>
      %gather3A_274 = tpu.vector_load_idx %arg11[%broadcast_in_dim3A_263, %add3A_273] : memref<256x128xf32, #tpu.memory_space<vmem>>[vector<16xi32>, vector<16xi32>], vector<16xf32>,
      %mul3A_275 = arith.mulf %gather3A_270, %gather3A_274 : vector<16xf32>
      %add3A_276 = arith.addf %mul3A_266, %mul3A_275 : vector<16xf32>
      %reduce_sum3A_277 = arith.constant true
      %reduce_sum3A_278 = vector.broadcast %reduce_sum3A_277 : i1 to vector<16xi1>
      %reduce_sum3A_279 = tpu.scan <sum>, %add3A_276 masked %reduce_sum3A_278 : vector<16xf32>, vector<16xi1> -> vector<16xf32>
      %reduce_sum3A_280 = vector.extract %reduce_sum3A_279[15] : f32 from vector<16xf32>
      %eq3A_281 = arith.constant 5 : i32
      %eq3A_282 = vector.broadcast %eq3A_281 : i32 to vector<16xi32>
      %eq3A_283 = arith.cmpi eq, %iota3A, %eq3A_282 : vector<16xi32>
      %jit3A_284 = arith.constant 0.000000e+00 : f32
      %broadcast_in_dim3A_285 = vector.broadcast %reduce_sum3A_280 : f32 to vector<16xf32>
      %broadcast_in_dim3A_286 = vector.broadcast %jit3A_284 : f32 to vector<16xf32>
      %select_n3A_287 = arith.select %eq3A_283, %broadcast_in_dim3A_285, %broadcast_in_dim3A_286 : vector<16xi1>, vector<16xf32>
      %add3A_288 = arith.addf %add3A_252, %select_n3A_287 : vector<16xf32>
      %slice3A_289 = vector.extract_strided_slice %get3A_81 {offsets = [6], sizes = [1], strides = [1]} : vector<16xi32> to vector<1xi32>
      %squeeze3A_290 = vector.extract %slice3A_289[0] : i32 from vector<1xi32>
      %and3A_291 = arith.constant 3 : i32
      %and3A_292 = arith.andi %squeeze3A_290, %and3A_291 : i32
      %mul3A_293 = arith.constant 32 : i32
      %mul3A_294 = arith.muli %and3A_292, %mul3A_293 : i32
      %add3A_295 = vector.broadcast %mul3A_294 : i32 to vector<16xi32>
      %add3A_296 = arith.addi %add3A_295, %iota3A : vector<16xi32>
      %add3A_297 = arith.constant 6 : i32
      %add3A_298 = arith.addi %mul3A_69, %add3A_297 : i32
      %broadcast_in_dim3A_299 = vector.broadcast %add3A_298 : i32 to vector<16xi32>
      %gather3A_300 = tpu.vector_load_idx %arg10[%broadcast_in_dim3A_299, %add3A_296] : memref<256x128xf32, #tpu.memory_space<vmem>>[vector<16xi32>, vector<16xi32>], vector<16xf32>,
      %gather3A_301 = tpu.vector_load_idx %arg11[%broadcast_in_dim3A_299, %add3A_296] : memref<256x128xf32, #tpu.memory_space<vmem>>[vector<16xi32>, vector<16xi32>], vector<16xf32>,
      %mul3A_302 = arith.mulf %gather3A_300, %gather3A_301 : vector<16xf32>
      %add3A_303 = arith.constant 16 : i32
      %add3A_304 = vector.broadcast %add3A_303 : i32 to vector<16xi32>
      %add3A_305 = arith.addi %add3A_296, %add3A_304 : vector<16xi32>
      %gather3A_306 = tpu.vector_load_idx %arg10[%broadcast_in_dim3A_299, %add3A_305] : memref<256x128xf32, #tpu.memory_space<vmem>>[vector<16xi32>, vector<16xi32>], vector<16xf32>,
      %add3A_307 = arith.constant 16 : i32
      %add3A_308 = vector.broadcast %add3A_307 : i32 to vector<16xi32>
      %add3A_309 = arith.addi %add3A_296, %add3A_308 : vector<16xi32>
      %gather3A_310 = tpu.vector_load_idx %arg11[%broadcast_in_dim3A_299, %add3A_309] : memref<256x128xf32, #tpu.memory_space<vmem>>[vector<16xi32>, vector<16xi32>], vector<16xf32>,
      %mul3A_311 = arith.mulf %gather3A_306, %gather3A_310 : vector<16xf32>
      %add3A_312 = arith.addf %mul3A_302, %mul3A_311 : vector<16xf32>
      %reduce_sum3A_313 = arith.constant true
      %reduce_sum3A_314 = vector.broadcast %reduce_sum3A_313 : i1 to vector<16xi1>
      %reduce_sum3A_315 = tpu.scan <sum>, %add3A_312 masked %reduce_sum3A_314 : vector<16xf32>, vector<16xi1> -> vector<16xf32>
      %reduce_sum3A_316 = vector.extract %reduce_sum3A_315[15] : f32 from vector<16xf32>
      %eq3A_317 = arith.constant 6 : i32
      %eq3A_318 = vector.broadcast %eq3A_317 : i32 to vector<16xi32>
      %eq3A_319 = arith.cmpi eq, %iota3A, %eq3A_318 : vector<16xi32>
      %jit3A_320 = arith.constant 0.000000e+00 : f32
      %broadcast_in_dim3A_321 = vector.broadcast %reduce_sum3A_316 : f32 to vector<16xf32>
      %broadcast_in_dim3A_322 = vector.broadcast %jit3A_320 : f32 to vector<16xf32>
      %select_n3A_323 = arith.select %eq3A_319, %broadcast_in_dim3A_321, %broadcast_in_dim3A_322 : vector<16xi1>, vector<16xf32>
      %add3A_324 = arith.addf %add3A_288, %select_n3A_323 : vector<16xf32>
      %slice3A_325 = vector.extract_strided_slice %get3A_81 {offsets = [7], sizes = [1], strides = [1]} : vector<16xi32> to vector<1xi32>
      %squeeze3A_326 = vector.extract %slice3A_325[0] : i32 from vector<1xi32>
      %and3A_327 = arith.constant 3 : i32
      %and3A_328 = arith.andi %squeeze3A_326, %and3A_327 : i32
      %mul3A_329 = arith.constant 32 : i32
      %mul3A_330 = arith.muli %and3A_328, %mul3A_329 : i32
      %add3A_331 = vector.broadcast %mul3A_330 : i32 to vector<16xi32>
      %add3A_332 = arith.addi %add3A_331, %iota3A : vector<16xi32>
      %add3A_333 = arith.constant 7 : i32
      %add3A_334 = arith.addi %mul3A_69, %add3A_333 : i32
      %broadcast_in_dim3A_335 = vector.broadcast %add3A_334 : i32 to vector<16xi32>
      %gather3A_336 = tpu.vector_load_idx %arg10[%broadcast_in_dim3A_335, %add3A_332] : memref<256x128xf32, #tpu.memory_space<vmem>>[vector<16xi32>, vector<16xi32>], vector<16xf32>,
      %gather3A_337 = tpu.vector_load_idx %arg11[%broadcast_in_dim3A_335, %add3A_332] : memref<256x128xf32, #tpu.memory_space<vmem>>[vector<16xi32>, vector<16xi32>], vector<16xf32>,
      %mul3A_338 = arith.mulf %gather3A_336, %gather3A_337 : vector<16xf32>
      %add3A_339 = arith.constant 16 : i32
      %add3A_340 = vector.broadcast %add3A_339 : i32 to vector<16xi32>
      %add3A_341 = arith.addi %add3A_332, %add3A_340 : vector<16xi32>
      %gather3A_342 = tpu.vector_load_idx %arg10[%broadcast_in_dim3A_335, %add3A_341] : memref<256x128xf32, #tpu.memory_space<vmem>>[vector<16xi32>, vector<16xi32>], vector<16xf32>,
      %add3A_343 = arith.constant 16 : i32
      %add3A_344 = vector.broadcast %add3A_343 : i32 to vector<16xi32>
      %add3A_345 = arith.addi %add3A_332, %add3A_344 : vector<16xi32>
      %gather3A_346 = tpu.vector_load_idx %arg11[%broadcast_in_dim3A_335, %add3A_345] : memref<256x128xf32, #tpu.memory_space<vmem>>[vector<16xi32>, vector<16xi32>], vector<16xf32>,
      %mul3A_347 = arith.mulf %gather3A_342, %gather3A_346 : vector<16xf32>
      %add3A_348 = arith.addf %mul3A_338, %mul3A_347 : vector<16xf32>
      %reduce_sum3A_349 = arith.constant true
      %reduce_sum3A_350 = vector.broadcast %reduce_sum3A_349 : i1 to vector<16xi1>
      %reduce_sum3A_351 = tpu.scan <sum>, %add3A_348 masked %reduce_sum3A_350 : vector<16xf32>, vector<16xi1> -> vector<16xf32>
      %reduce_sum3A_352 = vector.extract %reduce_sum3A_351[15] : f32 from vector<16xf32>
      %eq3A_353 = arith.constant 7 : i32
      %eq3A_354 = vector.broadcast %eq3A_353 : i32 to vector<16xi32>
      %eq3A_355 = arith.cmpi eq, %iota3A, %eq3A_354 : vector<16xi32>
      %jit3A_356 = arith.constant 0.000000e+00 : f32
      %broadcast_in_dim3A_357 = vector.broadcast %reduce_sum3A_352 : f32 to vector<16xf32>
      %broadcast_in_dim3A_358 = vector.broadcast %jit3A_356 : f32 to vector<16xf32>
      %select_n3A_359 = arith.select %eq3A_355, %broadcast_in_dim3A_357, %broadcast_in_dim3A_358 : vector<16xi1>, vector<16xf32>
      %add3A_360 = arith.addf %add3A_324, %select_n3A_359 : vector<16xf32>
      %slice3A_361 = vector.extract_strided_slice %get3A_81 {offsets = [8], sizes = [1], strides = [1]} : vector<16xi32> to vector<1xi32>
      %squeeze3A_362 = vector.extract %slice3A_361[0] : i32 from vector<1xi32>
      %and3A_363 = arith.constant 3 : i32
      %and3A_364 = arith.andi %squeeze3A_362, %and3A_363 : i32
      %mul3A_365 = arith.constant 32 : i32
      %mul3A_366 = arith.muli %and3A_364, %mul3A_365 : i32
      %add3A_367 = vector.broadcast %mul3A_366 : i32 to vector<16xi32>
      %add3A_368 = arith.addi %add3A_367, %iota3A : vector<16xi32>
      %add3A_369 = arith.constant 8 : i32
      %add3A_370 = arith.addi %mul3A_69, %add3A_369 : i32
      %broadcast_in_dim3A_371 = vector.broadcast %add3A_370 : i32 to vector<16xi32>
      %gather3A_372 = tpu.vector_load_idx %arg10[%broadcast_in_dim3A_371, %add3A_368] : memref<256x128xf32, #tpu.memory_space<vmem>>[vector<16xi32>, vector<16xi32>], vector<16xf32>,
      %gather3A_373 = tpu.vector_load_idx %arg11[%broadcast_in_dim3A_371, %add3A_368] : memref<256x128xf32, #tpu.memory_space<vmem>>[vector<16xi32>, vector<16xi32>], vector<16xf32>,
      %mul3A_374 = arith.mulf %gather3A_372, %gather3A_373 : vector<16xf32>
      %add3A_375 = arith.constant 16 : i32
      %add3A_376 = vector.broadcast %add3A_375 : i32 to vector<16xi32>
      %add3A_377 = arith.addi %add3A_368, %add3A_376 : vector<16xi32>
      %gather3A_378 = tpu.vector_load_idx %arg10[%broadcast_in_dim3A_371, %add3A_377] : memref<256x128xf32, #tpu.memory_space<vmem>>[vector<16xi32>, vector<16xi32>], vector<16xf32>,
      %add3A_379 = arith.constant 16 : i32
      %add3A_380 = vector.broadcast %add3A_379 : i32 to vector<16xi32>
      %add3A_381 = arith.addi %add3A_368, %add3A_380 : vector<16xi32>
      %gather3A_382 = tpu.vector_load_idx %arg11[%broadcast_in_dim3A_371, %add3A_381] : memref<256x128xf32, #tpu.memory_space<vmem>>[vector<16xi32>, vector<16xi32>], vector<16xf32>,
      %mul3A_383 = arith.mulf %gather3A_378, %gather3A_382 : vector<16xf32>
      %add3A_384 = arith.addf %mul3A_374, %mul3A_383 : vector<16xf32>
      %reduce_sum3A_385 = arith.constant true
      %reduce_sum3A_386 = vector.broadcast %reduce_sum3A_385 : i1 to vector<16xi1>
      %reduce_sum3A_387 = tpu.scan <sum>, %add3A_384 masked %reduce_sum3A_386 : vector<16xf32>, vector<16xi1> -> vector<16xf32>
      %reduce_sum3A_388 = vector.extract %reduce_sum3A_387[15] : f32 from vector<16xf32>
      %eq3A_389 = arith.constant 8 : i32
      %eq3A_390 = vector.broadcast %eq3A_389 : i32 to vector<16xi32>
      %eq3A_391 = arith.cmpi eq, %iota3A, %eq3A_390 : vector<16xi32>
      %jit3A_392 = arith.constant 0.000000e+00 : f32
      %broadcast_in_dim3A_393 = vector.broadcast %reduce_sum3A_388 : f32 to vector<16xf32>
      %broadcast_in_dim3A_394 = vector.broadcast %jit3A_392 : f32 to vector<16xf32>
      %select_n3A_395 = arith.select %eq3A_391, %broadcast_in_dim3A_393, %broadcast_in_dim3A_394 : vector<16xi1>, vector<16xf32>
      %add3A_396 = arith.addf %add3A_360, %select_n3A_395 : vector<16xf32>
      %slice3A_397 = vector.extract_strided_slice %get3A_81 {offsets = [9], sizes = [1], strides = [1]} : vector<16xi32> to vector<1xi32>
      %squeeze3A_398 = vector.extract %slice3A_397[0] : i32 from vector<1xi32>
      %and3A_399 = arith.constant 3 : i32
      %and3A_400 = arith.andi %squeeze3A_398, %and3A_399 : i32
      %mul3A_401 = arith.constant 32 : i32
      %mul3A_402 = arith.muli %and3A_400, %mul3A_401 : i32
      %add3A_403 = vector.broadcast %mul3A_402 : i32 to vector<16xi32>
      %add3A_404 = arith.addi %add3A_403, %iota3A : vector<16xi32>
      %add3A_405 = arith.constant 9 : i32
      %add3A_406 = arith.addi %mul3A_69, %add3A_405 : i32
      %broadcast_in_dim3A_407 = vector.broadcast %add3A_406 : i32 to vector<16xi32>
      %gather3A_408 = tpu.vector_load_idx %arg10[%broadcast_in_dim3A_407, %add3A_404] : memref<256x128xf32, #tpu.memory_space<vmem>>[vector<16xi32>, vector<16xi32>], vector<16xf32>,
      %gather3A_409 = tpu.vector_load_idx %arg11[%broadcast_in_dim3A_407, %add3A_404] : memref<256x128xf32, #tpu.memory_space<vmem>>[vector<16xi32>, vector<16xi32>], vector<16xf32>,
      %mul3A_410 = arith.mulf %gather3A_408, %gather3A_409 : vector<16xf32>
      %add3A_411 = arith.constant 16 : i32
      %add3A_412 = vector.broadcast %add3A_411 : i32 to vector<16xi32>
      %add3A_413 = arith.addi %add3A_404, %add3A_412 : vector<16xi32>
      %gather3A_414 = tpu.vector_load_idx %arg10[%broadcast_in_dim3A_407, %add3A_413] : memref<256x128xf32, #tpu.memory_space<vmem>>[vector<16xi32>, vector<16xi32>], vector<16xf32>,
      %add3A_415 = arith.constant 16 : i32
      %add3A_416 = vector.broadcast %add3A_415 : i32 to vector<16xi32>
      %add3A_417 = arith.addi %add3A_404, %add3A_416 : vector<16xi32>
      %gather3A_418 = tpu.vector_load_idx %arg11[%broadcast_in_dim3A_407, %add3A_417] : memref<256x128xf32, #tpu.memory_space<vmem>>[vector<16xi32>, vector<16xi32>], vector<16xf32>,
      %mul3A_419 = arith.mulf %gather3A_414, %gather3A_418 : vector<16xf32>
      %add3A_420 = arith.addf %mul3A_410, %mul3A_419 : vector<16xf32>
      %reduce_sum3A_421 = arith.constant true
      %reduce_sum3A_422 = vector.broadcast %reduce_sum3A_421 : i1 to vector<16xi1>
      %reduce_sum3A_423 = tpu.scan <sum>, %add3A_420 masked %reduce_sum3A_422 : vector<16xf32>, vector<16xi1> -> vector<16xf32>
      %reduce_sum3A_424 = vector.extract %reduce_sum3A_423[15] : f32 from vector<16xf32>
      %eq3A_425 = arith.constant 9 : i32
      %eq3A_426 = vector.broadcast %eq3A_425 : i32 to vector<16xi32>
      %eq3A_427 = arith.cmpi eq, %iota3A, %eq3A_426 : vector<16xi32>
      %jit3A_428 = arith.constant 0.000000e+00 : f32
      %broadcast_in_dim3A_429 = vector.broadcast %reduce_sum3A_424 : f32 to vector<16xf32>
      %broadcast_in_dim3A_430 = vector.broadcast %jit3A_428 : f32 to vector<16xf32>
      %select_n3A_431 = arith.select %eq3A_427, %broadcast_in_dim3A_429, %broadcast_in_dim3A_430 : vector<16xi1>, vector<16xf32>
      %add3A_432 = arith.addf %add3A_396, %select_n3A_431 : vector<16xf32>
      %slice3A_433 = vector.extract_strided_slice %get3A_81 {offsets = [10], sizes = [1], strides = [1]} : vector<16xi32> to vector<1xi32>
      %squeeze3A_434 = vector.extract %slice3A_433[0] : i32 from vector<1xi32>
      %and3A_435 = arith.constant 3 : i32
      %and3A_436 = arith.andi %squeeze3A_434, %and3A_435 : i32
      %mul3A_437 = arith.constant 32 : i32
      %mul3A_438 = arith.muli %and3A_436, %mul3A_437 : i32
      %add3A_439 = vector.broadcast %mul3A_438 : i32 to vector<16xi32>
      %add3A_440 = arith.addi %add3A_439, %iota3A : vector<16xi32>
      %add3A_441 = arith.constant 10 : i32
      %add3A_442 = arith.addi %mul3A_69, %add3A_441 : i32
      %broadcast_in_dim3A_443 = vector.broadcast %add3A_442 : i32 to vector<16xi32>
      %gather3A_444 = tpu.vector_load_idx %arg10[%broadcast_in_dim3A_443, %add3A_440] : memref<256x128xf32, #tpu.memory_space<vmem>>[vector<16xi32>, vector<16xi32>], vector<16xf32>,
      %gather3A_445 = tpu.vector_load_idx %arg11[%broadcast_in_dim3A_443, %add3A_440] : memref<256x128xf32, #tpu.memory_space<vmem>>[vector<16xi32>, vector<16xi32>], vector<16xf32>,
      %mul3A_446 = arith.mulf %gather3A_444, %gather3A_445 : vector<16xf32>
      %add3A_447 = arith.constant 16 : i32
      %add3A_448 = vector.broadcast %add3A_447 : i32 to vector<16xi32>
      %add3A_449 = arith.addi %add3A_440, %add3A_448 : vector<16xi32>
      %gather3A_450 = tpu.vector_load_idx %arg10[%broadcast_in_dim3A_443, %add3A_449] : memref<256x128xf32, #tpu.memory_space<vmem>>[vector<16xi32>, vector<16xi32>], vector<16xf32>,
      %add3A_451 = arith.constant 16 : i32
      %add3A_452 = vector.broadcast %add3A_451 : i32 to vector<16xi32>
      %add3A_453 = arith.addi %add3A_440, %add3A_452 : vector<16xi32>
      %gather3A_454 = tpu.vector_load_idx %arg11[%broadcast_in_dim3A_443, %add3A_453] : memref<256x128xf32, #tpu.memory_space<vmem>>[vector<16xi32>, vector<16xi32>], vector<16xf32>,
      %mul3A_455 = arith.mulf %gather3A_450, %gather3A_454 : vector<16xf32>
      %add3A_456 = arith.addf %mul3A_446, %mul3A_455 : vector<16xf32>
      %reduce_sum3A_457 = arith.constant true
      %reduce_sum3A_458 = vector.broadcast %reduce_sum3A_457 : i1 to vector<16xi1>
      %reduce_sum3A_459 = tpu.scan <sum>, %add3A_456 masked %reduce_sum3A_458 : vector<16xf32>, vector<16xi1> -> vector<16xf32>
      %reduce_sum3A_460 = vector.extract %reduce_sum3A_459[15] : f32 from vector<16xf32>
      %eq3A_461 = arith.constant 10 : i32
      %eq3A_462 = vector.broadcast %eq3A_461 : i32 to vector<16xi32>
      %eq3A_463 = arith.cmpi eq, %iota3A, %eq3A_462 : vector<16xi32>
      %jit3A_464 = arith.constant 0.000000e+00 : f32
      %broadcast_in_dim3A_465 = vector.broadcast %reduce_sum3A_460 : f32 to vector<16xf32>
      %broadcast_in_dim3A_466 = vector.broadcast %jit3A_464 : f32 to vector<16xf32>
      %select_n3A_467 = arith.select %eq3A_463, %broadcast_in_dim3A_465, %broadcast_in_dim3A_466 : vector<16xi1>, vector<16xf32>
      %add3A_468 = arith.addf %add3A_432, %select_n3A_467 : vector<16xf32>
      %slice3A_469 = vector.extract_strided_slice %get3A_81 {offsets = [11], sizes = [1], strides = [1]} : vector<16xi32> to vector<1xi32>
      %squeeze3A_470 = vector.extract %slice3A_469[0] : i32 from vector<1xi32>
      %and3A_471 = arith.constant 3 : i32
      %and3A_472 = arith.andi %squeeze3A_470, %and3A_471 : i32
      %mul3A_473 = arith.constant 32 : i32
      %mul3A_474 = arith.muli %and3A_472, %mul3A_473 : i32
      %add3A_475 = vector.broadcast %mul3A_474 : i32 to vector<16xi32>
      %add3A_476 = arith.addi %add3A_475, %iota3A : vector<16xi32>
      %add3A_477 = arith.constant 11 : i32
      %add3A_478 = arith.addi %mul3A_69, %add3A_477 : i32
      %broadcast_in_dim3A_479 = vector.broadcast %add3A_478 : i32 to vector<16xi32>
      %gather3A_480 = tpu.vector_load_idx %arg10[%broadcast_in_dim3A_479, %add3A_476] : memref<256x128xf32, #tpu.memory_space<vmem>>[vector<16xi32>, vector<16xi32>], vector<16xf32>,
      %gather3A_481 = tpu.vector_load_idx %arg11[%broadcast_in_dim3A_479, %add3A_476] : memref<256x128xf32, #tpu.memory_space<vmem>>[vector<16xi32>, vector<16xi32>], vector<16xf32>,
      %mul3A_482 = arith.mulf %gather3A_480, %gather3A_481 : vector<16xf32>
      %add3A_483 = arith.constant 16 : i32
      %add3A_484 = vector.broadcast %add3A_483 : i32 to vector<16xi32>
      %add3A_485 = arith.addi %add3A_476, %add3A_484 : vector<16xi32>
      %gather3A_486 = tpu.vector_load_idx %arg10[%broadcast_in_dim3A_479, %add3A_485] : memref<256x128xf32, #tpu.memory_space<vmem>>[vector<16xi32>, vector<16xi32>], vector<16xf32>,
      %add3A_487 = arith.constant 16 : i32
      %add3A_488 = vector.broadcast %add3A_487 : i32 to vector<16xi32>
      %add3A_489 = arith.addi %add3A_476, %add3A_488 : vector<16xi32>
      %gather3A_490 = tpu.vector_load_idx %arg11[%broadcast_in_dim3A_479, %add3A_489] : memref<256x128xf32, #tpu.memory_space<vmem>>[vector<16xi32>, vector<16xi32>], vector<16xf32>,
      %mul3A_491 = arith.mulf %gather3A_486, %gather3A_490 : vector<16xf32>
      %add3A_492 = arith.addf %mul3A_482, %mul3A_491 : vector<16xf32>
      %reduce_sum3A_493 = arith.constant true
      %reduce_sum3A_494 = vector.broadcast %reduce_sum3A_493 : i1 to vector<16xi1>
      %reduce_sum3A_495 = tpu.scan <sum>, %add3A_492 masked %reduce_sum3A_494 : vector<16xf32>, vector<16xi1> -> vector<16xf32>
      %reduce_sum3A_496 = vector.extract %reduce_sum3A_495[15] : f32 from vector<16xf32>
      %eq3A_497 = arith.constant 11 : i32
      %eq3A_498 = vector.broadcast %eq3A_497 : i32 to vector<16xi32>
      %eq3A_499 = arith.cmpi eq, %iota3A, %eq3A_498 : vector<16xi32>
      %jit3A_500 = arith.constant 0.000000e+00 : f32
      %broadcast_in_dim3A_501 = vector.broadcast %reduce_sum3A_496 : f32 to vector<16xf32>
      %broadcast_in_dim3A_502 = vector.broadcast %jit3A_500 : f32 to vector<16xf32>
      %select_n3A_503 = arith.select %eq3A_499, %broadcast_in_dim3A_501, %broadcast_in_dim3A_502 : vector<16xi1>, vector<16xf32>
      %add3A_504 = arith.addf %add3A_468, %select_n3A_503 : vector<16xf32>
      %slice3A_505 = vector.extract_strided_slice %get3A_81 {offsets = [12], sizes = [1], strides = [1]} : vector<16xi32> to vector<1xi32>
      %squeeze3A_506 = vector.extract %slice3A_505[0] : i32 from vector<1xi32>
      %and3A_507 = arith.constant 3 : i32
      %and3A_508 = arith.andi %squeeze3A_506, %and3A_507 : i32
      %mul3A_509 = arith.constant 32 : i32
      %mul3A_510 = arith.muli %and3A_508, %mul3A_509 : i32
      %add3A_511 = vector.broadcast %mul3A_510 : i32 to vector<16xi32>
      %add3A_512 = arith.addi %add3A_511, %iota3A : vector<16xi32>
      %add3A_513 = arith.constant 12 : i32
      %add3A_514 = arith.addi %mul3A_69, %add3A_513 : i32
      %broadcast_in_dim3A_515 = vector.broadcast %add3A_514 : i32 to vector<16xi32>
      %gather3A_516 = tpu.vector_load_idx %arg10[%broadcast_in_dim3A_515, %add3A_512] : memref<256x128xf32, #tpu.memory_space<vmem>>[vector<16xi32>, vector<16xi32>], vector<16xf32>,
      %gather3A_517 = tpu.vector_load_idx %arg11[%broadcast_in_dim3A_515, %add3A_512] : memref<256x128xf32, #tpu.memory_space<vmem>>[vector<16xi32>, vector<16xi32>], vector<16xf32>,
      %mul3A_518 = arith.mulf %gather3A_516, %gather3A_517 : vector<16xf32>
      %add3A_519 = arith.constant 16 : i32
      %add3A_520 = vector.broadcast %add3A_519 : i32 to vector<16xi32>
      %add3A_521 = arith.addi %add3A_512, %add3A_520 : vector<16xi32>
      %gather3A_522 = tpu.vector_load_idx %arg10[%broadcast_in_dim3A_515, %add3A_521] : memref<256x128xf32, #tpu.memory_space<vmem>>[vector<16xi32>, vector<16xi32>], vector<16xf32>,
      %add3A_523 = arith.constant 16 : i32
      %add3A_524 = vector.broadcast %add3A_523 : i32 to vector<16xi32>
      %add3A_525 = arith.addi %add3A_512, %add3A_524 : vector<16xi32>
      %gather3A_526 = tpu.vector_load_idx %arg11[%broadcast_in_dim3A_515, %add3A_525] : memref<256x128xf32, #tpu.memory_space<vmem>>[vector<16xi32>, vector<16xi32>], vector<16xf32>,
      %mul3A_527 = arith.mulf %gather3A_522, %gather3A_526 : vector<16xf32>
      %add3A_528 = arith.addf %mul3A_518, %mul3A_527 : vector<16xf32>
      %reduce_sum3A_529 = arith.constant true
      %reduce_sum3A_530 = vector.broadcast %reduce_sum3A_529 : i1 to vector<16xi1>
      %reduce_sum3A_531 = tpu.scan <sum>, %add3A_528 masked %reduce_sum3A_530 : vector<16xf32>, vector<16xi1> -> vector<16xf32>
      %reduce_sum3A_532 = vector.extract %reduce_sum3A_531[15] : f32 from vector<16xf32>
      %eq3A_533 = arith.constant 12 : i32
      %eq3A_534 = vector.broadcast %eq3A_533 : i32 to vector<16xi32>
      %eq3A_535 = arith.cmpi eq, %iota3A, %eq3A_534 : vector<16xi32>
      %jit3A_536 = arith.constant 0.000000e+00 : f32
      %broadcast_in_dim3A_537 = vector.broadcast %reduce_sum3A_532 : f32 to vector<16xf32>
      %broadcast_in_dim3A_538 = vector.broadcast %jit3A_536 : f32 to vector<16xf32>
      %select_n3A_539 = arith.select %eq3A_535, %broadcast_in_dim3A_537, %broadcast_in_dim3A_538 : vector<16xi1>, vector<16xf32>
      %add3A_540 = arith.addf %add3A_504, %select_n3A_539 : vector<16xf32>
      %slice3A_541 = vector.extract_strided_slice %get3A_81 {offsets = [13], sizes = [1], strides = [1]} : vector<16xi32> to vector<1xi32>
      %squeeze3A_542 = vector.extract %slice3A_541[0] : i32 from vector<1xi32>
      %and3A_543 = arith.constant 3 : i32
      %and3A_544 = arith.andi %squeeze3A_542, %and3A_543 : i32
      %mul3A_545 = arith.constant 32 : i32
      %mul3A_546 = arith.muli %and3A_544, %mul3A_545 : i32
      %add3A_547 = vector.broadcast %mul3A_546 : i32 to vector<16xi32>
      %add3A_548 = arith.addi %add3A_547, %iota3A : vector<16xi32>
      %add3A_549 = arith.constant 13 : i32
      %add3A_550 = arith.addi %mul3A_69, %add3A_549 : i32
      %broadcast_in_dim3A_551 = vector.broadcast %add3A_550 : i32 to vector<16xi32>
      %gather3A_552 = tpu.vector_load_idx %arg10[%broadcast_in_dim3A_551, %add3A_548] : memref<256x128xf32, #tpu.memory_space<vmem>>[vector<16xi32>, vector<16xi32>], vector<16xf32>,
      %gather3A_553 = tpu.vector_load_idx %arg11[%broadcast_in_dim3A_551, %add3A_548] : memref<256x128xf32, #tpu.memory_space<vmem>>[vector<16xi32>, vector<16xi32>], vector<16xf32>,
      %mul3A_554 = arith.mulf %gather3A_552, %gather3A_553 : vector<16xf32>
      %add3A_555 = arith.constant 16 : i32
      %add3A_556 = vector.broadcast %add3A_555 : i32 to vector<16xi32>
      %add3A_557 = arith.addi %add3A_548, %add3A_556 : vector<16xi32>
      %gather3A_558 = tpu.vector_load_idx %arg10[%broadcast_in_dim3A_551, %add3A_557] : memref<256x128xf32, #tpu.memory_space<vmem>>[vector<16xi32>, vector<16xi32>], vector<16xf32>,
      %add3A_559 = arith.constant 16 : i32
      %add3A_560 = vector.broadcast %add3A_559 : i32 to vector<16xi32>
      %add3A_561 = arith.addi %add3A_548, %add3A_560 : vector<16xi32>
      %gather3A_562 = tpu.vector_load_idx %arg11[%broadcast_in_dim3A_551, %add3A_561] : memref<256x128xf32, #tpu.memory_space<vmem>>[vector<16xi32>, vector<16xi32>], vector<16xf32>,
      %mul3A_563 = arith.mulf %gather3A_558, %gather3A_562 : vector<16xf32>
      %add3A_564 = arith.addf %mul3A_554, %mul3A_563 : vector<16xf32>
      %reduce_sum3A_565 = arith.constant true
      %reduce_sum3A_566 = vector.broadcast %reduce_sum3A_565 : i1 to vector<16xi1>
      %reduce_sum3A_567 = tpu.scan <sum>, %add3A_564 masked %reduce_sum3A_566 : vector<16xf32>, vector<16xi1> -> vector<16xf32>
      %reduce_sum3A_568 = vector.extract %reduce_sum3A_567[15] : f32 from vector<16xf32>
      %eq3A_569 = arith.constant 13 : i32
      %eq3A_570 = vector.broadcast %eq3A_569 : i32 to vector<16xi32>
      %eq3A_571 = arith.cmpi eq, %iota3A, %eq3A_570 : vector<16xi32>
      %jit3A_572 = arith.constant 0.000000e+00 : f32
      %broadcast_in_dim3A_573 = vector.broadcast %reduce_sum3A_568 : f32 to vector<16xf32>
      %broadcast_in_dim3A_574 = vector.broadcast %jit3A_572 : f32 to vector<16xf32>
      %select_n3A_575 = arith.select %eq3A_571, %broadcast_in_dim3A_573, %broadcast_in_dim3A_574 : vector<16xi1>, vector<16xf32>
      %add3A_576 = arith.addf %add3A_540, %select_n3A_575 : vector<16xf32>
      %slice3A_577 = vector.extract_strided_slice %get3A_81 {offsets = [14], sizes = [1], strides = [1]} : vector<16xi32> to vector<1xi32>
      %squeeze3A_578 = vector.extract %slice3A_577[0] : i32 from vector<1xi32>
      %and3A_579 = arith.constant 3 : i32
      %and3A_580 = arith.andi %squeeze3A_578, %and3A_579 : i32
      %mul3A_581 = arith.constant 32 : i32
      %mul3A_582 = arith.muli %and3A_580, %mul3A_581 : i32
      %add3A_583 = vector.broadcast %mul3A_582 : i32 to vector<16xi32>
      %add3A_584 = arith.addi %add3A_583, %iota3A : vector<16xi32>
      %add3A_585 = arith.constant 14 : i32
      %add3A_586 = arith.addi %mul3A_69, %add3A_585 : i32
      %broadcast_in_dim3A_587 = vector.broadcast %add3A_586 : i32 to vector<16xi32>
      %gather3A_588 = tpu.vector_load_idx %arg10[%broadcast_in_dim3A_587, %add3A_584] : memref<256x128xf32, #tpu.memory_space<vmem>>[vector<16xi32>, vector<16xi32>], vector<16xf32>,
      %gather3A_589 = tpu.vector_load_idx %arg11[%broadcast_in_dim3A_587, %add3A_584] : memref<256x128xf32, #tpu.memory_space<vmem>>[vector<16xi32>, vector<16xi32>], vector<16xf32>,
      %mul3A_590 = arith.mulf %gather3A_588, %gather3A_589 : vector<16xf32>
      %add3A_591 = arith.constant 16 : i32
      %add3A_592 = vector.broadcast %add3A_591 : i32 to vector<16xi32>
      %add3A_593 = arith.addi %add3A_584, %add3A_592 : vector<16xi32>
      %gather3A_594 = tpu.vector_load_idx %arg10[%broadcast_in_dim3A_587, %add3A_593] : memref<256x128xf32, #tpu.memory_space<vmem>>[vector<16xi32>, vector<16xi32>], vector<16xf32>,
      %add3A_595 = arith.constant 16 : i32
      %add3A_596 = vector.broadcast %add3A_595 : i32 to vector<16xi32>
      %add3A_597 = arith.addi %add3A_584, %add3A_596 : vector<16xi32>
      %gather3A_598 = tpu.vector_load_idx %arg11[%broadcast_in_dim3A_587, %add3A_597] : memref<256x128xf32, #tpu.memory_space<vmem>>[vector<16xi32>, vector<16xi32>], vector<16xf32>,
      %mul3A_599 = arith.mulf %gather3A_594, %gather3A_598 : vector<16xf32>
      %add3A_600 = arith.addf %mul3A_590, %mul3A_599 : vector<16xf32>
      %reduce_sum3A_601 = arith.constant true
      %reduce_sum3A_602 = vector.broadcast %reduce_sum3A_601 : i1 to vector<16xi1>
      %reduce_sum3A_603 = tpu.scan <sum>, %add3A_600 masked %reduce_sum3A_602 : vector<16xf32>, vector<16xi1> -> vector<16xf32>
      %reduce_sum3A_604 = vector.extract %reduce_sum3A_603[15] : f32 from vector<16xf32>
      %eq3A_605 = arith.constant 14 : i32
      %eq3A_606 = vector.broadcast %eq3A_605 : i32 to vector<16xi32>
      %eq3A_607 = arith.cmpi eq, %iota3A, %eq3A_606 : vector<16xi32>
      %jit3A_608 = arith.constant 0.000000e+00 : f32
      %broadcast_in_dim3A_609 = vector.broadcast %reduce_sum3A_604 : f32 to vector<16xf32>
      %broadcast_in_dim3A_610 = vector.broadcast %jit3A_608 : f32 to vector<16xf32>
      %select_n3A_611 = arith.select %eq3A_607, %broadcast_in_dim3A_609, %broadcast_in_dim3A_610 : vector<16xi1>, vector<16xf32>
      %add3A_612 = arith.addf %add3A_576, %select_n3A_611 : vector<16xf32>
      %slice3A_613 = vector.extract_strided_slice %get3A_81 {offsets = [15], sizes = [1], strides = [1]} : vector<16xi32> to vector<1xi32>
      %squeeze3A_614 = vector.extract %slice3A_613[0] : i32 from vector<1xi32>
      %and3A_615 = arith.constant 3 : i32
      %and3A_616 = arith.andi %squeeze3A_614, %and3A_615 : i32
      %mul3A_617 = arith.constant 32 : i32
      %mul3A_618 = arith.muli %and3A_616, %mul3A_617 : i32
      %add3A_619 = vector.broadcast %mul3A_618 : i32 to vector<16xi32>
      %add3A_620 = arith.addi %add3A_619, %iota3A : vector<16xi32>
      %add3A_621 = arith.constant 15 : i32
      %add3A_622 = arith.addi %mul3A_69, %add3A_621 : i32
      %broadcast_in_dim3A_623 = vector.broadcast %add3A_622 : i32 to vector<16xi32>
      %gather3A_624 = tpu.vector_load_idx %arg10[%broadcast_in_dim3A_623, %add3A_620] : memref<256x128xf32, #tpu.memory_space<vmem>>[vector<16xi32>, vector<16xi32>], vector<16xf32>,
      %gather3A_625 = tpu.vector_load_idx %arg11[%broadcast_in_dim3A_623, %add3A_620] : memref<256x128xf32, #tpu.memory_space<vmem>>[vector<16xi32>, vector<16xi32>], vector<16xf32>,
      %mul3A_626 = arith.mulf %gather3A_624, %gather3A_625 : vector<16xf32>
      %add3A_627 = arith.constant 16 : i32
      %add3A_628 = vector.broadcast %add3A_627 : i32 to vector<16xi32>
      %add3A_629 = arith.addi %add3A_620, %add3A_628 : vector<16xi32>
      %gather3A_630 = tpu.vector_load_idx %arg10[%broadcast_in_dim3A_623, %add3A_629] : memref<256x128xf32, #tpu.memory_space<vmem>>[vector<16xi32>, vector<16xi32>], vector<16xf32>,
      %add3A_631 = arith.constant 16 : i32
      %add3A_632 = vector.broadcast %add3A_631 : i32 to vector<16xi32>
      %add3A_633 = arith.addi %add3A_620, %add3A_632 : vector<16xi32>
      %gather3A_634 = tpu.vector_load_idx %arg11[%broadcast_in_dim3A_623, %add3A_633] : memref<256x128xf32, #tpu.memory_space<vmem>>[vector<16xi32>, vector<16xi32>], vector<16xf32>,
      %mul3A_635 = arith.mulf %gather3A_630, %gather3A_634 : vector<16xf32>
      %add3A_636 = arith.addf %mul3A_626, %mul3A_635 : vector<16xf32>
      %reduce_sum3A_637 = arith.constant true
      %reduce_sum3A_638 = vector.broadcast %reduce_sum3A_637 : i1 to vector<16xi1>
      %reduce_sum3A_639 = tpu.scan <sum>, %add3A_636 masked %reduce_sum3A_638 : vector<16xf32>, vector<16xi1> -> vector<16xf32>
      %reduce_sum3A_640 = vector.extract %reduce_sum3A_639[15] : f32 from vector<16xf32>
      %eq3A_641 = arith.constant 15 : i32
      %eq3A_642 = vector.broadcast %eq3A_641 : i32 to vector<16xi32>
      %eq3A_643 = arith.cmpi eq, %iota3A, %eq3A_642 : vector<16xi32>
      %jit3A_644 = arith.constant 0.000000e+00 : f32
      %broadcast_in_dim3A_645 = vector.broadcast %reduce_sum3A_640 : f32 to vector<16xf32>
      %broadcast_in_dim3A_646 = vector.broadcast %jit3A_644 : f32 to vector<16xf32>
      %select_n3A_647 = arith.select %eq3A_643, %broadcast_in_dim3A_645, %broadcast_in_dim3A_646 : vector<16xi1>, vector<16xf32>
      %add3A_648 = arith.addf %add3A_612, %select_n3A_647 : vector<16xf32>
      %add3A_649 = arith.constant 256 : i32
      %add3A_650 = arith.addi %add3A_649, %mul3A_69 : i32
      %swap3A = arith.index_cast %add3A_650 : i32 to index
      %swap3A_651 = tpu.vector_load %arg14[%swap3A] {strides = array<i32>} : memref<512xf32, #tpu.memory_space<vmem>>, vector<16xf32>,
      tpu.vector_store %arg14[%swap3A], %add3A_648 {strides = array<i32>} : memref<512xf32, #tpu.memory_space<vmem>>, vector<16xf32>,
    }
    %scan3A_62 = arith.constant 16 : i32
    "tpu.region"() ({
      %run_scoped3A = tpu.sem_alloc : memref<!tpu.dma_semaphore, #tpu.memory_space<semaphore_mem>>
      %dma_start3A_63 = tpu.memref_slice %arg7[%mul3A_2] : memref<16384xf32, #tpu.memory_space<hbm>> -> memref<512xf32, #tpu.memory_space<hbm>>
      %dma_start3A_64 = tpu.memref_slice %arg7[%mul3A_2] : memref<16384xf32, #tpu.memory_space<hbm>> -> memref<512xf32, #tpu.memory_space<hbm>>
      tpu.enqueue_dma source(%arg14 : memref<512xf32, #tpu.memory_space<vmem>>) target(%dma_start3A_64 : memref<512xf32, #tpu.memory_space<hbm>>) target_semaphore(%run_scoped3A : memref<!tpu.dma_semaphore, #tpu.memory_space<semaphore_mem>>)
      %dma_wait3A_65 = tpu.memref_slice %arg7[%mul3A_2] : memref<16384xf32, #tpu.memory_space<hbm>> -> memref<512xf32, #tpu.memory_space<hbm>>
      %dma_wait3A_66 = tpu.memref_slice %arg7[%mul3A_2] : memref<16384xf32, #tpu.memory_space<hbm>> -> memref<512xf32, #tpu.memory_space<hbm>>
      tpu.wait_dma2 semaphore(%run_scoped3A : memref<!tpu.dma_semaphore, #tpu.memory_space<semaphore_mem>>) src(%arg14 : memref<512xf32, #tpu.memory_space<vmem>>) dst(%dma_wait3A_66 : memref<512xf32, #tpu.memory_space<hbm>>)
      tpu.yield
    }) : () -> ()
    return
  }
}

</mosaic_0001>

<sc_bundles>
// kernel: kernel.3.cloned.1.call-start
scs
__scs_entry_jumppad:
0x0: {  	(pc) =	sbr.rel $0x88, $3  }
0x1: {  	(tag) =	ssettag $0x0;
	lr =	simm.s32 $0x1  }
0x2: {  	[smem:$0x3F9C] =	sst lr;
	_ =	strace $0xD0000000  }
0x3: {  	_ = 	snop  }
0x4: {  	_ = 	snop  }
0x5: {  	_ = 	snop  }
0x6: {  	_ = 	snop  }
0x7: {  	_ = 	snop  }
__scs_overlays_trampoline_lowered:
0x8: {  	[smem:$0x3FAB] =	sst s0  }
0x9: {  	[smem:$0x3FAC] =	sst s1  }
0xa: {  	[smem:$0x3FAD] =	sst s2  }
0xb: {  	[smem:$0x3FAE] =	sst s3  }
0xc: {  	[smem:$0x3FAF] =	sst s4  }
0xd: {  	[smem:$0x3FB0] =	sst s5  }
0xe: {  	[smem:$0x3FB1] =	sst s6  }
0xf: {  	[smem:$0x3FB2] =	sst s7  }
0x10: {  	[smem:$0x3FB3] =	sst s8  }
0x11: {  	[smem:$0x3FB4] =	sst s9;
	s0 =	simm.s32 @!p0 $0x0  }
0x12: {  	s1 =	sld [smem:$0x3F9A];
	s0 =	simm.s32 @p0 $0x1  }
0x13: {  	[smem:$0x3FB5] =	sst s0;
	s0 =	simm.s32 @!p1 $0x0  }
0x14: {  	s2 =	sld [smem:$0x3F99];
	s0 =	simm.s32 @p1 $0x1  }
0x15: {  	[smem:$0x3FB6] =	sst s0;
	s0 =	simm.s32 @!p2 $0x0  }
0x16: {  	s3 =	sld [smem:$0x3FDB];
	s0 =	simm.s32 @p2 $0x1  }
0x17: {  	s4 =	simm.s32 $0x1BF5;
	[smem:$0x3FB8] =	sst s0  }
0x18: {  	s0 =	sld [smem:$0x3F9B];
	_ =	swait.ge [sflag:s4], $0x0  }
0x19: {  	s7 =	sld [smem:$0x3F9C]  }
0x1a: {  	s8 =	sadd.s32 $0xFFFFE003, lr  }
0x1b: {  	s9 =	sadd.s32 $0xFFFFFEF7, lr;
	s5 =	simm.s32 $0xFFFFFFFF;
	p2 =	slt.u32 s8, $0xFFFFF086  }
0x1c: {  	p1 =	slt.u32 s9, $0xF7A;
	s5 =	simm.s32 @!p2 $0x0  }
0x1d: {  	s5 =	simm.s32 @p1 $0x1;
	p0 =	seq.s32 s7, s2  }
0x1e: {  	s7 =	smul.u32 @!p0 $0xF7A, s2;
	p2 =	seq.s32 @!p0 s5, $0x0  }
0x1f: {  	s9 =	smul.u32 $0xF7A, s1;
	s8 =	simm.s32 @!p0 $0x1BF5;
	p2 =	por !p2, p0  }
0x20: {  	[sflag:s8] =	ssyncset.s32 @!p0 $0xFFFFF086;
	s6 =	sadd.s32 @!p0 s3, s7;
	s7 =	simm.s32 @!p0 $0x108  }
0x21: {  	s3 =	sadd.s32 s3, s9;
	s6 =	sadd.s32 @!p0 $0x88, s6;
	s7 =	simm.s32 @p2 $0x1082  }
0x22: {  	[simem:s7], [sflag:s8] =	dma.local @!p0 [hbm:s6], $0xF7A  }
0x23: {  	s9 =	sor.u32 $0xD0000000, s2;
	s6 =	simm.s32 $0x108;
	_ =	swait.ge @!p0 [sflag:s8], $0x0  }
0x24: {  	s3 =	sadd.s32 $0x88, s3;
	s6 =	simm.s32 @!p1 $0x1082;
	[sflag:s4] =	ssyncset.s32 $0xFFFFF086  }
0x25: {  	[simem:s6], [sflag:s4] =	dma.local [hbm:s3], $0xF7A  }
0x26: {  	[smem:$0x3F9C] =	sst s1;
	(tag) =	ssettag s2;
	_ =	strace s9  }
0x27: {  	s1 =	sld [smem:$0x3FAC]  }
0x28: {  	s2 =	sld [smem:$0x3FAD]  }
0x29: {  	s4 =	sld [smem:$0x3FAF]  }
0x2a: {  	p0 =	seq.s32 s5, $0x0;
	s5 =	sld [smem:$0x3FB0]  }
0x2b: {  	s6 =	sld [smem:$0x3FB1]  }
0x2c: {  	s7 =	sld [smem:$0x3FB2]  }
0x2d: {  	s3 =	simm.s32 $0x108;
	s8 =	sld [smem:$0x3FB3]  }
0x2e: {  	s3 =	simm.s32 @!p0 $0x1082;
	s9 =	sld [smem:$0x3FB4]  }
0x2f: {  	lr =	sadd.s32 s0, s3;
	s0 =	sld [smem:$0x3FAB]  }
0x30: {  	s3 =	sld [smem:$0x3FAE]  }
0x31: {  	[smem:$0x3FB7] =	sst s10  }
0x32: {  	s10 =	sld [smem:$0x3FB5];
	_ =	sdelay $0x3  }
0x33: {  	p0 =	seq.s32 s10, $0x1;
	s10 =	sld [smem:$0x3FB7];
	_ =	sdelay $0x3  }
0x34: {  	[smem:$0x3FB7] =	sst s10  }
0x35: {  	s10 =	sld [smem:$0x3FB6];
	_ =	sdelay $0x3  }
0x36: {  	p1 =	seq.s32 s10, $0x1;
	s10 =	sld [smem:$0x3FB7];
	_ =	sdelay $0x3  }
0x37: {  	[smem:$0x3FB7] =	sst s10  }
0x38: {  	s10 =	sld [smem:$0x3FB8]  }
0x39: {  	_ = 	snop;
	(pc) =	sbr.ind lr, $3  }
0x3a: {  	_ = 	snop  }
0x3b: {  	_ = 	snop  }
0x3c: {  	p2 =	seq.s32 s10, $0x1;
	s10 =	sld [smem:$0x3FB7]  }
0x3d: {  	_ =	shalt  }
0x3e: {  	_ =	shalt  }
0x3f: {  	_ =	shalt  }
0x40: {  	_ =	shalt  }
0x41: {  	_ =	shalt  }
0x42: {  	_ =	shalt  }
0x43: {  	_ =	shalt  }
0x44: {  	_ =	shalt  }
0x45: {  	_ =	shalt  }
0x46: {  	_ =	shalt  }
0x47: {  	_ =	shalt  }
0x48: {  	_ =	shalt  }
0x49: {  	_ =	shalt  }
0x4a: {  	_ =	shalt  }
0x4b: {  	_ =	shalt  }
0x4c: {  	_ =	shalt  }
0x4d: {  	_ =	shalt  }
0x4e: {  	_ =	shalt  }
0x4f: {  	_ =	shalt  }
0x50: {  	_ =	shalt  }
0x51: {  	_ =	shalt  }
0x52: {  	_ =	shalt  }
0x53: {  	_ =	shalt  }
0x54: {  	_ =	shalt  }
0x55: {  	_ =	shalt  }
0x56: {  	_ =	shalt  }
0x57: {  	_ =	shalt  }
0x58: {  	_ =	shalt  }
0x59: {  	_ =	shalt  }
0x5a: {  	_ =	shalt  }
0x5b: {  	_ =	shalt  }
0x5c: {  	_ =	shalt  }
0x5d: {  	_ =	shalt  }
0x5e: {  	_ =	shalt  }
0x5f: {  	_ =	shalt  }
0x60: {  	_ =	shalt  }
0x61: {  	_ =	shalt  }
0x62: {  	_ =	shalt  }
0x63: {  	_ =	shalt  }
0x64: {  	_ =	shalt  }
0x65: {  	_ =	shalt  }
0x66: {  	_ =	shalt  }
0x67: {  	_ =	shalt  }
0x68: {  	_ =	shalt  }
0x69: {  	_ =	shalt  }
0x6a: {  	_ =	shalt  }
0x6b: {  	_ =	shalt  }
0x6c: {  	_ =	shalt  }
0x6d: {  	_ =	shalt  }
0x6e: {  	_ =	shalt  }
0x6f: {  	_ =	shalt  }
0x70: {  	_ =	shalt  }
0x71: {  	_ =	shalt  }
0x72: {  	_ =	shalt  }
0x73: {  	_ =	shalt  }
0x74: {  	_ =	shalt  }
0x75: {  	_ =	shalt  }
0x76: {  	_ =	shalt  }
0x77: {  	_ =	shalt  }
0x78: {  	_ =	shalt  }
0x79: {  	_ =	shalt  }
0x7a: {  	_ =	shalt  }
0x7b: {  	_ =	shalt  }
0x7c: {  	_ =	shalt  }
0x7d: {  	_ =	shalt  }
0x7e: {  	_ =	shalt  }
0x7f: {  	_ =	shalt  }
0x80: {  	_ =	shalt  }
0x81: {  	_ =	shalt  }
0x82: {  	_ =	shalt  }
0x83: {  	_ =	shalt  }
0x84: {  	_ =	shalt  }
0x85: {  	_ =	shalt  }
0x86: {  	_ =	shalt  }
0x87: {  	_ =	shalt  }
.Lfunc_end0:
.L_simem_size_0:
called_computation_lowered:
.L_overlay_start_0:
0x88: {  	s2 =	sld [smem:$0x3FD9]  }
0x89: {  	s3 =	sld [smem:$0x3FFE];
	_ =	sdelay $0x1  }
0x8a: {  	s1 =	srdreg.scid  }
0x8b: {  	s0 =	sand.u32 $0x1, s1  }
0x8c: {  	s17 =	sshll.u32 s0, $0xA;
	s2 =	sadd.s32 s3, s2  }
0x8d: {  	s2 =	sadd.s32 s2, s17  }
0x8e: {  	[smem:$0x3FC3] =	sst s2  }
0x8f: {  	_ = 	snop  }
0x90: {  	s2 =	sld [smem:$0x3FC9]  }
0x91: {  	s18 =	sld [smem:$0x3FD0];
	(tm) =	ssettm $0x1  }
0x92: {  	s4 =	sld [smem:$0x3FFB];
	_ =	sdelay $0x3  }
0x93: {  	_ =	strace s4  }
0x94: {  	s4 =	sld [smem:$0x3FFC];
	_ =	sdelay $0x3  }
0x95: {  	_ =	strace s4  }
0x96: {  	s4 =	sld [smem:$0x3FFD];
	_ =	sdelay $0x3  }
0x97: {  	_ =	strace s4  }
0x98: {  	_ =	strace $0x8FFFFFFF  }
0x99: {  	s19 =	sld [smem:$0x3FDB];
	_ =	sdelay $0x1  }
0x9a: {  	s5 =	simm.s32 $_scs_section_size  }
0x9b: {  	s6 =	simm.s32 $_size__tile_overlayer_lowered;
	s7 =	simm.s32 $_tile_overlayer_lowered  }
0x9c: {  	s22 =	simm.s32 $0x1BFF;
	s21 =	sshll.u32 s7, $0x1;
	s4 =	sadd.s32 s5, s19  }
0x9d: {  	s8 =	simm.s32 $0x0;
	s20 =	sshll.u32 s6, $0x1;
	s6 =	sadd.s32 s21, s4  }
0x9e: {  	[timem:s8], [sflag:s22] =	dma.local [hbm:s6], s20  }
0x9f: {  	_ =	swait.ge [sflag:s22], s20  }
0xa0: {  	s5 =	ssub.s32 $0x0, s20;
	[sflag:s22] =	ssyncset.done $0x0  }
0xa1: {  	[sflag:s22] =	ssyncadd.s32 s5;
	_ =	sdelay $0x1  }
0xa2: {  	s23 =	simm.s32 $0x1B8B  }
0xa3: {  	_ =	swait.ge [sflag:s23], $0x1  }
0xa4: {  	[sflag:s23] =	ssyncset.done $0x0  }
0xa5: {  	s25 =	simm.s32 $0x1B8E;
	s24 =	sld [smem:$0x3FFE];
	[sflag:s23] =	ssyncadd.s32 $0xFFFFFFFF  }
0xa6: {  	s26 =	simm.s32 $execute0_lowered;
	[smem:$0x3FD2] =	sst s25  }
0xa7: {  	s6 =	sshll.u32 s26, $0x1;
	_ =	strace $0x80000046;
	[dreg:$0x1] =	wrdreg $0xFFFFFFFF  }
0xa8: {  	s28 =	simm.s32 $_size_execute0_lowered;
	s4 =	sadd.s32 s4, s6;
	[dreg:$0x0] =	wrdreg $0x0  }
0xa9: {  	s6 =	sshll.u32 s28, $0x1;
	[dreg:$0x2] =	wrdreg s4  }
0xaa: {  	[dreg:$0x3] =	wrdreg s6  }
0xab: {  	[dreg:$0x4] =	wrdreg $0xC0  }
0xac: {  	_ =	task [dreg:s8], $0x5FFFF  }
0xad: {  	[dreg:$0x1] =	wrdreg $0xFFFFFFFF  }
0xae: {  	[dreg:$0x0] =	wrdreg $0x60  }
0xaf: {  	[dreg:$0x2] =	wrdreg s2  }
0xb0: {  	[dreg:$0x3] =	wrdreg s24  }
0xb1: {  	[dreg:$0x4] =	wrdreg s18  }
0xb2: {  	[dreg:$0x5] =	wrdreg $0x9  }
0xb3: {  	_ =	task.clear_ibuf [dreg:s8], $0x6FFFF;
	_ =	strace $0x90000046  }
0xb4: {  	s29 =	simm.s32 $0x9;
	_ =	strace $0x80000048  }
0xb5: {  	_ =	swait.ge [sflag:s29], $0x1  }
0xb6: {  	[sflag:s29] =	ssyncadd.s32 $0xFFFFFFFF  }
0xb7: {  	_ =	strace $0x90000048  }
0xb8: {  	_ =	sfence  }
0xb9: {  	s30 =	sld [smem:$0x0];
	_ =	sdelay $0x2  }
0xba: {  	s31 =	sshll.u32 s1, $0xD;
	s1 =	sshrl.u32 s1, $0x2  }
0xbb: {  	s3 =	sand.u32 $0x4000, s31;
	s1 =	sadd.s32 s1, s30  }
0xbc: {  	s0 =	sor.u32 s3, s0;
	s1 =	sshll.u32 s1, $0x11  }
0xbd: {  	s0 =	sor.u32 s1, s0  }
0xbe: {  	s0 =	sadd.s32 $0x8F2B, s0  }
0xbf: {  	[sflag:s0] =	ssyncadd.remote.s32 $0x1  }
0xc0: {  	_ =	sfence.sel $0xFFFF  }
0xc1: {  	[dreg:$0x0] =	wrdreg $0xFFFFFFFF;
	(pc) =	sbr.abs _section_cstart, $3  }
0xc2: {  	[dreg:$0x1] =	wrdreg $0xFFFFFFFF  }
0xc3: {  	_ =	task.clear_ibuf [dreg:s8], $0x2FFFF;
	_ =	strace $0x9FFFFFFF  }
0xc4: {  	(tm) =	ssettm $0x7FFFFFFF  }
0xc5: {  	_ =	shalt  }
tec
execute0_lowered:
.L_overlay_start_1:
0x0: {  	(tag) =	ssettag $0x1  }
0x1: {  	s7 =	rddreg [dreg:$0x0]  }
0x2: {  	s1 =	rddreg [dreg:$0x1]  }
0x3: {  	s8 =	rddreg [dreg:$0x2]  }
0x4: {  	s0 =	rddreg [dreg:$0x3]  }
0x5: {  	s2 =	simm.s32 $0x0;
	s3 =	srdreg.scid;
	s13 =	simm.s32 $0x400  }
0x6: {  	s14 =	simm.s32 $0x8400;
	s15 =	simm.s32 $0x1;
	s16 =	simm.s32 $0x300  }
0x7: {  	s17 =	simm.s32 $0x10800;
	s18 =	simm.s32 $0x0;
	[smem:$0x7FF] =	sst s2  }
0x8: {  	v0 =	vlaneseq.u32;
	vm0 =	vmmov $0x1;
	vm1 =	vcmask $0x704;
	s4 =	sadd.s32 $0xF42400, s1;
	s6 =	sand.u32 $0x1, s3;
	s5 =	sadd.s32 $0x1312E00, s1  }
0x9: {  	vm2 =	vcmask $0xB08;
	vm3 =	vcmask $0xF0C;
	vm4 =	vcmask $0x1310;
	s3 =	stileid.u32;
	_ =	strace $0x80000047;
	s9 =	ssub.s32 $0x2, s6  }
0xa: {  	vm5 =	vcmask $0x1714;
	vm6 =	vcmask $0x1B18;
	vm7 =	vcmask $0x1F1C;
	s11 =	sshll.u32 s3, $0x7;
	s12 =	sshll.u32 s6, $0x6;
	s6 =	sadd.s32 $0x1EA00, s1  }
0xb: {  	vm8 =	vcmask $0x2320;
	vm9 =	vcmask $0x2724;
	vm10 =	vcmask $0x2B28;
	s10 =	sshrl.u32 s9, $0x1;
	s31 =	sor.u32 s12, s11;
	s11 =	simm.s32 $0x200  }
0xc: {  	vm11 =	vcmask $0x2F2C;
	vm12 =	vcmask $0x3330;
	vm13 =	vcmask $0x3734;
	s12 =	simm.s32 $0x100;
	s9 =	ssub.s32 s9, s10;
	s7 =	sadd.s32 s7, s31  }
0xd: {  	vm14 =	vcmask $0x3B38;
	vm15 =	vmmov $0x7fff;
	v1 =	vor.u32 $0x10, v0;
	s8 =	sadd.s32 s8, s31;
	s10 =	simm.s32 $0x2;
	s9 =	smax.u32 s9, $0x1  }
.LBB2_1:
0xe: {  	[tilespmem:s2], [sflag:$0x2] =	stream.linear.gather [hbm4b:s7+s2], $0x200, $0x38;
	[tilespmem:$0x10A00] =	vst v63  }
0xf: {  	_ =	swait.ge [sflag:s10], $0x200  }
0x10: {  	[sflag:s10] =	ssyncset.done $0x0  }
0x11: {  	s19 =	simm.s32 $0x0;
	[sflag:s10] =	ssyncadd.s32 $0xFFFFFE00  }
0x12: {  	s20 =	simm.s32 $0x40;
	v2 =	vld [tilespmem:s19+$0x0]  }
.LBB2_2:
0x13: {  	p0 =	sne.s32 s20, $0x7C0  }
.Ltmp0:
0x14: {  	_ = 	snop;
	(pc) =	sbr.rel @p0 .LBB2_2-.Ltmp0, $3  }
0x15: {  	_ =	sdelay $0x1  }
0x16: {  	s21 =	sshra.s32 s20, $0x2;
	s20 =	sadd.s32 $0x40, s20;
	v3 =	vshra.s32 v2, $0x2  }
0x17: {  	v2 =	vld [tilespmem:s21+$0x0];
	[tilespmem:s19+$0x200] =	vst v3;
	s19 =	smov.u32 s21  }
0x18: {  	_ =	sdelay $0x3  }
0x19: {  	v2 =	vshra.s32 v2, $0x2  }
0x1a: {  	s21 =	simm.s32 $0x0;
	s22 =	simm.s32 $0x10400;
	[tilespmem:s19+$0x200] =	vst v2  }
0x1b: {  	[tilespmem:s22], [sflag:$0x1] =	stream.indirect.gather [hbm4b:s1+s11], $0x1, s21, s11, $0xb8;
	[tilespmem:$0x10A00] =	vst v63  }
0x1c: {  	s23 =	simm.s32 $0x10600  }
0x1d: {  	[tilespmem:s23], [sflag:$0x1] =	stream.indirect.gather [hbm4b:s6+s11], $0x1, s21, s11, $0xb8;
	[tilespmem:$0x10A00] =	vst v63  }
0x1e: {  	_ = 	snop  }
0x1f: {  	[tilespmem:s13], [sflag:$0x1] =	stream.indirect.gather [hbm4b:s4+s12], $0x80, s11, s12, $0xb8;
	[tilespmem:$0x10A00] =	vst v63  }
0x20: {  	_ = 	snop  }
0x21: {  	[tilespmem:s14], [sflag:$0x1] =	stream.indirect.gather [hbm4b:s5+s12], $0x80, s11, s12, $0xb8;
	[tilespmem:$0x10A00] =	vst v63  }
0x22: {  	_ =	swait.ge [sflag:s15], $0x8000  }
0x23: {  	[sflag:s15] =	ssyncset.done $0x0  }
0x24: {  	[sflag:s15] =	ssyncadd.s32 $0xFFFF8000  }
0x25: {  	_ =	swait.ge [sflag:s15], $0x8000  }
0x26: {  	[sflag:s15] =	ssyncset.done $0x0  }
0x27: {  	[sflag:s15] =	ssyncadd.s32 $0xFFFF8000  }
0x28: {  	_ =	swait.ge [sflag:s15], $0x200  }
0x29: {  	[sflag:s15] =	ssyncset.done $0x0  }
0x2a: {  	[sflag:s15] =	ssyncadd.s32 $0xFFFFFE00  }
0x2b: {  	_ =	swait.ge [sflag:s15], $0x200  }
0x2c: {  	[sflag:s15] =	ssyncset.done $0x0  }
0x2d: {  	[sflag:s15] =	ssyncadd.s32 $0xFFFFFE00  }
0x2e: {  	v2 =	vld [tilespmem:s21+$0x0];
	_ =	sdelay $0x4  }
0x2f: {  	v8 =	vshll.u32 v2, $0x5  }
0x30: {  	(v2sf) =	vpush v8, $0xF  }
0x31: {  	(v2sf) =	vpush v8, $0xE  }
0x32: {  	(v2sf) =	vpush v8, $0xD;
	_ =	sdelay $0x3  }
0x33: {  	(v2sf) =	vpush v8, $0xB;
	_ =	sdelay $0x3  }
0x34: {  	(v2sf) =	vpush v8, $0x9;
	_ =	sdelay $0x3  }
0x35: {  	(v2sf) =	vpush v8, $0x7  }
0x36: {  	s24 =	spop (v2sf)  }
0x37: {  	s20 =	spop (v2sf)  }
0x38: {  	s19 =	sand.u32 $0x60, s24;
	s24 =	spop (v2sf)  }
0x39: {  	s21 =	simm.s32 $0x780;
	(v2sf) =	vpush v8, $0x5;
	s24 =	sand.u32 $0x60, s24  }
0x3a: {  	s24 =	sor.u32 s24, s21  }
0x3b: {  	s24 =	sadd.s32 $0xFFFFFF00, s24  }
0x3c: {  	s25 =	spop (v2sf);
	v9 =	vor.u32 s24, v0  }
0x3d: {  	(v2sf) =	vpush v8, $0x3;
	s25 =	sand.u32 $0x60, s25  }
0x3e: {  	s26 =	sor.u32 s25, s21;
	v10 =	vor.u32 s24, v1  }
0x3f: {  	v7 =	vld [tilespmem:s22+$0x0];
	s22 =	sadd.s32 $0xFFFFFE00, s26  }
0x40: {  	v6 =	vld [tilespmem:s23+$0x0];
	s29 =	spop (v2sf);
	v11 =	vor.u32 s22, v0  }
0x41: {  	(v2sf) =	vpush v8, $0x1;
	s23 =	sand.u32 $0x60, s29;
	v12 =	vld.idx.msk [tilespmem:v9+s13+$0x0], $0xffff  }
0x42: {  	s23 =	sor.u32 s23, s21;
	v13 =	vor.u32 s22, v1;
	v9 =	vld.idx.msk [tilespmem:v9+s14+$0x0], $0xffff  }
0x43: {  	s30 =	sadd.s32 $0xFFFFFD00, s23;
	v14 =	vld.idx.msk [tilespmem:v10+s13+$0x0], $0xffff  }
0x44: {  	s31 =	spop (v2sf);
	v15 =	vor.u32 s30, v0;
	v10 =	vld.idx.msk [tilespmem:v10+s14+$0x0], $0xffff  }
0x45: {  	(v2sf) =	vpush v8, $0x0;
	s23 =	sand.u32 $0x60, s31;
	v16 =	vld.idx.msk [tilespmem:v11+s13+$0x0], $0xffff  }
0x46: {  	s23 =	sor.u32 s23, s21;
	v17 =	vor.u32 s30, v1;
	v11 =	vld.idx.msk [tilespmem:v11+s14+$0x0], $0xffff  }
0x47: {  	s24 =	sadd.s32 $0xFFFFFC00, s23;
	v18 =	vld.idx.msk [tilespmem:v13+s13+$0x0], $0xffff  }
0x48: {  	v19 =	vor.u32 s24, v0;
	v13 =	vld.idx.msk [tilespmem:v13+s14+$0x0], $0xffff;
	s25 =	spop (v2sf)  }
0x49: {  	v20 =	vld.idx.msk [tilespmem:v15+s13+$0x0], $0xffff;
	(v2sf) =	vpush v8, $0x2;
	s23 =	sand.u32 $0x60, s25  }
0x4a: {  	v21 =	vor.u32 s24, v1;
	v15 =	vld.idx.msk [tilespmem:v15+s14+$0x0], $0xffff;
	s23 =	sor.u32 s23, s21  }
0x4b: {  	v22 =	vld.idx.msk [tilespmem:v17+s13+$0x0], $0xffff;
	s26 =	sadd.s32 $0xFFFFFB00, s23  }
0x4c: {  	v17 =	vld.idx.msk [tilespmem:v17+s14+$0x0], $0xffff;
	s29 =	spop (v2sf);
	v23 =	vor.u32 s26, v0  }
0x4d: {  	v24 =	vld.idx.msk [tilespmem:v19+s13+$0x0], $0xffff;
	(v2sf) =	vpush v8, $0x4;
	s23 =	sand.u32 $0x60, s29  }
0x4e: {  	v19 =	vld.idx.msk [tilespmem:v19+s14+$0x0], $0xffff;
	s23 =	sor.u32 s23, s21;
	v25 =	vor.u32 s26, v1  }
0x4f: {  	v26 =	vld.idx.msk [tilespmem:v21+s13+$0x0], $0xffff;
	s30 =	sadd.s32 $0xFFFFFA00, s23  }
0x50: {  	v21 =	vld.idx.msk [tilespmem:v21+s14+$0x0], $0xffff;
	s31 =	spop (v2sf);
	v27 =	vor.u32 s30, v0  }
0x51: {  	s23 =	sand.u32 $0x60, s31;
	v28 =	vld.idx.msk [tilespmem:v23+s13+$0x0], $0xffff  }
0x52: {  	(v2sf) =	vpush v8, $0x6;
	s23 =	sor.u32 s23, s21;
	v29 =	vor.u32 s30, v1;
	v23 =	vld.idx.msk [tilespmem:v23+s14+$0x0], $0xffff  }
0x53: {  	s24 =	sadd.s32 $0xFFFFF900, s23;
	v30 =	vld.idx.msk [tilespmem:v25+s13+$0x0], $0xffff  }
0x54: {  	s25 =	spop (v2sf);
	v31 =	vor.u32 s24, v0;
	v25 =	vld.idx.msk [tilespmem:v25+s14+$0x0], $0xffff  }
0x55: {  	s23 =	sand.u32 $0x60, s25;
	v32 =	vld.idx.msk [tilespmem:v27+s13+$0x0], $0xffff  }
0x56: {  	(v2sf) =	vpush v8, $0x8;
	s23 =	sor.u32 s23, s21;
	v33 =	vor.u32 s24, v1;
	v27 =	vld.idx.msk [tilespmem:v27+s14+$0x0], $0xffff  }
0x57: {  	s26 =	sadd.s32 $0xFFFFF880, s23;
	v34 =	vld.idx.msk [tilespmem:v29+s13+$0x0], $0xffff  }
0x58: {  	v35 =	vor.u32 s26, v0;
	v29 =	vld.idx.msk [tilespmem:v29+s14+$0x0], $0xffff;
	s29 =	spop (v2sf)  }
0x59: {  	v37 =	vor.u32 s26, v1;
	v36 =	vld.idx.msk [tilespmem:v31+s13+$0x0], $0xffff;
	s23 =	sand.u32 $0x60, s29  }
0x5a: {  	v9 =	vmul.f32 v9, v12;
	v10 =	vmul.f32 v10, v14;
	v31 =	vld.idx.msk [tilespmem:v31+s14+$0x0], $0xffff;
	s30 =	sor.u32 s23, s21  }
0x5b: {  	v11 =	vmul.f32 v11, v16;
	v13 =	vmul.f32 v13, v18;
	v12 =	vld.idx.msk [tilespmem:v33+s13+$0x0], $0xffff;
	s22 =	sadd.s32 $0xFFFFF980, s30  }
0x5c: {  	v15 =	vmul.f32 v15, v20;
	v17 =	vmul.f32 v17, v22;
	v14 =	vld.idx.msk [tilespmem:v33+s14+$0x0], $0xffff;
	s31 =	spop (v2sf);
	v62 =	vor.u32 s22, v0  }
0x5d: {  	v9 =	vadd.f32 v10, v9;
	(v2sf) =	vpush v8, $0xA;
	v10 =	vld.idx.msk [tilespmem:v35+s14+$0x0], $0xffff;
	s23 =	sand.u32 $0x60, s31  }
0x5e: {  	v11 =	vadd.f32 v13, v11;
	v13 =	vadd.f32 v17, v15;
	v15 =	vld.idx.msk [tilespmem:v37+s13+$0x0], $0xffff;
	s24 =	sor.u32 s23, s21;
	v63 =	vor.u32 s22, v1  }
0x5f: {  	(xrf2) =	vadd.scan.msk.f32 $0xffff, v9;
	v9 =	vmul.f32 v19, v24;
	v26 =	vmul.f32 v21, v26;
	v33 =	vld.idx.msk [tilespmem:v37+s14+$0x0], $0xffff;
	s22 =	sadd.s32 $0xFFFFFA80, s24  }
0x60: {  	(xrf2) =	vadd.scan.msk.f32 $0xffff, v11;
	(v2sf) =	vpush v8, $0xC;
	v8 =	vld.idx.msk [tilespmem:v35+s13+$0x0], $0xffff;
	v35 =	vor.u32 s22, v0  }
0x61: {  	v9 =	vadd.f32 v26, v9;
	v11 =	vmul.f32 v23, v28;
	v37 =	vmul.f32 v25, v30;
	s25 =	spop (v2sf);
	v38 =	vld.idx.msk [tilespmem:v62+s13+$0x0], $0xffff  }
0x62: {  	(xrf2) =	vadd.scan.msk.f32 $0xffff, v13;
	v40 =	vmul.f32 v27, v32;
	v41 =	vmul.f32 v29, v34;
	s23 =	sand.u32 $0x60, s25;
	v39 =	vor.u32 s22, v1;
	v13 =	vld.idx.msk [tilespmem:v62+s14+$0x0], $0xffff  }
0x63: {  	(xrf2) =	vadd.scan.msk.f32 $0xffff, v9;
	v9 =	vmul.f32 v31, v36;
	v12 =	vmul.f32 v14, v12;
	s26 =	sor.u32 s23, s21;
	v42 =	vld.idx.msk [tilespmem:v63+s13+$0x0], $0xffff  }
0x64: {  	v11 =	vadd.f32 v37, v11;
	s22 =	sadd.s32 $0xFFFFFB80, s26;
	v14 =	vld.idx.msk [tilespmem:v63+s14+$0x0], $0xffff  }
0x65: {  	s29 =	spop (v2sf);
	v17 =	vadd.f32 v41, v40;
	v9 =	vadd.f32 v12, v9;
	v12 =	vor.u32 s22, v1;
	v44 =	vld.idx.msk [tilespmem:v35+s13+$0x0], $0xffff  }
0x66: {  	s23 =	sand.u32 $0x60, s29;
	(xrf2) =	vadd.scan.msk.f32 $0xffff, v11;
	v8 =	vmul.f32 v10, v8;
	v10 =	vmul.f32 v33, v15;
	v11 =	vld.idx.msk [tilespmem:v35+s14+$0x0], $0xffff  }
0x67: {  	s30 =	sor.u32 s23, s21;
	(xrf2) =	vadd.scan.msk.f32 $0xffff, v17;
	v43 =	vor.u32 s22, v0;
	v15 =	vld.idx.msk [tilespmem:v39+s13+$0x0], $0xffff  }
0x68: {  	s22 =	sadd.s32 $0xFFFFFC80, s30;
	(xrf2) =	vadd.scan.msk.f32 $0xffff, v9;
	v8 =	vadd.f32 v10, v8;
	v9 =	vld.idx.msk [tilespmem:v39+s14+$0x0], $0xffff  }
0x69: {  	v10 =	vor.u32 s22, v0;
	v13 =	vmul.f32 v13, v38;
	v14 =	vmul.f32 v14, v42  }
0x6a: {  	(xrf2) =	vadd.scan.msk.f32 $0xffff, v8;
	v47 =	vld.idx.msk [tilespmem:v12+s13+$0x0], $0xffff  }
0x6b: {  	v46 =	vor.u32 s22, v1;
	v12 =	vld.idx.msk [tilespmem:v12+s14+$0x0], $0xffff;
	v13 =	vadd.f32 v14, v13  }
0x6c: {  	s20 =	sand.u32 $0x60, s20;
	v45 =	vld.idx.msk [tilespmem:v43+s13+$0x0], $0xffff;
	s31 =	spop (v2sf)  }
0x6d: {  	s20 =	sor.u32 s20, s21;
	v8 =	vld.idx.msk [tilespmem:v43+s14+$0x0], $0xffff;
	v11 =	vmul.f32 v11, v44;
	v9 =	vmul.f32 v9, v15;
	s23 =	sand.u32 $0x60, s31;
	v14, _, _ =	vpop (xrf2)  }
0x6e: {  	s20 =	sadd.s32 $0xFFFFFF80, s20;
	v50 =	vld.idx.msk [tilespmem:v10+s13+$0x0], $0xffff;
	s24 =	sor.u32 s23, s21;
	(xrf2) =	vadd.scan.msk.f32 $0xffff, v13;
	v49, _, _ =	vpop (xrf2)  }
0x6f: {  	v5 =	vor.u32 s20, v0;
	v10 =	vld.idx.msk [tilespmem:v10+s14+$0x0], $0xffff;
	v9 =	vadd.f32 v9, v11;
	s22 =	sadd.s32 $0xFFFFFD80, s24;
	v13, _, _ =	vpop (xrf2)  }
0x70: {  	v52 =	vld.idx.msk [tilespmem:v46+s13+$0x0], $0xffff;
	v12 =	vmul.f32 v12, v47;
	v48 =	vor.u32 s22, v0;
	v51, _, _ =	vpop (xrf2)  }
0x71: {  	v17 =	vld.idx.msk [tilespmem:v46+s14+$0x0], $0xffff;
	v11, _, _ =	vpop (xrf2)  }
0x72: {  	s25 =	spop (v2sf);
	v8 =	vmul.f32 v8, v45;
	v15 =	vor.u32 s22, v1;
	v54, _, _ =	vpop (xrf2)  }
0x73: {  	s23 =	sand.u32 $0x60, s25;
	(xrf2) =	vadd.scan.msk.f32 $0xffff, v9;
	v9, _, _ =	vpop (xrf2)  }
0x74: {  	s19 =	sor.u32 s21, s19;
	v4 =	vld.idx.msk [tilespmem:v5+s13+$0x0], $0xffff;
	s21 =	sor.u32 s23, s21;
	v8 =	vadd.f32 v12, v8;
	v10 =	vmul.f32 v10, v50;
	v12, _, _ =	vpop (xrf2)  }
0x75: {  	v6 =	vadd.f32 v6, v7;
	v59 =	vor.u32 s20, v1;
	s21 =	sadd.s32 $0xFFFFFE80, s21;
	v55 =	vld.idx.msk [tilespmem:v48+s13+$0x0], $0xffff;
	v7 =	vbroadcast v12, $0xF  }
0x76: {  	v17 =	vmul.f32 v17, v52;
	v53 =	vor.u32 s21, v0;
	v56 =	vld.idx.msk [tilespmem:v48+s14+$0x0], $0xffff  }
0x77: {  	v57 =	vor.u32 s21, v1;
	v58 =	vld.idx.msk [tilespmem:v15+s13+$0x0], $0xffff;
	v7 =	vnsel vm0, $0x0, v7  }
0x78: {  	v15 =	vld.idx.msk [tilespmem:v15+s14+$0x0], $0xffff;
	v6 =	vadd.f32 v7, v6;
	v7 =	vadd.f32 v17, v10;
	v10, _, _ =	vpop (xrf2)  }
0x79: {  	v5 =	vld.idx.msk [tilespmem:v5+s14+$0x0], $0xffff;
	v9 =	vbroadcast v9, $0xF;
	v10 =	vbroadcast v10, $0xF  }
0x7a: {  	v63 =	vld.idx.msk [tilespmem:v59+s13+$0x0], $0xffff;
	(xrf2) =	vadd.scan.msk.f32 $0xffff, v8  }
0x7b: {  	v8 =	vld.idx.msk [tilespmem:v53+s14+$0x0], $0xffff;
	v9 =	vnsel vm1, $0x0, v9;
	v10 =	vnsel vm2, $0x0, v10  }
0x7c: {  	v60 =	vld.idx.msk [tilespmem:v57+s13+$0x0], $0xffff;
	v6 =	vadd.f32 v9, v6  }
0x7d: {  	v3 =	vor.u32 s19, v0;
	v12 =	vld.idx.msk [tilespmem:v53+s13+$0x0], $0xffff;
	v15 =	vmul.f32 v15, v58;
	v9 =	vmul.f32 v56, v55  }
0x7e: {  	v62 =	vbroadcast v54, $0xF;
	v61 =	vld.idx.msk [tilespmem:v57+s14+$0x0], $0xffff;
	(xrf2) =	vadd.scan.msk.f32 $0xffff, v7;
	v6 =	vadd.f32 v10, v6;
	v10, _, _ =	vpop (xrf2)  }
0x7f: {  	v7 =	vor.u32 s19, v1;
	v9 =	vadd.f32 v15, v9;
	v15 =	vld.idx.msk [tilespmem:v59+s14+$0x0], $0xffff;
	v10 =	vbroadcast v10, $0xF;
	_ =	sdelay $0x1  }
0x80: {  	v16 =	vnsel vm3, $0x0, v62;
	(xrf2) =	vadd.scan.msk.f32 $0xffff, v9;
	v9 =	vnsel vm4, $0x0, v10  }
0x81: {  	v2 =	vld.idx.msk [tilespmem:v3+s13+$0x0], $0xffff;
	v8 =	vmul.f32 v8, v12;
	v6 =	vadd.f32 v16, v6  }
0x82: {  	v3 =	vld.idx.msk [tilespmem:v3+s14+$0x0], $0xffff;
	v12 =	vmul.f32 v61, v60;
	v10 =	vbroadcast v11, $0xF  }
0x83: {  	v4 =	vmul.f32 v5, v4;
	v11 =	vld.idx.msk [tilespmem:v7+s13+$0x0], $0xffff;
	v5 =	vmul.f32 v15, v63;
	v6 =	vadd.f32 v9, v6;
	v9, _, _ =	vpop (xrf2)  }
0x84: {  	v8 =	vadd.f32 v12, v8;
	v7 =	vld.idx.msk [tilespmem:v7+s14+$0x0], $0xffff;
	v10 =	vnsel vm5, $0x0, v10;
	v9 =	vbroadcast v9, $0xF  }
0x85: {  	v6 =	vadd.f32 v10, v6  }
0x86: {  	(xrf2) =	vadd.scan.msk.f32 $0xffff, v8;
	v8 =	vnsel vm6, $0x0, v9;
	v9 =	vbroadcast v51, $0xF  }
0x87: {  	v4 =	vadd.f32 v5, v4;
	v5, _, _ =	vpop (xrf2);
	v6 =	vadd.f32 v8, v6  }
0x88: {  	v5 =	vbroadcast v5, $0xF;
	v8 =	vnsel vm7, $0x0, v9  }
0x89: {  	v2 =	vmul.f32 v3, v2;
	v3 =	vmul.f32 v7, v11;
	v6 =	vadd.f32 v8, v6  }
0x8a: {  	(xrf2) =	vadd.scan.msk.f32 $0xffff, v4;
	v4 =	vnsel vm8, $0x0, v5;
	v5 =	vbroadcast v13, $0xF  }
0x8b: {  	v4 =	vadd.f32 v4, v6  }
0x8c: {  	v5 =	vnsel vm9, $0x0, v5  }
0x8d: {  	v2 =	vadd.f32 v3, v2;
	v3, _, _ =	vpop (xrf2);
	v4 =	vadd.f32 v5, v4  }
0x8e: {  	v3 =	vbroadcast v3, $0xF;
	_ =	sdelay $0x1  }
0x8f: {  	(xrf2) =	vadd.scan.msk.f32 $0xffff, v2;
	v2 =	vnsel vm10, $0x0, v3  }
0x90: {  	v3 =	vbroadcast v49, $0xF;
	v2 =	vadd.f32 v2, v4;
	v4, _, _ =	vpop (xrf2)  }
0x91: {  	v4 =	vbroadcast v4, $0xF  }
0x92: {  	v3 =	vnsel vm11, $0x0, v3  }
0x93: {  	v2 =	vadd.f32 v3, v2;
	v3 =	vnsel vm12, $0x0, v4;
	_ =	sdelay $0x2  }
0x94: {  	v2 =	vadd.f32 v3, v2;
	v3, _, _ =	vpop (xrf2)  }
0x95: {  	v4 =	vbroadcast v14, $0xF;
	v3 =	vbroadcast v3, $0xF;
	_ =	sdelay $0x1  }
0x96: {  	v4 =	vnsel vm13, $0x0, v4;
	v3 =	vnsel vm14, $0x0, v3  }
0x97: {  	v2 =	vadd.f32 v4, v2;
	_ =	sdelay $0x1  }
0x98: {  	v2 =	vadd.f32 v3, v2;
	v3, _, _ =	vpop (xrf2)  }
0x99: {  	v3 =	vsel vm15, $0x0, v3  }
0x9a: {  	v2 =	vadd.f32 v3, v2  }
0x9b: {  	s19 =	simm.s32 $0x10800  }
0x9c: {  	s22 =	simm.s32 $0x10;
	[tilespmem:s19+$0x0] =	vst v2  }
0x9d: {  	v2 =	vld [tilespmem:s22+$0x0];
	_ =	sdelay $0x4  }
0x9e: {  	v8 =	vshll.u32 v2, $0x5  }
0x9f: {  	(v2sf) =	vpush v8, $0xF  }
0xa0: {  	(v2sf) =	vpush v8, $0xE  }
0xa1: {  	(v2sf) =	vpush v8, $0xD  }
0xa2: {  	(v2sf) =	vpush v8, $0xB;
	_ =	sdelay $0xa  }
0xa3: {  	(v2sf) =	vpush v8, $0x9  }
0xa4: {  	s26 =	spop (v2sf)  }
0xa5: {  	s29 =	spop (v2sf)  }
0xa6: {  	s30 =	spop (v2sf)  }
0xa7: {  	s28 =	spop (v2sf);
	(v2sf) =	vpush v8, $0x7;
	_ =	sdelay $0x2  }
0xa8: {  	s25 =	simm.s32 $0xF80;
	s20 =	sand.u32 $0x60, s26;
	s21 =	sand.u32 $0x60, s29  }
0xa9: {  	s20 =	sor.u32 s25, s20;
	s23 =	sand.u32 $0x60, s30;
	s21 =	sor.u32 s21, s25;
	(v2sf) =	vpush v8, $0x5  }
0xaa: {  	v3 =	vor.u32 s20, v0;
	s23 =	sor.u32 s23, s25;
	s21 =	sadd.s32 $0xFFFFFF80, s21  }
0xab: {  	s26 =	sadd.s32 $0xFFFFFF00, s23;
	v5 =	vor.u32 s21, v0  }
0xac: {  	s24 =	simm.s32 $0x10410;
	v10 =	vor.u32 s26, v0  }
0xad: {  	v7 =	vld [tilespmem:s24+$0x0];
	s28 =	sand.u32 $0x60, s28;
	s23 =	simm.s32 $0x10610;
	(v2sf) =	vpush v8, $0x3  }
0xae: {  	s28 =	sor.u32 s28, s25;
	v6 =	vld [tilespmem:s23+$0x0];
	v13 =	vor.u32 s26, v1  }
0xaf: {  	s31 =	sadd.s32 $0xFFFFFE00, s28;
	v2 =	vld.idx.msk [tilespmem:v3+s13+$0x0], $0xffff  }
0xb0: {  	s29 =	spop (v2sf);
	v11 =	vor.u32 s31, v0;
	v4 =	vld.idx.msk [tilespmem:v5+s13+$0x0], $0xffff  }
0xb1: {  	s28 =	sand.u32 $0x60, s29;
	(v2sf) =	vpush v8, $0x1;
	v9 =	vld.idx.msk [tilespmem:v10+s13+$0x0], $0xffff  }
0xb2: {  	s26 =	simm.s32 $0x2F;
	s28 =	sor.u32 s28, s25;
	v12 =	vor.u32 s31, v1;
	v10 =	vld.idx.msk [tilespmem:v10+s14+$0x0], $0xffff  }
.LBB2_4:
0xb3: {  	p0 =	sne.s32 s26, $0xFF;
	s28 =	sadd.s32 $0xFFFFFD00, s28;
	v14 =	vld.idx.msk [tilespmem:v13+s13+$0x0], $0xffff  }
0xb4: {  	v15 =	vor.u32 s28, v0;
	v13 =	vld.idx.msk [tilespmem:v13+s14+$0x0], $0xffff;
	s29 =	spop (v2sf)  }
0xb5: {  	s29 =	sand.u32 $0x60, s29;
	v16 =	vld.idx.msk [tilespmem:v11+s13+$0x0], $0xffff;
	(v2sf) =	vpush v8, $0x0  }
0xb6: {  	v17 =	vor.u32 s28, v1;
	s29 =	sor.u32 s29, s25;
	v11 =	vld.idx.msk [tilespmem:v11+s14+$0x0], $0xffff  }
0xb7: {  	s28 =	sadd.s32 $0xFFFFFC00, s29;
	v18 =	vld.idx.msk [tilespmem:v12+s13+$0x0], $0xffff  }
0xb8: {  	v19 =	vor.u32 s28, v0;
	v12 =	vld.idx.msk [tilespmem:v12+s14+$0x0], $0xffff;
	s29 =	spop (v2sf)  }
0xb9: {  	s29 =	sand.u32 $0x60, s29;
	v20 =	vld.idx.msk [tilespmem:v15+s13+$0x0], $0xffff;
	(v2sf) =	vpush v8, $0x2  }
0xba: {  	v21 =	vor.u32 s28, v1;
	s29 =	sor.u32 s29, s25;
	v15 =	vld.idx.msk [tilespmem:v15+s14+$0x0], $0xffff  }
0xbb: {  	s28 =	sadd.s32 $0xFFFFFB00, s29;
	v22 =	vld.idx.msk [tilespmem:v17+s13+$0x0], $0xffff  }
0xbc: {  	v23 =	vor.u32 s28, v0;
	v17 =	vld.idx.msk [tilespmem:v17+s14+$0x0], $0xffff;
	s29 =	spop (v2sf)  }
0xbd: {  	s29 =	sand.u32 $0x60, s29;
	v24 =	vld.idx.msk [tilespmem:v19+s13+$0x0], $0xffff;
	(v2sf) =	vpush v8, $0x4  }
0xbe: {  	v25 =	vor.u32 s28, v1;
	s29 =	sor.u32 s29, s25;
	v19 =	vld.idx.msk [tilespmem:v19+s14+$0x0], $0xffff  }
0xbf: {  	s28 =	sadd.s32 $0xFFFFFA00, s29;
	v26 =	vld.idx.msk [tilespmem:v21+s13+$0x0], $0xffff  }
0xc0: {  	v27 =	vor.u32 s28, v0;
	v21 =	vld.idx.msk [tilespmem:v21+s14+$0x0], $0xffff;
	s29 =	spop (v2sf)  }
0xc1: {  	v9 =	vmul.f32 v10, v9;
	v10 =	vmul.f32 v13, v14;
	s29 =	sand.u32 $0x60, s29;
	v28 =	vld.idx.msk [tilespmem:v23+s13+$0x0], $0xffff;
	(v2sf) =	vpush v8, $0x6  }
0xc2: {  	v13 =	vor.u32 s28, v1;
	s29 =	sor.u32 s29, s25;
	v14 =	vld.idx.msk [tilespmem:v23+s14+$0x0], $0xffff  }
0xc3: {  	v9 =	vadd.f32 v10, v9;
	s28 =	sadd.s32 $0xFFFFF900, s29;
	v23 =	vld.idx.msk [tilespmem:v25+s13+$0x0], $0xffff  }
0xc4: {  	v11 =	vmul.f32 v11, v16;
	v12 =	vmul.f32 v12, v18;
	v10 =	vor.u32 s28, v0;
	v25 =	vld.idx.msk [tilespmem:v25+s14+$0x0], $0xffff;
	s29 =	spop (v2sf)  }
0xc5: {  	s29 =	sand.u32 $0x60, s29;
	v16 =	vld.idx.msk [tilespmem:v27+s13+$0x0], $0xffff;
	(v2sf) =	vpush v8, $0x8;
	(xrf2) =	vadd.scan.msk.f32 $0xffff, v9  }
0xc6: {  	v11 =	vadd.f32 v12, v11;
	v9 =	vor.u32 s28, v1;
	s29 =	sor.u32 s29, s25;
	v18 =	vld.idx.msk [tilespmem:v27+s14+$0x0], $0xffff  }
0xc7: {  	v15 =	vmul.f32 v15, v20;
	v17 =	vmul.f32 v17, v22;
	s28 =	sadd.s32 $0xFFFFF880, s29;
	v12 =	vld.idx.msk [tilespmem:v13+s13+$0x0], $0xffff  }
0xc8: {  	v20 =	vor.u32 s28, v0;
	v13 =	vld.idx.msk [tilespmem:v13+s14+$0x0], $0xffff;
	s29 =	spop (v2sf);
	(xrf2) =	vadd.scan.msk.f32 $0xffff, v11  }
0xc9: {  	v15 =	vadd.f32 v17, v15;
	v11 =	vld.idx.msk [tilespmem:v10+s13+$0x0], $0xffff;
	s29 =	sand.u32 $0x60, s29;
	(v2sf) =	vpush v8, $0xA  }
0xca: {  	v19 =	vmul.f32 v19, v24;
	v21 =	vmul.f32 v21, v26;
	v17 =	vor.u32 s28, v1;
	v10 =	vld.idx.msk [tilespmem:v10+s14+$0x0], $0xffff;
	s28 =	sor.u32 s29, s25  }
0xcb: {  	v22 =	vld.idx.msk [tilespmem:v9+s13+$0x0], $0xffff;
	s28 =	sadd.s32 $0xFFFFF980, s28;
	(xrf2) =	vadd.scan.msk.f32 $0xffff, v15  }
0xcc: {  	v19 =	vadd.f32 v21, v19;
	v15 =	vld.idx.msk [tilespmem:v9+s14+$0x0], $0xffff;
	v9 =	vor.u32 s28, v0;
	s29 =	spop (v2sf)  }
0xcd: {  	v14 =	vmul.f32 v14, v28;
	v23 =	vmul.f32 v25, v23;
	v21 =	vld.idx.msk [tilespmem:v20+s13+$0x0], $0xffff;
	s29 =	sand.u32 $0x60, s29;
	(v2sf) =	vpush v8, $0xC  }
0xce: {  	v24 =	vor.u32 s28, v1;
	v20 =	vld.idx.msk [tilespmem:v20+s14+$0x0], $0xffff;
	s28 =	sor.u32 s29, s25;
	(xrf2) =	vadd.scan.msk.f32 $0xffff, v19  }
0xcf: {  	v14 =	vadd.f32 v23, v14;
	v19 =	vld.idx.msk [tilespmem:v17+s13+$0x0], $0xffff;
	s28 =	sadd.s32 $0xFFFFFA80, s28;
	v8, _, _ =	vpop (xrf2)  }
0xd0: {  	v16 =	vmul.f32 v18, v16;
	v12 =	vmul.f32 v13, v12;
	v17 =	vld.idx.msk [tilespmem:v17+s14+$0x0], $0xffff;
	v13 =	vor.u32 s28, v0;
	s29 =	spop (v2sf)  }
0xd1: {  	v18 =	vld.idx.msk [tilespmem:v9+s13+$0x0], $0xffff;
	s29 =	sand.u32 $0x60, s29;
	(xrf2) =	vadd.scan.msk.f32 $0xffff, v14  }
0xd2: {  	v12 =	vadd.f32 v12, v16;
	v16 =	vor.u32 s28, v1;
	v14 =	vld.idx.msk [tilespmem:v9+s14+$0x0], $0xffff;
	s28 =	sor.u32 s29, s25;
	v9, _, _ =	vpop (xrf2)  }
0xd3: {  	v25 =	vmul.f32 v10, v11;
	v11 =	vmul.f32 v15, v22;
	v15 =	vld.idx.msk [tilespmem:v24+s13+$0x0], $0xffff;
	s28 =	sadd.s32 $0xFFFFFB80, s28  }
0xd4: {  	v22 =	vld.idx.msk [tilespmem:v24+s14+$0x0], $0xffff;
	v23 =	vor.u32 s28, v0;
	(xrf2) =	vadd.scan.msk.f32 $0xffff, v12;
	s29 =	spop (v2sf)  }
0xd5: {  	v11 =	vadd.f32 v11, v25;
	v12 =	vld.idx.msk [tilespmem:v13+s13+$0x0], $0xffff;
	s29 =	sand.u32 $0x60, s29;
	v10, _, _ =	vpop (xrf2)  }
0xd6: {  	v24 =	vmul.f32 v20, v21;
	v17 =	vmul.f32 v17, v19;
	v19 =	vor.u32 s28, v1;
	v13 =	vld.idx.msk [tilespmem:v13+s14+$0x0], $0xffff;
	s28 =	sor.u32 s29, s25  }
0xd7: {  	v21 =	vld.idx.msk [tilespmem:v16+s13+$0x0], $0xffff;
	s28 =	sadd.s32 $0xFFFFFC80, s28;
	(xrf2) =	vadd.scan.msk.f32 $0xffff, v11  }
0xd8: {  	v11 =	vadd.f32 v17, v24;
	v16 =	vld.idx.msk [tilespmem:v16+s14+$0x0], $0xffff;
	v17 =	vor.u32 s28, v0;
	v20, _, _ =	vpop (xrf2);
	s29 =	spop (v2sf)  }
0xd9: {  	v24 =	vld.idx.msk [tilespmem:v23+s13+$0x0], $0xffff;
	s29 =	sand.u32 $0x60, s29  }
0xda: {  	v14 =	vmul.f32 v14, v18;
	v15 =	vmul.f32 v22, v15;
	v22 =	vor.u32 s28, v1;
	v18 =	vld.idx.msk [tilespmem:v23+s14+$0x0], $0xffff;
	s28 =	sor.u32 s29, s25;
	(xrf2) =	vadd.scan.msk.f32 $0xffff, v11  }
0xdb: {  	v11 =	vld.idx.msk [tilespmem:v19+s13+$0x0], $0xffff;
	s28 =	sadd.s32 $0xFFFFFD80, s28;
	v23, _, _ =	vpop (xrf2)  }
0xdc: {  	v26 =	vadd.f32 v15, v14;
	v15 =	vld.idx.msk [tilespmem:v19+s14+$0x0], $0xffff;
	v19 =	vor.u32 s28, v0;
	s29 =	spop (v2sf)  }
0xdd: {  	v25 =	vld.idx.msk [tilespmem:v17+s13+$0x0], $0xffff;
	s29 =	sand.u32 $0x60, s29  }
0xde: {  	v12 =	vmul.f32 v13, v12;
	v13 =	vmul.f32 v16, v21;
	v16 =	vld.idx.msk [tilespmem:v17+s14+$0x0], $0xffff;
	v17 =	vor.u32 s28, v1;
	s25 =	sor.u32 s29, s25;
	(xrf2) =	vadd.scan.msk.f32 $0xffff, v26;
	v14, _, _ =	vpop (xrf2)  }
0xdf: {  	v21 =	vld.idx.msk [tilespmem:v22+s13+$0x0], $0xffff;
	s25 =	sadd.s32 $0xFFFFFE80, s25  }
0xe0: {  	v12 =	vadd.f32 v13, v12;
	v13 =	vld.idx.msk [tilespmem:v22+s14+$0x0], $0xffff;
	v22 =	vor.u32 s25, v0  }
0xe1: {  	v26 =	vld.idx.msk [tilespmem:v19+s13+$0x0], $0xffff;
	v27, _, _ =	vpop (xrf2)  }
0xe2: {  	v24 =	vmul.f32 v18, v24;
	v11 =	vmul.f32 v15, v11;
	v15 =	vld.idx.msk [tilespmem:v19+s14+$0x0], $0xffff;
	v19 =	vor.u32 s25, v1;
	(xrf2) =	vadd.scan.msk.f32 $0xffff, v12  }
0xe3: {  	v12 =	vld.idx.msk [tilespmem:v17+s13+$0x0], $0xffff  }
0xe4: {  	v11 =	vadd.f32 v11, v24;
	v17 =	vld.idx.msk [tilespmem:v17+s14+$0x0], $0xffff;
	v18, _, _ =	vpop (xrf2)  }
0xe5: {  	v6 =	vadd.f32 v6, v7;
	v7 =	vbroadcast v18, $0xF;
	v18 =	vld.idx.msk [tilespmem:v22+s13+$0x0], $0xffff  }
0xe6: {  	v25 =	vmul.f32 v16, v25;
	v13 =	vmul.f32 v13, v21;
	v21 =	vld.idx.msk [tilespmem:v22+s14+$0x0], $0xffff;
	v22 =	vor.u32 s21, v1;
	(xrf2) =	vadd.scan.msk.f32 $0xffff, v11  }
0xe7: {  	v11 =	vbroadcast v27, $0xF;
	v7 =	vnsel vm0, $0x0, v7;
	v24 =	vld.idx.msk [tilespmem:v19+s13+$0x0], $0xffff  }
0xe8: {  	v6 =	vadd.f32 v7, v6;
	v7 =	vadd.f32 v13, v25;
	v13 =	vld.idx.msk [tilespmem:v19+s14+$0x0], $0xffff;
	v16, _, _ =	vpop (xrf2)  }
0xe9: {  	v11 =	vnsel vm1, $0x0, v11;
	v19 =	vor.u32 s20, v1;
	v16 =	vbroadcast v16, $0xF;
	v5 =	vld.idx.msk [tilespmem:v5+s14+$0x0], $0xffff  }
0xea: {  	v17 =	vmul.f32 v17, v12;
	v6 =	vadd.f32 v11, v6;
	v11 =	vmul.f32 v15, v26;
	(xrf2) =	vadd.scan.msk.f32 $0xffff, v7  }
0xeb: {  	v14 =	vbroadcast v14, $0xF;
	v7 =	vnsel vm2, $0x0, v16;
	v15 =	vld.idx.msk [tilespmem:v22+s13+$0x0], $0xffff  }
0xec: {  	v6 =	vadd.f32 v7, v6;
	v7 =	vadd.f32 v17, v11;
	v11 =	vld.idx.msk [tilespmem:v22+s14+$0x0], $0xffff;
	v12, _, _ =	vpop (xrf2)  }
0xed: {  	v14 =	vnsel vm3, $0x0, v14;
	v12 =	vbroadcast v12, $0xF;
	v3 =	vld.idx.msk [tilespmem:v3+s14+$0x0], $0xffff  }
0xee: {  	v17 =	vmul.f32 v21, v18;
	v13 =	vmul.f32 v13, v24;
	v6 =	vadd.f32 v14, v6;
	(xrf2) =	vadd.scan.msk.f32 $0xffff, v7  }
0xef: {  	v7 =	vnsel vm4, $0x0, v12;
	v12 =	vbroadcast v23, $0xF;
	v16 =	vld.idx.msk [tilespmem:v19+s13+$0x0], $0xffff  }
0xf0: {  	v6 =	vadd.f32 v7, v6;
	v7 =	vadd.f32 v13, v17;
	v13 =	vld.idx.msk [tilespmem:v19+s14+$0x0], $0xffff;
	v14, _, _ =	vpop (xrf2)  }
0xf1: {  	v12 =	vnsel vm5, $0x0, v12;
	v14 =	vbroadcast v14, $0xF  }
0xf2: {  	v4 =	vmul.f32 v5, v4;
	v6 =	vadd.f32 v12, v6;
	v12 =	vmul.f32 v11, v15;
	(xrf2) =	vadd.scan.msk.f32 $0xffff, v7  }
0xf3: {  	v11 =	vbroadcast v20, $0xF;
	v7 =	vnsel vm6, $0x0, v14  }
0xf4: {  	v6 =	vadd.f32 v7, v6;
	v4 =	vadd.f32 v12, v4;
	v5, _, _ =	vpop (xrf2)  }
0xf5: {  	v7 =	vnsel vm7, $0x0, v11;
	v5 =	vbroadcast v5, $0xF  }
0xf6: {  	v2 =	vmul.f32 v3, v2;
	v6 =	vadd.f32 v7, v6;
	v7 =	vmul.f32 v13, v16;
	(xrf2) =	vadd.scan.msk.f32 $0xffff, v4  }
0xf7: {  	v4 =	vnsel vm8, $0x0, v5;
	v5 =	vbroadcast v10, $0xF  }
0xf8: {  	v4 =	vadd.f32 v4, v6;
	v2 =	vadd.f32 v7, v2;
	v3, _, _ =	vpop (xrf2)  }
0xf9: {  	v5 =	vnsel vm9, $0x0, v5;
	v3 =	vbroadcast v3, $0xF  }
0xfa: {  	v5 =	vadd.f32 v5, v4;
	(xrf2) =	vadd.scan.msk.f32 $0xffff, v2  }
0xfb: {  	v2 =	vnsel vm10, $0x0, v3;
	v3 =	vbroadcast v9, $0xF  }
0xfc: {  	v2 =	vadd.f32 v2, v5;
	v4, _, _ =	vpop (xrf2)  }
0xfd: {  	v3 =	vnsel vm11, $0x0, v3;
	v4 =	vbroadcast v4, $0xF  }
0xfe: {  	v2 =	vadd.f32 v3, v2  }
0xff: {  	v5 =	vnsel vm12, $0x0, v4;
	v4 =	vbroadcast v8, $0xF  }
0x100: {  	v2 =	vadd.f32 v5, v2;
	v3, _, _ =	vpop (xrf2)  }
0x101: {  	v4 =	vnsel vm13, $0x0, v4;
	v5 =	vbroadcast v3, $0xF  }
0x102: {  	v2 =	vadd.f32 v4, v2  }
0x103: {  	v4 =	vnsel vm14, $0x0, v5  }
0x104: {  	v2 =	vadd.f32 v4, v2;
	v3, _, _ =	vpop (xrf2)  }
0x105: {  	v3 =	vsel vm15, $0x0, v3  }
0x106: {  	v2 =	vadd.f32 v3, v2  }
0x107: {  	s19 =	sadd.s32 $0x10, s19  }
0x108: {  	s22 =	sadd.s32 $0x10, s22;
	[tilespmem:s19+$0x0] =	vst v2  }
0x109: {  	v2 =	vld [tilespmem:s22+$0x0];
	_ =	sdelay $0x4  }
0x10a: {  	v8 =	vshll.u32 v2, $0x5  }
0x10b: {  	(v2sf) =	vpush v8, $0xF  }
0x10c: {  	(v2sf) =	vpush v8, $0xE  }
0x10d: {  	(v2sf) =	vpush v8, $0xD;
	_ =	sdelay $0x3  }
0x10e: {  	(v2sf) =	vpush v8, $0xB;
	_ =	sdelay $0x3  }
0x10f: {  	(v2sf) =	vpush v8, $0x9;
	_ =	sdelay $0x3  }
0x110: {  	(v2sf) =	vpush v8, $0x7  }
0x111: {  	s20 =	spop (v2sf)  }
0x112: {  	s25 =	sshll.u32 s26, $0x7;
	s21 =	spop (v2sf)  }
0x113: {  	s20 =	sand.u32 $0x60, s20;
	s21 =	sand.u32 $0x60, s21;
	s28 =	spop (v2sf)  }
0x114: {  	s20 =	sor.u32 s25, s20;
	s28 =	sand.u32 $0x60, s28;
	s21 =	sor.u32 s21, s25;
	(v2sf) =	vpush v8, $0x5  }
0x115: {  	v3 =	vor.u32 s20, v0;
	s28 =	sor.u32 s28, s25;
	s21 =	sadd.s32 $0xFFFFFF80, s21  }
0x116: {  	s28 =	sadd.s32 $0xFFFFFF00, s28;
	v5 =	vor.u32 s21, v0  }
0x117: {  	s23 =	sadd.s32 $0x10, s23;
	v10 =	vor.u32 s28, v0;
	s29 =	spop (v2sf)  }
0x118: {  	s24 =	sadd.s32 $0x10, s24;
	v6 =	vld [tilespmem:s23+$0x0];
	s29 =	sand.u32 $0x60, s29;
	(v2sf) =	vpush v8, $0x3  }
.Ltmp1:
0x119: {  	v13 =	vor.u32 s28, v1;
	v7 =	vld [tilespmem:s24+$0x0];
	s29 =	sor.u32 s29, s25;
	(pc) =	sbr.rel @p0 .LBB2_4-.Ltmp1, $4  }
0x11a: {  	s29 =	sadd.s32 $0xFFFFFE00, s29;
	v2 =	vld.idx.msk [tilespmem:v3+s13+$0x0], $0xffff  }
0x11b: {  	v11 =	vor.u32 s29, v0;
	v4 =	vld.idx.msk [tilespmem:v5+s13+$0x0], $0xffff;
	s28 =	spop (v2sf)  }
0x11c: {  	s28 =	sand.u32 $0x60, s28;
	v9 =	vld.idx.msk [tilespmem:v10+s13+$0x0], $0xffff;
	(v2sf) =	vpush v8, $0x1  }
0x11d: {  	s26 =	sadd.s32 $0x10, s26;
	v12 =	vor.u32 s29, v1;
	s28 =	sor.u32 s28, s25;
	v10 =	vld.idx.msk [tilespmem:v10+s14+$0x0], $0xffff  }
0x11e: {  	_ =	sdelay $0x3  }
0x11f: {  	s22 =	sadd.s32 $0xFFFFFD00, s28;
	v14 =	vld.idx.msk [tilespmem:v13+s13+$0x0], $0xffff  }
0x120: {  	v13 =	vld.idx.msk [tilespmem:v13+s14+$0x0], $0xffff;
	v15 =	vor.u32 s22, v0;
	s23 =	spop (v2sf)  }
0x121: {  	v16 =	vld.idx.msk [tilespmem:v11+s13+$0x0], $0xffff;
	(v2sf) =	vpush v8, $0x0;
	s23 =	sand.u32 $0x60, s23  }
0x122: {  	v11 =	vld.idx.msk [tilespmem:v11+s14+$0x0], $0xffff;
	v17 =	vor.u32 s22, v1;
	s23 =	sor.u32 s23, s25  }
0x123: {  	v18 =	vld.idx.msk [tilespmem:v12+s13+$0x0], $0xffff;
	s26 =	sadd.s32 $0xFFFFFC00, s23  }
0x124: {  	v12 =	vld.idx.msk [tilespmem:v12+s14+$0x0], $0xffff;
	v19 =	vor.u32 s26, v0;
	s29 =	spop (v2sf)  }
0x125: {  	(v2sf) =	vpush v8, $0x2;
	s23 =	sand.u32 $0x60, s29;
	v20 =	vld.idx.msk [tilespmem:v15+s13+$0x0], $0xffff  }
0x126: {  	v21 =	vor.u32 s26, v1;
	v15 =	vld.idx.msk [tilespmem:v15+s14+$0x0], $0xffff;
	s23 =	sor.u32 s23, s25  }
0x127: {  	v22 =	vld.idx.msk [tilespmem:v17+s13+$0x0], $0xffff;
	s30 =	sadd.s32 $0xFFFFFB00, s23  }
0x128: {  	v17 =	vld.idx.msk [tilespmem:v17+s14+$0x0], $0xffff;
	v23 =	vor.u32 s30, v0;
	s31 =	spop (v2sf)  }
0x129: {  	(v2sf) =	vpush v8, $0x4;
	s23 =	sand.u32 $0x60, s31;
	v24 =	vld.idx.msk [tilespmem:v19+s13+$0x0], $0xffff  }
0x12a: {  	v25 =	vor.u32 s30, v1;
	v19 =	vld.idx.msk [tilespmem:v19+s14+$0x0], $0xffff;
	s23 =	sor.u32 s23, s25  }
0x12b: {  	v26 =	vld.idx.msk [tilespmem:v21+s13+$0x0], $0xffff;
	s24 =	sadd.s32 $0xFFFFFA00, s23  }
0x12c: {  	v21 =	vld.idx.msk [tilespmem:v21+s14+$0x0], $0xffff;
	v27 =	vor.u32 s24, v0;
	s26 =	spop (v2sf)  }
0x12d: {  	(v2sf) =	vpush v8, $0x6;
	s23 =	sand.u32 $0x60, s26;
	v28 =	vld.idx.msk [tilespmem:v23+s13+$0x0], $0xffff  }
0x12e: {  	v29 =	vor.u32 s24, v1;
	v23 =	vld.idx.msk [tilespmem:v23+s14+$0x0], $0xffff;
	s23 =	sor.u32 s23, s25  }
0x12f: {  	v30 =	vld.idx.msk [tilespmem:v25+s13+$0x0], $0xffff;
	s29 =	sadd.s32 $0xFFFFF900, s23  }
0x130: {  	v25 =	vld.idx.msk [tilespmem:v25+s14+$0x0], $0xffff;
	s30 =	spop (v2sf);
	v31 =	vor.u32 s29, v0  }
0x131: {  	s23 =	sand.u32 $0x60, s30;
	v32 =	vld.idx.msk [tilespmem:v27+s13+$0x0], $0xffff  }
0x132: {  	v33 =	vor.u32 s29, v1;
	s23 =	sor.u32 s23, s25;
	v27 =	vld.idx.msk [tilespmem:v27+s14+$0x0], $0xffff  }
0x133: {  	(v2sf) =	vpush v8, $0x8;
	v34 =	vld.idx.msk [tilespmem:v29+s13+$0x0], $0xffff;
	s31 =	sadd.s32 $0xFFFFF880, s23  }
0x134: {  	s24 =	spop (v2sf);
	v29 =	vld.idx.msk [tilespmem:v29+s14+$0x0], $0xffff;
	v35 =	vor.u32 s31, v0  }
0x135: {  	v9 =	vmul.f32 v10, v9;
	s23 =	sand.u32 $0x60, s24;
	v36 =	vld.idx.msk [tilespmem:v31+s13+$0x0], $0xffff  }
0x136: {  	v10 =	vmul.f32 v13, v14;
	v11 =	vmul.f32 v11, v16;
	v37 =	vor.u32 s31, v1;
	s26 =	sor.u32 s23, s25;
	v31 =	vld.idx.msk [tilespmem:v31+s14+$0x0], $0xffff  }
0x137: {  	v12 =	vmul.f32 v12, v18;
	v15 =	vmul.f32 v15, v20;
	s22 =	sadd.s32 $0xFFFFF980, s26;
	v13 =	vld.idx.msk [tilespmem:v33+s13+$0x0], $0xffff  }
0x138: {  	v17 =	vmul.f32 v17, v22;
	(v2sf) =	vpush v8, $0xA;
	s29 =	spop (v2sf);
	v14 =	vld.idx.msk [tilespmem:v33+s14+$0x0], $0xffff;
	v43 =	vor.u32 s22, v0  }
0x139: {  	(v2sf) =	vpush v8, $0xC;
	v8 =	vadd.f32 v10, v9;
	s23 =	sand.u32 $0x60, s29;
	v44 =	vld.idx.msk [tilespmem:v35+s13+$0x0], $0xffff  }
0x13a: {  	v11 =	vadd.f32 v12, v11;
	v12 =	vadd.f32 v17, v15;
	s30 =	sor.u32 s23, s25;
	v10 =	vor.u32 s22, v1;
	v9 =	vld.idx.msk [tilespmem:v35+s14+$0x0], $0xffff  }
0x13b: {  	v45 =	vmul.f32 v21, v26;
	(xrf2) =	vadd.scan.msk.f32 $0xffff, v8;
	v8 =	vmul.f32 v19, v24;
	s22 =	sadd.s32 $0xFFFFFA80, s30;
	v15 =	vld.idx.msk [tilespmem:v37+s13+$0x0], $0xffff  }
0x13c: {  	v48 =	vmul.f32 v25, v30;
	v47 =	vor.u32 s22, v0;
	v46 =	vld.idx.msk [tilespmem:v37+s14+$0x0], $0xffff;
	s31 =	spop (v2sf)  }
0x13d: {  	(xrf2) =	vadd.scan.msk.f32 $0xffff, v11;
	v11 =	vmul.f32 v23, v28;
	v8 =	vadd.f32 v45, v8;
	v49 =	vld.idx.msk [tilespmem:v43+s13+$0x0], $0xffff;
	s23 =	sand.u32 $0x60, s31  }
0x13e: {  	(xrf2) =	vadd.scan.msk.f32 $0xffff, v12;
	v50 =	vor.u32 s22, v1;
	v51 =	vmul.f32 v27, v32;
	v52 =	vmul.f32 v29, v34;
	v12 =	vld.idx.msk [tilespmem:v43+s14+$0x0], $0xffff;
	s23 =	sor.u32 s23, s25  }
0x13f: {  	(xrf2) =	vadd.scan.msk.f32 $0xffff, v8;
	v53 =	vld.idx.msk [tilespmem:v10+s13+$0x0], $0xffff;
	v8 =	vmul.f32 v31, v36;
	v13 =	vmul.f32 v14, v13;
	s22 =	sadd.s32 $0xFFFFFB80, s23  }
0x140: {  	v11 =	vadd.f32 v48, v11;
	v10 =	vld.idx.msk [tilespmem:v10+s14+$0x0], $0xffff;
	v14 =	vor.u32 s22, v0  }
0x141: {  	v17 =	vadd.f32 v52, v51;
	v54 =	vld.idx.msk [tilespmem:v47+s13+$0x0], $0xffff;
	v8 =	vadd.f32 v13, v8  }
0x142: {  	(xrf2) =	vadd.scan.msk.f32 $0xffff, v11;
	v11 =	vld.idx.msk [tilespmem:v47+s14+$0x0], $0xffff;
	v9 =	vmul.f32 v9, v44;
	v15 =	vmul.f32 v46, v15;
	s24 =	spop (v2sf);
	v13 =	vor.u32 s22, v1  }
0x143: {  	(xrf2) =	vadd.scan.msk.f32 $0xffff, v17;
	v55 =	vld.idx.msk [tilespmem:v50+s13+$0x0], $0xffff;
	s23 =	sand.u32 $0x60, s24  }
0x144: {  	(xrf2) =	vadd.scan.msk.f32 $0xffff, v8;
	v8 =	vld.idx.msk [tilespmem:v50+s14+$0x0], $0xffff;
	v9 =	vadd.f32 v15, v9;
	s26 =	sor.u32 s23, s25  }
0x145: {  	s22 =	sadd.s32 $0xFFFFFC80, s26;
	v56 =	vld.idx.msk [tilespmem:v14+s13+$0x0], $0xffff  }
0x146: {  	v12 =	vmul.f32 v12, v49;
	v10 =	vmul.f32 v10, v53;
	(xrf2) =	vadd.scan.msk.f32 $0xffff, v9;
	v9 =	vld.idx.msk [tilespmem:v14+s14+$0x0], $0xffff;
	v14 =	vor.u32 s22, v1  }
0x147: {  	v57 =	vld.idx.msk [tilespmem:v13+s13+$0x0], $0xffff  }
0x148: {  	s29 =	spop (v2sf);
	v10 =	vadd.f32 v10, v12;
	v15 =	vor.u32 s22, v0;
	v13 =	vld.idx.msk [tilespmem:v13+s14+$0x0], $0xffff  }
0x149: {  	s23 =	sand.u32 $0x60, s29  }
0x14a: {  	v11 =	vmul.f32 v11, v54;
	s30 =	sor.u32 s23, s25;
	v12, _, _ =	vpop (xrf2);
	v8 =	vmul.f32 v8, v55  }
0x14b: {  	s22 =	sadd.s32 $0xFFFFFD80, s30;
	v59, _, _ =	vpop (xrf2);
	(xrf2) =	vadd.scan.msk.f32 $0xffff, v10;
	v63 =	vld.idx.msk [tilespmem:v14+s13+$0x0], $0xffff  }
0x14c: {  	s31 =	spop (v2sf);
	v58 =	vor.u32 s22, v0;
	v10, _, _ =	vpop (xrf2);
	v8 =	vadd.f32 v8, v11;
	v14 =	vld.idx.msk [tilespmem:v14+s14+$0x0], $0xffff  }
0x14d: {  	s23 =	sand.u32 $0x60, s31;
	v62, _, _ =	vpop (xrf2);
	v60 =	vld.idx.msk [tilespmem:v15+s13+$0x0], $0xffff;
	v13 =	vmul.f32 v13, v57  }
0x14e: {  	s23 =	sor.u32 s23, s25;
	v61 =	vor.u32 s22, v1;
	v15 =	vld.idx.msk [tilespmem:v15+s14+$0x0], $0xffff;
	v11, _, _ =	vpop (xrf2)  }
0x14f: {  	s22 =	sadd.s32 $0xFFFFFE80, s23;
	v29, _, _ =	vpop (xrf2);
	v9 =	vmul.f32 v9, v56  }
0x150: {  	v5 =	vld.idx.msk [tilespmem:v5+s14+$0x0], $0xffff;
	v28 =	vor.u32 s22, v0;
	(xrf2) =	vadd.scan.msk.f32 $0xffff, v8;
	v8, _, _ =	vpop (xrf2)  }
0x151: {  	v30 =	vld.idx.msk [tilespmem:v58+s13+$0x0], $0xffff;
	v9 =	vadd.f32 v13, v9;
	v13, _, _ =	vpop (xrf2);
	v14 =	vmul.f32 v14, v63  }
0x152: {  	v6 =	vadd.f32 v6, v7;
	v32 =	vor.u32 s22, v1;
	v31 =	vld.idx.msk [tilespmem:v58+s14+$0x0], $0xffff;
	v7 =	vbroadcast v13, $0xF  }
0x153: {  	v33 =	vld.idx.msk [tilespmem:v61+s13+$0x0], $0xffff;
	v15 =	vmul.f32 v15, v60  }
0x154: {  	v34 =	vor.u32 s21, v1;
	v17 =	vld.idx.msk [tilespmem:v61+s14+$0x0], $0xffff;
	v7 =	vnsel vm0, $0x0, v7  }
0x155: {  	(xrf2) =	vadd.scan.msk.f32 $0xffff, v9;
	v9 =	vld.idx.msk [tilespmem:v28+s14+$0x0], $0xffff;
	v6 =	vadd.f32 v7, v6;
	v7 =	vadd.f32 v14, v15;
	v14, _, _ =	vpop (xrf2)  }
0x156: {  	v8 =	vbroadcast v8, $0xF;
	v13 =	vld.idx.msk [tilespmem:v28+s13+$0x0], $0xffff;
	v14 =	vbroadcast v14, $0xF  }
0x157: {  	v35 =	vld.idx.msk [tilespmem:v32+s13+$0x0], $0xffff  }
0x158: {  	v8 =	vnsel vm1, $0x0, v8;
	v15 =	vld.idx.msk [tilespmem:v32+s14+$0x0], $0xffff;
	v14 =	vnsel vm2, $0x0, v14  }
0x159: {  	v38 =	vld.idx.msk [tilespmem:v34+s13+$0x0], $0xffff;
	v37 =	vbroadcast v29, $0xF;
	v6 =	vadd.f32 v8, v6;
	(xrf2) =	vadd.scan.msk.f32 $0xffff, v7  }
0x15a: {  	v39 =	vld.idx.msk [tilespmem:v34+s14+$0x0], $0xffff;
	v36 =	vmul.f32 v17, v33;
	v8 =	vmul.f32 v31, v30;
	v7 =	vor.u32 s20, v1  }
0x15b: {  	v9 =	vmul.f32 v9, v13;
	v6 =	vadd.f32 v14, v6;
	v14, _, _ =	vpop (xrf2)  }
0x15c: {  	v17 =	vnsel vm3, $0x0, v37;
	v8 =	vadd.f32 v36, v8;
	v14 =	vbroadcast v14, $0xF  }
0x15d: {  	v13 =	vmul.f32 v15, v35;
	v6 =	vadd.f32 v17, v6  }
0x15e: {  	v3 =	vld.idx.msk [tilespmem:v3+s14+$0x0], $0xffff;
	v4 =	vmul.f32 v5, v4;
	v11 =	vbroadcast v11, $0xF;
	(xrf2) =	vadd.scan.msk.f32 $0xffff, v8;
	v8 =	vnsel vm4, $0x0, v14  }
0x15f: {  	v5 =	vmul.f32 v39, v38;
	v14 =	vld.idx.msk [tilespmem:v7+s13+$0x0], $0xffff;
	v6 =	vadd.f32 v8, v6;
	v8 =	vadd.f32 v13, v9;
	v9, _, _ =	vpop (xrf2)  }
0x160: {  	v11 =	vnsel vm5, $0x0, v11;
	v7 =	vld.idx.msk [tilespmem:v7+s14+$0x0], $0xffff;
	v9 =	vbroadcast v9, $0xF  }
0x161: {  	v6 =	vadd.f32 v11, v6  }
0x162: {  	(xrf2) =	vadd.scan.msk.f32 $0xffff, v8;
	v8 =	vnsel vm6, $0x0, v9;
	v9 =	vbroadcast v62, $0xF  }
0x163: {  	v4 =	vadd.f32 v5, v4;
	v5, _, _ =	vpop (xrf2);
	v6 =	vadd.f32 v8, v6  }
0x164: {  	v5 =	vbroadcast v5, $0xF;
	v8 =	vnsel vm7, $0x0, v9  }
0x165: {  	v2 =	vmul.f32 v3, v2;
	v3 =	vmul.f32 v7, v14;
	v6 =	vadd.f32 v8, v6  }
0x166: {  	(xrf2) =	vadd.scan.msk.f32 $0xffff, v4;
	v4 =	vnsel vm8, $0x0, v5;
	v5 =	vbroadcast v10, $0xF  }
0x167: {  	v4 =	vadd.f32 v4, v6  }
0x168: {  	v5 =	vnsel vm9, $0x0, v5  }
0x169: {  	v2 =	vadd.f32 v3, v2;
	v3, _, _ =	vpop (xrf2);
	v4 =	vadd.f32 v5, v4  }
0x16a: {  	v3 =	vbroadcast v3, $0xF;
	_ =	sdelay $0x1  }
0x16b: {  	(xrf2) =	vadd.scan.msk.f32 $0xffff, v2;
	v2 =	vnsel vm10, $0x0, v3  }
0x16c: {  	v3 =	vbroadcast v59, $0xF;
	v2 =	vadd.f32 v2, v4;
	v4, _, _ =	vpop (xrf2)  }
0x16d: {  	v4 =	vbroadcast v4, $0xF  }
0x16e: {  	v3 =	vnsel vm11, $0x0, v3  }
0x16f: {  	v2 =	vadd.f32 v3, v2;
	v3 =	vnsel vm12, $0x0, v4;
	_ =	sdelay $0x2  }
0x170: {  	v2 =	vadd.f32 v3, v2;
	v3, _, _ =	vpop (xrf2)  }
0x171: {  	v4 =	vbroadcast v12, $0xF;
	v3 =	vbroadcast v3, $0xF;
	_ =	sdelay $0x1  }
0x172: {  	v4 =	vnsel vm13, $0x0, v4;
	v3 =	vnsel vm14, $0x0, v3  }
0x173: {  	v2 =	vadd.f32 v4, v2;
	_ =	sdelay $0x1  }
0x174: {  	v2 =	vadd.f32 v3, v2;
	v3, _, _ =	vpop (xrf2)  }
0x175: {  	v3 =	vsel vm15, $0x0, v3  }
0x176: {  	v2 =	vadd.f32 v3, v2  }
0x177: {  	s19 =	sadd.s32 $0x10, s19  }
0x178: {  	s24 =	simm.s32 $0x100;
	[tilespmem:s19+$0x0] =	vst v2  }
0x179: {  	[tilespmem:s13], [sflag:$0x1] =	stream.indirect.gather [hbm4b:s4+s24], $0x80, s16, s24, $0xb8;
	[tilespmem:$0x10A00] =	vst v63  }
0x17a: {  	_ = 	snop  }
0x17b: {  	[tilespmem:s14], [sflag:$0x1] =	stream.indirect.gather [hbm4b:s5+s24], $0x80, s16, s24, $0xb8;
	[tilespmem:$0x10A00] =	vst v63  }
0x17c: {  	_ =	swait.ge [sflag:s15], $0x8000  }
0x17d: {  	[sflag:s15] =	ssyncset.done $0x0  }
0x17e: {  	[sflag:s15] =	ssyncadd.s32 $0xFFFF8000  }
0x17f: {  	_ =	swait.ge [sflag:s15], $0x8000  }
0x180: {  	[sflag:s15] =	ssyncset.done $0x0  }
0x181: {  	[sflag:s15] =	ssyncadd.s32 $0xFFFF8000  }
0x182: {  	v2 =	vld [tilespmem:s24+$0x0];
	_ =	sdelay $0x4  }
0x183: {  	v8 =	vshll.u32 v2, $0x5  }
0x184: {  	(v2sf) =	vpush v8, $0xF  }
0x185: {  	(v2sf) =	vpush v8, $0xE  }
0x186: {  	(v2sf) =	vpush v8, $0xD;
	_ =	sdelay $0x3  }
0x187: {  	(v2sf) =	vpush v8, $0xB;
	_ =	sdelay $0x3  }
0x188: {  	(v2sf) =	vpush v8, $0x9;
	_ =	sdelay $0x3  }
0x189: {  	(v2sf) =	vpush v8, $0x7  }
0x18a: {  	s25 =	spop (v2sf)  }
0x18b: {  	s26 =	spop (v2sf)  }
0x18c: {  	s29 =	spop (v2sf)  }
0x18d: {  	s21 =	simm.s32 $0x780;
	(v2sf) =	vpush v8, $0x5;
	s22 =	sand.u32 $0x60, s29  }
0x18e: {  	s22 =	sor.u32 s22, s21  }
0x18f: {  	s22 =	sadd.s32 $0xFFFFFF00, s22  }
0x190: {  	s24 =	spop (v2sf);
	v9 =	vor.u32 s22, v0  }
0x191: {  	(v2sf) =	vpush v8, $0x3;
	s24 =	sand.u32 $0x60, s24  }
0x192: {  	s30 =	simm.s32 $0x10700;
	s23 =	sor.u32 s24, s21;
	v10 =	vor.u32 s22, v1  }
0x193: {  	s31 =	simm.s32 $0x10500;
	v6 =	vld [tilespmem:s30+$0x0];
	s20 =	sand.u32 $0x60, s26;
	s26 =	sadd.s32 $0xFFFFFE00, s23  }
0x194: {  	v7 =	vld [tilespmem:s31+$0x0];
	s29 =	spop (v2sf);
	v11 =	vor.u32 s26, v0  }
0x195: {  	(v2sf) =	vpush v8, $0x1;
	s23 =	sand.u32 $0x60, s29;
	v12 =	vld.idx.msk [tilespmem:v9+s13+$0x0], $0xffff  }
0x196: {  	s23 =	sor.u32 s23, s21;
	v13 =	vor.u32 s26, v1;
	v9 =	vld.idx.msk [tilespmem:v9+s14+$0x0], $0xffff  }
0x197: {  	s30 =	sadd.s32 $0xFFFFFD00, s23;
	v14 =	vld.idx.msk [tilespmem:v10+s13+$0x0], $0xffff  }
0x198: {  	s31 =	spop (v2sf);
	v15 =	vor.u32 s30, v0;
	v10 =	vld.idx.msk [tilespmem:v10+s14+$0x0], $0xffff  }
0x199: {  	(v2sf) =	vpush v8, $0x0;
	s23 =	sand.u32 $0x60, s31;
	v40 =	vld.idx.msk [tilespmem:v11+s13+$0x0], $0xffff  }
0x19a: {  	s23 =	sor.u32 s23, s21;
	v41 =	vor.u32 s30, v1;
	v11 =	vld.idx.msk [tilespmem:v11+s14+$0x0], $0xffff  }
0x19b: {  	s24 =	sadd.s32 $0xFFFFFC00, s23;
	v42 =	vld.idx.msk [tilespmem:v13+s13+$0x0], $0xffff  }
0x19c: {  	s19 =	sand.u32 $0x60, s25;
	v43 =	vor.u32 s24, v0;
	v13 =	vld.idx.msk [tilespmem:v13+s14+$0x0], $0xffff;
	s25 =	spop (v2sf)  }
0x19d: {  	v44 =	vld.idx.msk [tilespmem:v15+s13+$0x0], $0xffff;
	(v2sf) =	vpush v8, $0x2;
	s23 =	sand.u32 $0x60, s25  }
0x19e: {  	v45 =	vor.u32 s24, v1;
	v15 =	vld.idx.msk [tilespmem:v15+s14+$0x0], $0xffff;
	s23 =	sor.u32 s23, s21  }
0x19f: {  	v46 =	vld.idx.msk [tilespmem:v41+s13+$0x0], $0xffff;
	s26 =	sadd.s32 $0xFFFFFB00, s23  }
0x1a0: {  	v17 =	vld.idx.msk [tilespmem:v41+s14+$0x0], $0xffff;
	s29 =	spop (v2sf);
	v47 =	vor.u32 s26, v0  }
0x1a1: {  	v48 =	vld.idx.msk [tilespmem:v43+s13+$0x0], $0xffff;
	(v2sf) =	vpush v8, $0x4;
	s23 =	sand.u32 $0x60, s29  }
0x1a2: {  	v19 =	vld.idx.msk [tilespmem:v43+s14+$0x0], $0xffff;
	s23 =	sor.u32 s23, s21;
	v49 =	vor.u32 s26, v1  }
0x1a3: {  	v50 =	vld.idx.msk [tilespmem:v45+s13+$0x0], $0xffff;
	s30 =	sadd.s32 $0xFFFFFA00, s23  }
0x1a4: {  	v21 =	vld.idx.msk [tilespmem:v45+s14+$0x0], $0xffff;
	s31 =	spop (v2sf);
	v51 =	vor.u32 s30, v0  }
0x1a5: {  	s23 =	sand.u32 $0x60, s31;
	v52 =	vld.idx.msk [tilespmem:v47+s13+$0x0], $0xffff  }
0x1a6: {  	(v2sf) =	vpush v8, $0x6;
	s23 =	sor.u32 s23, s21;
	v53 =	vor.u32 s30, v1;
	v23 =	vld.idx.msk [tilespmem:v47+s14+$0x0], $0xffff  }
0x1a7: {  	s24 =	sadd.s32 $0xFFFFF900, s23;
	v54 =	vld.idx.msk [tilespmem:v49+s13+$0x0], $0xffff  }
0x1a8: {  	s25 =	spop (v2sf);
	v55 =	vor.u32 s24, v0;
	v25 =	vld.idx.msk [tilespmem:v49+s14+$0x0], $0xffff  }
0x1a9: {  	s23 =	sand.u32 $0x60, s25;
	v56 =	vld.idx.msk [tilespmem:v51+s13+$0x0], $0xffff  }
0x1aa: {  	(v2sf) =	vpush v8, $0x8;
	s23 =	sor.u32 s23, s21;
	v57 =	vor.u32 s24, v1;
	v27 =	vld.idx.msk [tilespmem:v51+s14+$0x0], $0xffff  }
0x1ab: {  	s26 =	sadd.s32 $0xFFFFF880, s23;
	v58 =	vld.idx.msk [tilespmem:v53+s13+$0x0], $0xffff  }
0x1ac: {  	v59 =	vor.u32 s26, v0;
	v29 =	vld.idx.msk [tilespmem:v53+s14+$0x0], $0xffff;
	s29 =	spop (v2sf)  }
0x1ad: {  	v61 =	vor.u32 s26, v1;
	v60 =	vld.idx.msk [tilespmem:v55+s13+$0x0], $0xffff;
	s23 =	sand.u32 $0x60, s29  }
0x1ae: {  	v9 =	vmul.f32 v9, v12;
	v10 =	vmul.f32 v10, v14;
	v31 =	vld.idx.msk [tilespmem:v55+s14+$0x0], $0xffff;
	s30 =	sor.u32 s23, s21  }
0x1af: {  	v11 =	vmul.f32 v11, v40;
	v13 =	vmul.f32 v13, v42;
	v12 =	vld.idx.msk [tilespmem:v57+s13+$0x0], $0xffff;
	s22 =	sadd.s32 $0xFFFFF980, s30  }
0x1b0: {  	v15 =	vmul.f32 v15, v44;
	v17 =	vmul.f32 v17, v46;
	v14 =	vld.idx.msk [tilespmem:v57+s14+$0x0], $0xffff;
	s31 =	spop (v2sf);
	v62 =	vor.u32 s22, v0  }
0x1b1: {  	v9 =	vadd.f32 v10, v9;
	(v2sf) =	vpush v8, $0xA;
	v10 =	vld.idx.msk [tilespmem:v59+s14+$0x0], $0xffff;
	s23 =	sand.u32 $0x60, s31  }
0x1b2: {  	v11 =	vadd.f32 v13, v11;
	v13 =	vadd.f32 v17, v15;
	v15 =	vld.idx.msk [tilespmem:v61+s13+$0x0], $0xffff;
	s24 =	sor.u32 s23, s21;
	v63 =	vor.u32 s22, v1  }
0x1b3: {  	(xrf2) =	vadd.scan.msk.f32 $0xffff, v9;
	v9 =	vmul.f32 v19, v48;
	v26 =	vmul.f32 v21, v50;
	v33 =	vld.idx.msk [tilespmem:v61+s14+$0x0], $0xffff;
	s22 =	sadd.s32 $0xFFFFFA80, s24  }
0x1b4: {  	(xrf2) =	vadd.scan.msk.f32 $0xffff, v11;
	(v2sf) =	vpush v8, $0xC;
	v8 =	vld.idx.msk [tilespmem:v59+s13+$0x0], $0xffff;
	v35 =	vor.u32 s22, v0  }
0x1b5: {  	v9 =	vadd.f32 v26, v9;
	v11 =	vmul.f32 v23, v52;
	v37 =	vmul.f32 v25, v54;
	s25 =	spop (v2sf);
	v38 =	vld.idx.msk [tilespmem:v62+s13+$0x0], $0xffff  }
0x1b6: {  	(xrf2) =	vadd.scan.msk.f32 $0xffff, v13;
	v40 =	vmul.f32 v27, v56;
	v41 =	vmul.f32 v29, v58;
	s23 =	sand.u32 $0x60, s25;
	v39 =	vor.u32 s22, v1;
	v13 =	vld.idx.msk [tilespmem:v62+s14+$0x0], $0xffff  }
0x1b7: {  	(xrf2) =	vadd.scan.msk.f32 $0xffff, v9;
	v9 =	vmul.f32 v31, v60;
	v12 =	vmul.f32 v14, v12;
	s26 =	sor.u32 s23, s21;
	v42 =	vld.idx.msk [tilespmem:v63+s13+$0x0], $0xffff  }
0x1b8: {  	v11 =	vadd.f32 v37, v11;
	s22 =	sadd.s32 $0xFFFFFB80, s26;
	v14 =	vld.idx.msk [tilespmem:v63+s14+$0x0], $0xffff  }
0x1b9: {  	s29 =	spop (v2sf);
	v17 =	vadd.f32 v41, v40;
	v9 =	vadd.f32 v12, v9;
	v12 =	vor.u32 s22, v1;
	v44 =	vld.idx.msk [tilespmem:v35+s13+$0x0], $0xffff  }
0x1ba: {  	(xrf2) =	vadd.scan.msk.f32 $0xffff, v11;
	s23 =	sand.u32 $0x60, s29;
	v8 =	vmul.f32 v10, v8;
	v10 =	vmul.f32 v33, v15;
	v11 =	vld.idx.msk [tilespmem:v35+s14+$0x0], $0xffff  }
0x1bb: {  	s30 =	sor.u32 s23, s21;
	(xrf2) =	vadd.scan.msk.f32 $0xffff, v17;
	v43 =	vor.u32 s22, v0;
	v15 =	vld.idx.msk [tilespmem:v39+s13+$0x0], $0xffff  }
0x1bc: {  	s22 =	sadd.s32 $0xFFFFFC80, s30;
	(xrf2) =	vadd.scan.msk.f32 $0xffff, v9;
	v8 =	vadd.f32 v10, v8;
	v9 =	vld.idx.msk [tilespmem:v39+s14+$0x0], $0xffff  }
0x1bd: {  	v10 =	vor.u32 s22, v0;
	v13 =	vmul.f32 v13, v38;
	v14 =	vmul.f32 v14, v42  }
0x1be: {  	(xrf2) =	vadd.scan.msk.f32 $0xffff, v8;
	v47 =	vld.idx.msk [tilespmem:v12+s13+$0x0], $0xffff  }
0x1bf: {  	v46 =	vor.u32 s22, v1;
	v12 =	vld.idx.msk [tilespmem:v12+s14+$0x0], $0xffff;
	v13 =	vadd.f32 v14, v13  }
0x1c0: {  	v45 =	vld.idx.msk [tilespmem:v43+s13+$0x0], $0xffff;
	s31 =	spop (v2sf)  }
0x1c1: {  	s20 =	sor.u32 s20, s21;
	v8 =	vld.idx.msk [tilespmem:v43+s14+$0x0], $0xffff;
	v11 =	vmul.f32 v11, v44;
	v9 =	vmul.f32 v9, v15;
	s23 =	sand.u32 $0x60, s31;
	v14, _, _ =	vpop (xrf2)  }
0x1c2: {  	s20 =	sadd.s32 $0xFFFFFF80, s20;
	v50 =	vld.idx.msk [tilespmem:v10+s13+$0x0], $0xffff;
	s24 =	sor.u32 s23, s21;
	(xrf2) =	vadd.scan.msk.f32 $0xffff, v13;
	v49, _, _ =	vpop (xrf2)  }
0x1c3: {  	v5 =	vor.u32 s20, v0;
	v10 =	vld.idx.msk [tilespmem:v10+s14+$0x0], $0xffff;
	v9 =	vadd.f32 v9, v11;
	s22 =	sadd.s32 $0xFFFFFD80, s24;
	v13, _, _ =	vpop (xrf2)  }
0x1c4: {  	v52 =	vld.idx.msk [tilespmem:v46+s13+$0x0], $0xffff;
	v12 =	vmul.f32 v12, v47;
	v48 =	vor.u32 s22, v0;
	v51, _, _ =	vpop (xrf2)  }
0x1c5: {  	v17 =	vld.idx.msk [tilespmem:v46+s14+$0x0], $0xffff;
	v11, _, _ =	vpop (xrf2)  }
0x1c6: {  	s25 =	spop (v2sf);
	v8 =	vmul.f32 v8, v45;
	v15 =	vor.u32 s22, v1;
	v54, _, _ =	vpop (xrf2)  }
0x1c7: {  	s23 =	sand.u32 $0x60, s25;
	(xrf2) =	vadd.scan.msk.f32 $0xffff, v9;
	v9, _, _ =	vpop (xrf2)  }
0x1c8: {  	s19 =	sor.u32 s21, s19;
	v4 =	vld.idx.msk [tilespmem:v5+s13+$0x0], $0xffff;
	s21 =	sor.u32 s23, s21;
	v8 =	vadd.f32 v12, v8;
	v10 =	vmul.f32 v10, v50;
	v12, _, _ =	vpop (xrf2)  }
0x1c9: {  	v6 =	vadd.f32 v6, v7;
	v59 =	vor.u32 s20, v1;
	s21 =	sadd.s32 $0xFFFFFE80, s21;
	v55 =	vld.idx.msk [tilespmem:v48+s13+$0x0], $0xffff;
	v7 =	vbroadcast v12, $0xF  }
0x1ca: {  	v17 =	vmul.f32 v17, v52;
	v53 =	vor.u32 s21, v0;
	v56 =	vld.idx.msk [tilespmem:v48+s14+$0x0], $0xffff  }
0x1cb: {  	v57 =	vor.u32 s21, v1;
	v58 =	vld.idx.msk [tilespmem:v15+s13+$0x0], $0xffff;
	v7 =	vnsel vm0, $0x0, v7  }
0x1cc: {  	v15 =	vld.idx.msk [tilespmem:v15+s14+$0x0], $0xffff;
	v6 =	vadd.f32 v7, v6;
	v7 =	vadd.f32 v17, v10;
	v10, _, _ =	vpop (xrf2)  }
0x1cd: {  	v5 =	vld.idx.msk [tilespmem:v5+s14+$0x0], $0xffff;
	v9 =	vbroadcast v9, $0xF;
	v10 =	vbroadcast v10, $0xF  }
0x1ce: {  	v63 =	vld.idx.msk [tilespmem:v59+s13+$0x0], $0xffff;
	(xrf2) =	vadd.scan.msk.f32 $0xffff, v8  }
0x1cf: {  	v8 =	vld.idx.msk [tilespmem:v53+s14+$0x0], $0xffff;
	v9 =	vnsel vm1, $0x0, v9;
	v10 =	vnsel vm2, $0x0, v10  }
0x1d0: {  	v60 =	vld.idx.msk [tilespmem:v57+s13+$0x0], $0xffff;
	v6 =	vadd.f32 v9, v6  }
0x1d1: {  	v3 =	vor.u32 s19, v0;
	v12 =	vld.idx.msk [tilespmem:v53+s13+$0x0], $0xffff;
	v15 =	vmul.f32 v15, v58;
	v9 =	vmul.f32 v56, v55  }
0x1d2: {  	v62 =	vbroadcast v54, $0xF;
	v61 =	vld.idx.msk [tilespmem:v57+s14+$0x0], $0xffff;
	(xrf2) =	vadd.scan.msk.f32 $0xffff, v7;
	v6 =	vadd.f32 v10, v6;
	v10, _, _ =	vpop (xrf2)  }
0x1d3: {  	v7 =	vor.u32 s19, v1;
	v9 =	vadd.f32 v15, v9;
	v15 =	vld.idx.msk [tilespmem:v59+s14+$0x0], $0xffff;
	v10 =	vbroadcast v10, $0xF;
	_ =	sdelay $0x1  }
0x1d4: {  	v16 =	vnsel vm3, $0x0, v62;
	(xrf2) =	vadd.scan.msk.f32 $0xffff, v9;
	v9 =	vnsel vm4, $0x0, v10  }
0x1d5: {  	v2 =	vld.idx.msk [tilespmem:v3+s13+$0x0], $0xffff;
	v8 =	vmul.f32 v8, v12;
	v6 =	vadd.f32 v16, v6  }
0x1d6: {  	v3 =	vld.idx.msk [tilespmem:v3+s14+$0x0], $0xffff;
	v12 =	vmul.f32 v61, v60;
	v10 =	vbroadcast v11, $0xF  }
0x1d7: {  	v4 =	vmul.f32 v5, v4;
	v11 =	vld.idx.msk [tilespmem:v7+s13+$0x0], $0xffff;
	v5 =	vmul.f32 v15, v63;
	v6 =	vadd.f32 v9, v6;
	v9, _, _ =	vpop (xrf2)  }
0x1d8: {  	v8 =	vadd.f32 v12, v8;
	v7 =	vld.idx.msk [tilespmem:v7+s14+$0x0], $0xffff;
	v10 =	vnsel vm5, $0x0, v10;
	v9 =	vbroadcast v9, $0xF  }
0x1d9: {  	v6 =	vadd.f32 v10, v6  }
0x1da: {  	(xrf2) =	vadd.scan.msk.f32 $0xffff, v8;
	v8 =	vnsel vm6, $0x0, v9;
	v9 =	vbroadcast v51, $0xF  }
0x1db: {  	v4 =	vadd.f32 v5, v4;
	v5, _, _ =	vpop (xrf2);
	v6 =	vadd.f32 v8, v6  }
0x1dc: {  	v5 =	vbroadcast v5, $0xF;
	v8 =	vnsel vm7, $0x0, v9  }
0x1dd: {  	v2 =	vmul.f32 v3, v2;
	v3 =	vmul.f32 v7, v11;
	v6 =	vadd.f32 v8, v6  }
0x1de: {  	(xrf2) =	vadd.scan.msk.f32 $0xffff, v4;
	v4 =	vnsel vm8, $0x0, v5;
	v5 =	vbroadcast v13, $0xF  }
0x1df: {  	v4 =	vadd.f32 v4, v6  }
0x1e0: {  	v5 =	vnsel vm9, $0x0, v5  }
0x1e1: {  	v2 =	vadd.f32 v3, v2;
	v3, _, _ =	vpop (xrf2);
	v4 =	vadd.f32 v5, v4  }
0x1e2: {  	v3 =	vbroadcast v3, $0xF;
	_ =	sdelay $0x1  }
0x1e3: {  	(xrf2) =	vadd.scan.msk.f32 $0xffff, v2;
	v2 =	vnsel vm10, $0x0, v3  }
0x1e4: {  	v3 =	vbroadcast v49, $0xF;
	v2 =	vadd.f32 v2, v4;
	v4, _, _ =	vpop (xrf2)  }
0x1e5: {  	v4 =	vbroadcast v4, $0xF  }
0x1e6: {  	v3 =	vnsel vm11, $0x0, v3  }
0x1e7: {  	v2 =	vadd.f32 v3, v2;
	v3 =	vnsel vm12, $0x0, v4;
	_ =	sdelay $0x2  }
0x1e8: {  	v2 =	vadd.f32 v3, v2;
	v3, _, _ =	vpop (xrf2)  }
0x1e9: {  	v4 =	vbroadcast v14, $0xF;
	v3 =	vbroadcast v3, $0xF;
	_ =	sdelay $0x1  }
0x1ea: {  	v4 =	vnsel vm13, $0x0, v4;
	v3 =	vnsel vm14, $0x0, v3  }
0x1eb: {  	v2 =	vadd.f32 v4, v2;
	_ =	sdelay $0x1  }
0x1ec: {  	v2 =	vadd.f32 v3, v2;
	v3, _, _ =	vpop (xrf2)  }
0x1ed: {  	v3 =	vsel vm15, $0x0, v3  }
0x1ee: {  	v2 =	vadd.f32 v3, v2  }
0x1ef: {  	s19 =	simm.s32 $0x10900  }
0x1f0: {  	s22 =	simm.s32 $0x110;
	[tilespmem:s19+$0x0] =	vst v2  }
0x1f1: {  	v2 =	vld [tilespmem:s22+$0x0];
	_ =	sdelay $0x4  }
0x1f2: {  	v8 =	vshll.u32 v2, $0x5  }
0x1f3: {  	(v2sf) =	vpush v8, $0xF  }
0x1f4: {  	(v2sf) =	vpush v8, $0xE  }
0x1f5: {  	(v2sf) =	vpush v8, $0xD  }
0x1f6: {  	(v2sf) =	vpush v8, $0xB;
	_ =	sdelay $0xa  }
0x1f7: {  	(v2sf) =	vpush v8, $0x9  }
0x1f8: {  	s26 =	spop (v2sf)  }
0x1f9: {  	s29 =	spop (v2sf)  }
0x1fa: {  	s30 =	spop (v2sf)  }
0x1fb: {  	s28 =	spop (v2sf);
	(v2sf) =	vpush v8, $0x7;
	_ =	sdelay $0x2  }
0x1fc: {  	s25 =	simm.s32 $0xF80;
	s20 =	sand.u32 $0x60, s26;
	s21 =	sand.u32 $0x60, s29  }
0x1fd: {  	s20 =	sor.u32 s25, s20;
	s23 =	sand.u32 $0x60, s30;
	s21 =	sor.u32 s21, s25;
	(v2sf) =	vpush v8, $0x5  }
0x1fe: {  	v3 =	vor.u32 s20, v0;
	s23 =	sor.u32 s23, s25;
	s21 =	sadd.s32 $0xFFFFFF80, s21  }
0x1ff: {  	s26 =	sadd.s32 $0xFFFFFF00, s23;
	v5 =	vor.u32 s21, v0  }
0x200: {  	s24 =	simm.s32 $0x10510;
	v10 =	vor.u32 s26, v0  }
0x201: {  	v7 =	vld [tilespmem:s24+$0x0];
	s28 =	sand.u32 $0x60, s28;
	s23 =	simm.s32 $0x10710;
	(v2sf) =	vpush v8, $0x3  }
0x202: {  	s28 =	sor.u32 s28, s25;
	v6 =	vld [tilespmem:s23+$0x0];
	v13 =	vor.u32 s26, v1  }
0x203: {  	s31 =	sadd.s32 $0xFFFFFE00, s28;
	v2 =	vld.idx.msk [tilespmem:v3+s13+$0x0], $0xffff  }
0x204: {  	s29 =	spop (v2sf);
	v11 =	vor.u32 s31, v0;
	v4 =	vld.idx.msk [tilespmem:v5+s13+$0x0], $0xffff  }
0x205: {  	s28 =	sand.u32 $0x60, s29;
	(v2sf) =	vpush v8, $0x1;
	v9 =	vld.idx.msk [tilespmem:v10+s13+$0x0], $0xffff  }
0x206: {  	s26 =	simm.s32 $0x2F;
	s28 =	sor.u32 s28, s25;
	v12 =	vor.u32 s31, v1;
	v10 =	vld.idx.msk [tilespmem:v10+s14+$0x0], $0xffff  }
.LBB2_6:
0x207: {  	p0 =	sne.s32 s26, $0xFF;
	s28 =	sadd.s32 $0xFFFFFD00, s28;
	v14 =	vld.idx.msk [tilespmem:v13+s13+$0x0], $0xffff  }
0x208: {  	v15 =	vor.u32 s28, v0;
	v13 =	vld.idx.msk [tilespmem:v13+s14+$0x0], $0xffff;
	s29 =	spop (v2sf)  }
0x209: {  	s29 =	sand.u32 $0x60, s29;
	v16 =	vld.idx.msk [tilespmem:v11+s13+$0x0], $0xffff;
	(v2sf) =	vpush v8, $0x0  }
0x20a: {  	v17 =	vor.u32 s28, v1;
	s29 =	sor.u32 s29, s25;
	v11 =	vld.idx.msk [tilespmem:v11+s14+$0x0], $0xffff  }
0x20b: {  	s28 =	sadd.s32 $0xFFFFFC00, s29;
	v18 =	vld.idx.msk [tilespmem:v12+s13+$0x0], $0xffff  }
0x20c: {  	v19 =	vor.u32 s28, v0;
	v12 =	vld.idx.msk [tilespmem:v12+s14+$0x0], $0xffff;
	s29 =	spop (v2sf)  }
0x20d: {  	s29 =	sand.u32 $0x60, s29;
	v20 =	vld.idx.msk [tilespmem:v15+s13+$0x0], $0xffff;
	(v2sf) =	vpush v8, $0x2  }
0x20e: {  	v21 =	vor.u32 s28, v1;
	s29 =	sor.u32 s29, s25;
	v15 =	vld.idx.msk [tilespmem:v15+s14+$0x0], $0xffff  }
0x20f: {  	s28 =	sadd.s32 $0xFFFFFB00, s29;
	v22 =	vld.idx.msk [tilespmem:v17+s13+$0x0], $0xffff  }
0x210: {  	v23 =	vor.u32 s28, v0;
	v17 =	vld.idx.msk [tilespmem:v17+s14+$0x0], $0xffff;
	s29 =	spop (v2sf)  }
0x211: {  	s29 =	sand.u32 $0x60, s29;
	v24 =	vld.idx.msk [tilespmem:v19+s13+$0x0], $0xffff;
	(v2sf) =	vpush v8, $0x4  }
0x212: {  	v25 =	vor.u32 s28, v1;
	s29 =	sor.u32 s29, s25;
	v19 =	vld.idx.msk [tilespmem:v19+s14+$0x0], $0xffff  }
0x213: {  	s28 =	sadd.s32 $0xFFFFFA00, s29;
	v26 =	vld.idx.msk [tilespmem:v21+s13+$0x0], $0xffff  }
0x214: {  	v27 =	vor.u32 s28, v0;
	v21 =	vld.idx.msk [tilespmem:v21+s14+$0x0], $0xffff;
	s29 =	spop (v2sf)  }
0x215: {  	v9 =	vmul.f32 v10, v9;
	v10 =	vmul.f32 v13, v14;
	s29 =	sand.u32 $0x60, s29;
	v28 =	vld.idx.msk [tilespmem:v23+s13+$0x0], $0xffff;
	(v2sf) =	vpush v8, $0x6  }
0x216: {  	v13 =	vor.u32 s28, v1;
	s29 =	sor.u32 s29, s25;
	v14 =	vld.idx.msk [tilespmem:v23+s14+$0x0], $0xffff  }
0x217: {  	v9 =	vadd.f32 v10, v9;
	s28 =	sadd.s32 $0xFFFFF900, s29;
	v23 =	vld.idx.msk [tilespmem:v25+s13+$0x0], $0xffff  }
0x218: {  	v11 =	vmul.f32 v11, v16;
	v12 =	vmul.f32 v12, v18;
	v10 =	vor.u32 s28, v0;
	v25 =	vld.idx.msk [tilespmem:v25+s14+$0x0], $0xffff;
	s29 =	spop (v2sf)  }
0x219: {  	s29 =	sand.u32 $0x60, s29;
	v16 =	vld.idx.msk [tilespmem:v27+s13+$0x0], $0xffff;
	(v2sf) =	vpush v8, $0x8;
	(xrf2) =	vadd.scan.msk.f32 $0xffff, v9  }
0x21a: {  	v11 =	vadd.f32 v12, v11;
	v9 =	vor.u32 s28, v1;
	s29 =	sor.u32 s29, s25;
	v18 =	vld.idx.msk [tilespmem:v27+s14+$0x0], $0xffff  }
0x21b: {  	v15 =	vmul.f32 v15, v20;
	v17 =	vmul.f32 v17, v22;
	s28 =	sadd.s32 $0xFFFFF880, s29;
	v12 =	vld.idx.msk [tilespmem:v13+s13+$0x0], $0xffff  }
0x21c: {  	v20 =	vor.u32 s28, v0;
	v13 =	vld.idx.msk [tilespmem:v13+s14+$0x0], $0xffff;
	s29 =	spop (v2sf);
	(xrf2) =	vadd.scan.msk.f32 $0xffff, v11  }
0x21d: {  	v15 =	vadd.f32 v17, v15;
	v11 =	vld.idx.msk [tilespmem:v10+s13+$0x0], $0xffff;
	s29 =	sand.u32 $0x60, s29;
	(v2sf) =	vpush v8, $0xA  }
0x21e: {  	v19 =	vmul.f32 v19, v24;
	v21 =	vmul.f32 v21, v26;
	v17 =	vor.u32 s28, v1;
	v10 =	vld.idx.msk [tilespmem:v10+s14+$0x0], $0xffff;
	s28 =	sor.u32 s29, s25  }
0x21f: {  	v22 =	vld.idx.msk [tilespmem:v9+s13+$0x0], $0xffff;
	s28 =	sadd.s32 $0xFFFFF980, s28;
	(xrf2) =	vadd.scan.msk.f32 $0xffff, v15  }
0x220: {  	v19 =	vadd.f32 v21, v19;
	v15 =	vld.idx.msk [tilespmem:v9+s14+$0x0], $0xffff;
	v9 =	vor.u32 s28, v0;
	s29 =	spop (v2sf)  }
0x221: {  	v14 =	vmul.f32 v14, v28;
	v23 =	vmul.f32 v25, v23;
	v21 =	vld.idx.msk [tilespmem:v20+s13+$0x0], $0xffff;
	s29 =	sand.u32 $0x60, s29;
	(v2sf) =	vpush v8, $0xC  }
0x222: {  	v24 =	vor.u32 s28, v1;
	v20 =	vld.idx.msk [tilespmem:v20+s14+$0x0], $0xffff;
	s28 =	sor.u32 s29, s25;
	(xrf2) =	vadd.scan.msk.f32 $0xffff, v19  }
0x223: {  	v14 =	vadd.f32 v23, v14;
	v19 =	vld.idx.msk [tilespmem:v17+s13+$0x0], $0xffff;
	s28 =	sadd.s32 $0xFFFFFA80, s28;
	v8, _, _ =	vpop (xrf2)  }
0x224: {  	v16 =	vmul.f32 v18, v16;
	v12 =	vmul.f32 v13, v12;
	v17 =	vld.idx.msk [tilespmem:v17+s14+$0x0], $0xffff;
	v13 =	vor.u32 s28, v0;
	s29 =	spop (v2sf)  }
0x225: {  	v18 =	vld.idx.msk [tilespmem:v9+s13+$0x0], $0xffff;
	s29 =	sand.u32 $0x60, s29;
	(xrf2) =	vadd.scan.msk.f32 $0xffff, v14  }
0x226: {  	v12 =	vadd.f32 v12, v16;
	v16 =	vor.u32 s28, v1;
	v14 =	vld.idx.msk [tilespmem:v9+s14+$0x0], $0xffff;
	s28 =	sor.u32 s29, s25;
	v9, _, _ =	vpop (xrf2)  }
0x227: {  	v25 =	vmul.f32 v10, v11;
	v11 =	vmul.f32 v15, v22;
	v15 =	vld.idx.msk [tilespmem:v24+s13+$0x0], $0xffff;
	s28 =	sadd.s32 $0xFFFFFB80, s28  }
0x228: {  	v22 =	vld.idx.msk [tilespmem:v24+s14+$0x0], $0xffff;
	v23 =	vor.u32 s28, v0;
	(xrf2) =	vadd.scan.msk.f32 $0xffff, v12;
	s29 =	spop (v2sf)  }
0x229: {  	v11 =	vadd.f32 v11, v25;
	v12 =	vld.idx.msk [tilespmem:v13+s13+$0x0], $0xffff;
	s29 =	sand.u32 $0x60, s29;
	v10, _, _ =	vpop (xrf2)  }
0x22a: {  	v24 =	vmul.f32 v20, v21;
	v17 =	vmul.f32 v17, v19;
	v19 =	vor.u32 s28, v1;
	v13 =	vld.idx.msk [tilespmem:v13+s14+$0x0], $0xffff;
	s28 =	sor.u32 s29, s25  }
0x22b: {  	v21 =	vld.idx.msk [tilespmem:v16+s13+$0x0], $0xffff;
	s28 =	sadd.s32 $0xFFFFFC80, s28;
	(xrf2) =	vadd.scan.msk.f32 $0xffff, v11  }
0x22c: {  	v11 =	vadd.f32 v17, v24;
	v16 =	vld.idx.msk [tilespmem:v16+s14+$0x0], $0xffff;
	v17 =	vor.u32 s28, v0;
	v20, _, _ =	vpop (xrf2);
	s29 =	spop (v2sf)  }
0x22d: {  	v24 =	vld.idx.msk [tilespmem:v23+s13+$0x0], $0xffff;
	s29 =	sand.u32 $0x60, s29  }
0x22e: {  	v14 =	vmul.f32 v14, v18;
	v15 =	vmul.f32 v22, v15;
	v22 =	vor.u32 s28, v1;
	v18 =	vld.idx.msk [tilespmem:v23+s14+$0x0], $0xffff;
	s28 =	sor.u32 s29, s25;
	(xrf2) =	vadd.scan.msk.f32 $0xffff, v11  }
0x22f: {  	v11 =	vld.idx.msk [tilespmem:v19+s13+$0x0], $0xffff;
	s28 =	sadd.s32 $0xFFFFFD80, s28;
	v23, _, _ =	vpop (xrf2)  }
0x230: {  	v26 =	vadd.f32 v15, v14;
	v15 =	vld.idx.msk [tilespmem:v19+s14+$0x0], $0xffff;
	v19 =	vor.u32 s28, v0;
	s29 =	spop (v2sf)  }
0x231: {  	v25 =	vld.idx.msk [tilespmem:v17+s13+$0x0], $0xffff;
	s29 =	sand.u32 $0x60, s29  }
0x232: {  	v12 =	vmul.f32 v13, v12;
	v13 =	vmul.f32 v16, v21;
	v16 =	vld.idx.msk [tilespmem:v17+s14+$0x0], $0xffff;
	v17 =	vor.u32 s28, v1;
	s25 =	sor.u32 s29, s25;
	(xrf2) =	vadd.scan.msk.f32 $0xffff, v26;
	v14, _, _ =	vpop (xrf2)  }
0x233: {  	v21 =	vld.idx.msk [tilespmem:v22+s13+$0x0], $0xffff;
	s25 =	sadd.s32 $0xFFFFFE80, s25  }
0x234: {  	v12 =	vadd.f32 v13, v12;
	v13 =	vld.idx.msk [tilespmem:v22+s14+$0x0], $0xffff;
	v22 =	vor.u32 s25, v0  }
0x235: {  	v26 =	vld.idx.msk [tilespmem:v19+s13+$0x0], $0xffff;
	v27, _, _ =	vpop (xrf2)  }
0x236: {  	v24 =	vmul.f32 v18, v24;
	v11 =	vmul.f32 v15, v11;
	v15 =	vld.idx.msk [tilespmem:v19+s14+$0x0], $0xffff;
	v19 =	vor.u32 s25, v1;
	(xrf2) =	vadd.scan.msk.f32 $0xffff, v12  }
0x237: {  	v12 =	vld.idx.msk [tilespmem:v17+s13+$0x0], $0xffff  }
0x238: {  	v11 =	vadd.f32 v11, v24;
	v17 =	vld.idx.msk [tilespmem:v17+s14+$0x0], $0xffff;
	v18, _, _ =	vpop (xrf2)  }
0x239: {  	v6 =	vadd.f32 v6, v7;
	v7 =	vbroadcast v18, $0xF;
	v18 =	vld.idx.msk [tilespmem:v22+s13+$0x0], $0xffff  }
0x23a: {  	v25 =	vmul.f32 v16, v25;
	v13 =	vmul.f32 v13, v21;
	v21 =	vld.idx.msk [tilespmem:v22+s14+$0x0], $0xffff;
	v22 =	vor.u32 s21, v1;
	(xrf2) =	vadd.scan.msk.f32 $0xffff, v11  }
0x23b: {  	v11 =	vbroadcast v27, $0xF;
	v7 =	vnsel vm0, $0x0, v7;
	v24 =	vld.idx.msk [tilespmem:v19+s13+$0x0], $0xffff  }
0x23c: {  	v6 =	vadd.f32 v7, v6;
	v7 =	vadd.f32 v13, v25;
	v13 =	vld.idx.msk [tilespmem:v19+s14+$0x0], $0xffff;
	v16, _, _ =	vpop (xrf2)  }
0x23d: {  	v11 =	vnsel vm1, $0x0, v11;
	v19 =	vor.u32 s20, v1;
	v16 =	vbroadcast v16, $0xF;
	v5 =	vld.idx.msk [tilespmem:v5+s14+$0x0], $0xffff  }
0x23e: {  	v17 =	vmul.f32 v17, v12;
	v6 =	vadd.f32 v11, v6;
	v11 =	vmul.f32 v15, v26;
	(xrf2) =	vadd.scan.msk.f32 $0xffff, v7  }
0x23f: {  	v14 =	vbroadcast v14, $0xF;
	v7 =	vnsel vm2, $0x0, v16;
	v15 =	vld.idx.msk [tilespmem:v22+s13+$0x0], $0xffff  }
0x240: {  	v6 =	vadd.f32 v7, v6;
	v7 =	vadd.f32 v17, v11;
	v11 =	vld.idx.msk [tilespmem:v22+s14+$0x0], $0xffff;
	v12, _, _ =	vpop (xrf2)  }
0x241: {  	v14 =	vnsel vm3, $0x0, v14;
	v12 =	vbroadcast v12, $0xF;
	v3 =	vld.idx.msk [tilespmem:v3+s14+$0x0], $0xffff  }
0x242: {  	v17 =	vmul.f32 v21, v18;
	v13 =	vmul.f32 v13, v24;
	v6 =	vadd.f32 v14, v6;
	(xrf2) =	vadd.scan.msk.f32 $0xffff, v7  }
0x243: {  	v7 =	vnsel vm4, $0x0, v12;
	v12 =	vbroadcast v23, $0xF;
	v16 =	vld.idx.msk [tilespmem:v19+s13+$0x0], $0xffff  }
0x244: {  	v6 =	vadd.f32 v7, v6;
	v7 =	vadd.f32 v13, v17;
	v13 =	vld.idx.msk [tilespmem:v19+s14+$0x0], $0xffff;
	v14, _, _ =	vpop (xrf2)  }
0x245: {  	v12 =	vnsel vm5, $0x0, v12;
	v14 =	vbroadcast v14, $0xF  }
0x246: {  	v4 =	vmul.f32 v5, v4;
	v6 =	vadd.f32 v12, v6;
	v12 =	vmul.f32 v11, v15;
	(xrf2) =	vadd.scan.msk.f32 $0xffff, v7  }
0x247: {  	v11 =	vbroadcast v20, $0xF;
	v7 =	vnsel vm6, $0x0, v14  }
0x248: {  	v6 =	vadd.f32 v7, v6;
	v4 =	vadd.f32 v12, v4;
	v5, _, _ =	vpop (xrf2)  }
0x249: {  	v7 =	vnsel vm7, $0x0, v11;
	v5 =	vbroadcast v5, $0xF  }
0x24a: {  	v2 =	vmul.f32 v3, v2;
	v6 =	vadd.f32 v7, v6;
	v7 =	vmul.f32 v13, v16;
	(xrf2) =	vadd.scan.msk.f32 $0xffff, v4  }
0x24b: {  	v4 =	vnsel vm8, $0x0, v5;
	v5 =	vbroadcast v10, $0xF  }
0x24c: {  	v4 =	vadd.f32 v4, v6;
	v2 =	vadd.f32 v7, v2;
	v3, _, _ =	vpop (xrf2)  }
0x24d: {  	v5 =	vnsel vm9, $0x0, v5;
	v3 =	vbroadcast v3, $0xF  }
0x24e: {  	v5 =	vadd.f32 v5, v4;
	(xrf2) =	vadd.scan.msk.f32 $0xffff, v2  }
0x24f: {  	v2 =	vnsel vm10, $0x0, v3;
	v3 =	vbroadcast v9, $0xF  }
0x250: {  	v2 =	vadd.f32 v2, v5;
	v4, _, _ =	vpop (xrf2)  }
0x251: {  	v3 =	vnsel vm11, $0x0, v3;
	v4 =	vbroadcast v4, $0xF  }
0x252: {  	v2 =	vadd.f32 v3, v2  }
0x253: {  	v5 =	vnsel vm12, $0x0, v4;
	v4 =	vbroadcast v8, $0xF  }
0x254: {  	v2 =	vadd.f32 v5, v2;
	v3, _, _ =	vpop (xrf2)  }
0x255: {  	v4 =	vnsel vm13, $0x0, v4;
	v5 =	vbroadcast v3, $0xF  }
0x256: {  	v2 =	vadd.f32 v4, v2  }
0x257: {  	v4 =	vnsel vm14, $0x0, v5  }
0x258: {  	v2 =	vadd.f32 v4, v2;
	v3, _, _ =	vpop (xrf2)  }
0x259: {  	v3 =	vsel vm15, $0x0, v3  }
0x25a: {  	v2 =	vadd.f32 v3, v2  }
0x25b: {  	s19 =	sadd.s32 $0x10, s19  }
0x25c: {  	s22 =	sadd.s32 $0x10, s22;
	[tilespmem:s19+$0x0] =	vst v2  }
0x25d: {  	v2 =	vld [tilespmem:s22+$0x0];
	_ =	sdelay $0x4  }
0x25e: {  	v8 =	vshll.u32 v2, $0x5  }
0x25f: {  	(v2sf) =	vpush v8, $0xF  }
0x260: {  	(v2sf) =	vpush v8, $0xE  }
0x261: {  	(v2sf) =	vpush v8, $0xD;
	_ =	sdelay $0x3  }
0x262: {  	(v2sf) =	vpush v8, $0xB;
	_ =	sdelay $0x3  }
0x263: {  	(v2sf) =	vpush v8, $0x9;
	_ =	sdelay $0x3  }
0x264: {  	(v2sf) =	vpush v8, $0x7  }
0x265: {  	s20 =	spop (v2sf)  }
0x266: {  	s25 =	sshll.u32 s26, $0x7;
	s21 =	spop (v2sf)  }
0x267: {  	s20 =	sand.u32 $0x60, s20;
	s21 =	sand.u32 $0x60, s21;
	s28 =	spop (v2sf)  }
0x268: {  	s20 =	sor.u32 s25, s20;
	s28 =	sand.u32 $0x60, s28;
	s21 =	sor.u32 s21, s25;
	(v2sf) =	vpush v8, $0x5  }
0x269: {  	v3 =	vor.u32 s20, v0;
	s28 =	sor.u32 s28, s25;
	s21 =	sadd.s32 $0xFFFFFF80, s21  }
0x26a: {  	s28 =	sadd.s32 $0xFFFFFF00, s28;
	v5 =	vor.u32 s21, v0  }
0x26b: {  	s23 =	sadd.s32 $0x10, s23;
	v10 =	vor.u32 s28, v0;
	s29 =	spop (v2sf)  }
0x26c: {  	s24 =	sadd.s32 $0x10, s24;
	v6 =	vld [tilespmem:s23+$0x0];
	s29 =	sand.u32 $0x60, s29;
	(v2sf) =	vpush v8, $0x3  }
.Ltmp2:
0x26d: {  	v13 =	vor.u32 s28, v1;
	v7 =	vld [tilespmem:s24+$0x0];
	s29 =	sor.u32 s29, s25;
	(pc) =	sbr.rel @p0 .LBB2_6-.Ltmp2, $4  }
0x26e: {  	s29 =	sadd.s32 $0xFFFFFE00, s29;
	v2 =	vld.idx.msk [tilespmem:v3+s13+$0x0], $0xffff  }
0x26f: {  	v11 =	vor.u32 s29, v0;
	v4 =	vld.idx.msk [tilespmem:v5+s13+$0x0], $0xffff;
	s28 =	spop (v2sf)  }
0x270: {  	s28 =	sand.u32 $0x60, s28;
	v9 =	vld.idx.msk [tilespmem:v10+s13+$0x0], $0xffff;
	(v2sf) =	vpush v8, $0x1  }
0x271: {  	s26 =	sadd.s32 $0x10, s26;
	v12 =	vor.u32 s29, v1;
	s28 =	sor.u32 s28, s25;
	v10 =	vld.idx.msk [tilespmem:v10+s14+$0x0], $0xffff  }
0x272: {  	_ =	sdelay $0x3  }
0x273: {  	s22 =	sadd.s32 $0xFFFFFD00, s28;
	v14 =	vld.idx.msk [tilespmem:v13+s13+$0x0], $0xffff  }
0x274: {  	v51 =	vld.idx.msk [tilespmem:v13+s14+$0x0], $0xffff;
	v15 =	vor.u32 s22, v0;
	s23 =	spop (v2sf)  }
0x275: {  	v16 =	vld.idx.msk [tilespmem:v11+s13+$0x0], $0xffff;
	(v2sf) =	vpush v8, $0x0;
	s23 =	sand.u32 $0x60, s23  }
0x276: {  	v52 =	vld.idx.msk [tilespmem:v11+s14+$0x0], $0xffff;
	v17 =	vor.u32 s22, v1;
	s23 =	sor.u32 s23, s25  }
0x277: {  	v18 =	vld.idx.msk [tilespmem:v12+s13+$0x0], $0xffff;
	s30 =	sadd.s32 $0xFFFFFC00, s23  }
0x278: {  	v53 =	vld.idx.msk [tilespmem:v12+s14+$0x0], $0xffff;
	v19 =	vor.u32 s30, v0;
	s31 =	spop (v2sf)  }
0x279: {  	(v2sf) =	vpush v8, $0x2;
	s23 =	sand.u32 $0x60, s31;
	v20 =	vld.idx.msk [tilespmem:v15+s13+$0x0], $0xffff  }
0x27a: {  	v21 =	vor.u32 s30, v1;
	v15 =	vld.idx.msk [tilespmem:v15+s14+$0x0], $0xffff;
	s23 =	sor.u32 s23, s25  }
0x27b: {  	v22 =	vld.idx.msk [tilespmem:v17+s13+$0x0], $0xffff;
	s24 =	sadd.s32 $0xFFFFFB00, s23  }
0x27c: {  	v17 =	vld.idx.msk [tilespmem:v17+s14+$0x0], $0xffff;
	v23 =	vor.u32 s24, v0;
	s26 =	spop (v2sf)  }
0x27d: {  	(v2sf) =	vpush v8, $0x4;
	s23 =	sand.u32 $0x60, s26;
	v24 =	vld.idx.msk [tilespmem:v19+s13+$0x0], $0xffff  }
0x27e: {  	v25 =	vor.u32 s24, v1;
	v19 =	vld.idx.msk [tilespmem:v19+s14+$0x0], $0xffff;
	s23 =	sor.u32 s23, s25  }
0x27f: {  	v26 =	vld.idx.msk [tilespmem:v21+s13+$0x0], $0xffff;
	s28 =	sadd.s32 $0xFFFFFA00, s23  }
0x280: {  	v21 =	vld.idx.msk [tilespmem:v21+s14+$0x0], $0xffff;
	v27 =	vor.u32 s28, v0;
	s29 =	spop (v2sf)  }
0x281: {  	(v2sf) =	vpush v8, $0x6;
	s23 =	sand.u32 $0x60, s29;
	v28 =	vld.idx.msk [tilespmem:v23+s13+$0x0], $0xffff  }
0x282: {  	v29 =	vor.u32 s28, v1;
	v23 =	vld.idx.msk [tilespmem:v23+s14+$0x0], $0xffff;
	s23 =	sor.u32 s23, s25  }
0x283: {  	v30 =	vld.idx.msk [tilespmem:v25+s13+$0x0], $0xffff;
	s30 =	sadd.s32 $0xFFFFF900, s23  }
0x284: {  	v25 =	vld.idx.msk [tilespmem:v25+s14+$0x0], $0xffff;
	s31 =	spop (v2sf);
	v31 =	vor.u32 s30, v0  }
0x285: {  	(v2sf) =	vpush v8, $0x8;
	s23 =	sand.u32 $0x60, s31;
	v32 =	vld.idx.msk [tilespmem:v27+s13+$0x0], $0xffff  }
0x286: {  	v33 =	vor.u32 s30, v1;
	s23 =	sor.u32 s23, s25;
	v27 =	vld.idx.msk [tilespmem:v27+s14+$0x0], $0xffff  }
0x287: {  	v34 =	vld.idx.msk [tilespmem:v29+s13+$0x0], $0xffff;
	s24 =	sadd.s32 $0xFFFFF880, s23  }
0x288: {  	v29 =	vld.idx.msk [tilespmem:v29+s14+$0x0], $0xffff;
	v35 =	vor.u32 s24, v0;
	s26 =	spop (v2sf)  }
0x289: {  	(v2sf) =	vpush v8, $0xA;
	s23 =	sand.u32 $0x60, s26;
	v36 =	vld.idx.msk [tilespmem:v31+s13+$0x0], $0xffff  }
0x28a: {  	v37 =	vor.u32 s24, v1;
	v31 =	vld.idx.msk [tilespmem:v31+s14+$0x0], $0xffff;
	s28 =	sor.u32 s23, s25  }
0x28b: {  	v55 =	vld.idx.msk [tilespmem:v33+s13+$0x0], $0xffff;
	s22 =	sadd.s32 $0xFFFFF980, s28  }
0x28c: {  	v56 =	vld.idx.msk [tilespmem:v33+s14+$0x0], $0xffff;
	v57 =	vor.u32 s22, v0;
	s29 =	spop (v2sf)  }
0x28d: {  	v9 =	vmul.f32 v10, v9;
	v54 =	vmul.f32 v51, v14;
	(v2sf) =	vpush v8, $0xC;
	v58 =	vld.idx.msk [tilespmem:v35+s13+$0x0], $0xffff;
	s23 =	sand.u32 $0x60, s29  }
0x28e: {  	v11 =	vmul.f32 v52, v16;
	v12 =	vmul.f32 v53, v18;
	v60 =	vor.u32 s22, v1;
	v59 =	vld.idx.msk [tilespmem:v35+s14+$0x0], $0xffff;
	s30 =	sor.u32 s23, s25  }
0x28f: {  	v9 =	vadd.f32 v54, v9;
	v15 =	vmul.f32 v15, v20;
	v17 =	vmul.f32 v17, v22;
	v62 =	vld.idx.msk [tilespmem:v37+s13+$0x0], $0xffff;
	s22 =	sadd.s32 $0xFFFFFA80, s30  }
0x290: {  	v63 =	vmul.f32 v19, v24;
	v24 =	vmul.f32 v21, v26;
	v26 =	vld.idx.msk [tilespmem:v37+s14+$0x0], $0xffff;
	v33 =	vor.u32 s22, v0;
	s31 =	spop (v2sf)  }
0x291: {  	v11 =	vadd.f32 v12, v11;
	v61 =	vadd.f32 v17, v15;
	v38 =	vld.idx.msk [tilespmem:v57+s13+$0x0], $0xffff;
	s23 =	sand.u32 $0x60, s31  }
0x292: {  	(xrf2) =	vadd.scan.msk.f32 $0xffff, v9;
	v41 =	vmul.f32 v27, v32;
	v42 =	vmul.f32 v29, v34;
	v40 =	vor.u32 s22, v1;
	v39 =	vld.idx.msk [tilespmem:v57+s14+$0x0], $0xffff;
	s23 =	sor.u32 s23, s25  }
0x293: {  	(xrf2) =	vadd.scan.msk.f32 $0xffff, v11;
	v35 =	vmul.f32 v23, v28;
	v37 =	vmul.f32 v25, v30;
	v43 =	vld.idx.msk [tilespmem:v60+s13+$0x0], $0xffff;
	s22 =	sadd.s32 $0xFFFFFB80, s23  }
0x294: {  	(xrf2) =	vadd.scan.msk.f32 $0xffff, v61;
	v9 =	vadd.f32 v24, v63;
	v17 =	vadd.f32 v42, v41;
	v45 =	vld.idx.msk [tilespmem:v60+s14+$0x0], $0xffff;
	s24 =	spop (v2sf);
	v46 =	vor.u32 s22, v0  }
0x295: {  	v11 =	vadd.f32 v37, v35;
	v44 =	vmul.f32 v31, v36;
	v13 =	vmul.f32 v56, v55;
	s23 =	sand.u32 $0x60, s24;
	v47 =	vld.idx.msk [tilespmem:v33+s13+$0x0], $0xffff  }
0x296: {  	(xrf2) =	vadd.scan.msk.f32 $0xffff, v9;
	v8 =	vmul.f32 v59, v58;
	v48 =	vmul.f32 v26, v62;
	v50 =	vor.u32 s22, v1;
	v49 =	vld.idx.msk [tilespmem:v33+s14+$0x0], $0xffff;
	s26 =	sor.u32 s23, s25  }
0x297: {  	(xrf2) =	vadd.scan.msk.f32 $0xffff, v11;
	v9 =	vadd.f32 v13, v44;
	v51 =	vld.idx.msk [tilespmem:v40+s13+$0x0], $0xffff;
	s22 =	sadd.s32 $0xFFFFFC80, s26  }
0x298: {  	(xrf2) =	vadd.scan.msk.f32 $0xffff, v17;
	v8 =	vadd.f32 v48, v8;
	v52 =	vld.idx.msk [tilespmem:v40+s14+$0x0], $0xffff;
	v53 =	vor.u32 s22, v0;
	s28 =	spop (v2sf)  }
0x299: {  	(xrf2) =	vadd.scan.msk.f32 $0xffff, v9;
	v12 =	vmul.f32 v39, v38;
	v14 =	vmul.f32 v45, v43;
	s23 =	sand.u32 $0x60, s28;
	v54 =	vld.idx.msk [tilespmem:v46+s13+$0x0], $0xffff  }
0x29a: {  	(xrf2) =	vadd.scan.msk.f32 $0xffff, v8;
	v56 =	vor.u32 s22, v1;
	v55 =	vld.idx.msk [tilespmem:v46+s14+$0x0], $0xffff;
	s29 =	sor.u32 s23, s25  }
0x29b: {  	v12 =	vadd.f32 v14, v12;
	v57 =	vld.idx.msk [tilespmem:v50+s13+$0x0], $0xffff;
	s22 =	sadd.s32 $0xFFFFFD80, s29  }
0x29c: {  	v13 =	vld.idx.msk [tilespmem:v50+s14+$0x0], $0xffff;
	v58 =	vor.u32 s22, v0;
	s30 =	spop (v2sf)  }
0x29d: {  	v14, _, _ =	vpop (xrf2);
	v11 =	vmul.f32 v49, v47;
	v9 =	vmul.f32 v52, v51;
	v59 =	vld.idx.msk [tilespmem:v53+s13+$0x0], $0xffff;
	s23 =	sand.u32 $0x60, s30  }
0x29e: {  	(xrf2) =	vadd.scan.msk.f32 $0xffff, v12;
	v20, _, _ =	vpop (xrf2);
	v60 =	vor.u32 s22, v1;
	v10 =	vld.idx.msk [tilespmem:v53+s14+$0x0], $0xffff;
	s31 =	sor.u32 s23, s25  }
0x29f: {  	v12, _, _ =	vpop (xrf2);
	v62 =	vld.idx.msk [tilespmem:v56+s13+$0x0], $0xffff;
	v9 =	vadd.f32 v9, v11;
	s22 =	sadd.s32 $0xFFFFFE80, s31  }
0x2a0: {  	v17 =	vld.idx.msk [tilespmem:v56+s14+$0x0], $0xffff;
	v61, _, _ =	vpop (xrf2);
	v28 =	vor.u32 s22, v0  }
0x2a1: {  	v63, _, _ =	vpop (xrf2);
	(xrf2) =	vadd.scan.msk.f32 $0xffff, v9;
	v30 =	vld.idx.msk [tilespmem:v58+s13+$0x0], $0xffff  }
0x2a2: {  	v8 =	vmul.f32 v55, v54;
	v13 =	vmul.f32 v13, v57;
	v29, _, _ =	vpop (xrf2);
	v33 =	vor.u32 s22, v1;
	v32 =	vld.idx.msk [tilespmem:v58+s14+$0x0], $0xffff  }
0x2a3: {  	v31, _, _ =	vpop (xrf2);
	v34 =	vld.idx.msk [tilespmem:v60+s13+$0x0], $0xffff  }
0x2a4: {  	v8 =	vadd.f32 v13, v8;
	v15 =	vld.idx.msk [tilespmem:v60+s14+$0x0], $0xffff;
	v35, _, _ =	vpop (xrf2)  }
0x2a5: {  	v6 =	vadd.f32 v6, v7;
	v36 =	vbroadcast v35, $0xF;
	v37 =	vld.idx.msk [tilespmem:v28+s13+$0x0], $0xffff  }
0x2a6: {  	v10 =	vmul.f32 v10, v59;
	v17 =	vmul.f32 v17, v62;
	(xrf2) =	vadd.scan.msk.f32 $0xffff, v8;
	v38 =	vld.idx.msk [tilespmem:v28+s14+$0x0], $0xffff  }
0x2a7: {  	v39 =	vor.u32 s21, v1;
	v9 =	vbroadcast v31, $0xF;
	v7 =	vnsel vm0, $0x0, v36;
	v40 =	vld.idx.msk [tilespmem:v33+s13+$0x0], $0xffff  }
0x2a8: {  	v41 =	vadd.f32 v17, v10;
	v42, _, _ =	vpop (xrf2);
	v43 =	vld.idx.msk [tilespmem:v33+s14+$0x0], $0xffff;
	v6 =	vadd.f32 v7, v6  }
0x2a9: {  	v5 =	vld.idx.msk [tilespmem:v5+s14+$0x0], $0xffff;
	v45 =	vor.u32 s20, v1;
	v9 =	vnsel vm1, $0x0, v9;
	v10 =	vbroadcast v42, $0xF  }
0x2aa: {  	v44 =	vmul.f32 v32, v30;
	v15 =	vmul.f32 v15, v34;
	(xrf2) =	vadd.scan.msk.f32 $0xffff, v41;
	v6 =	vadd.f32 v9, v6  }
0x2ab: {  	v3 =	vld.idx.msk [tilespmem:v3+s14+$0x0], $0xffff;
	v46 =	vbroadcast v29, $0xF;
	v10 =	vnsel vm2, $0x0, v10;
	v48, _, _ =	vpop (xrf2)  }
0x2ac: {  	v47 =	vld.idx.msk [tilespmem:v39+s13+$0x0], $0xffff;
	v9 =	vadd.f32 v15, v44;
	v6 =	vadd.f32 v10, v6;
	v10 =	vbroadcast v48, $0xF  }
0x2ad: {  	v49 =	vld.idx.msk [tilespmem:v39+s14+$0x0], $0xffff;
	v16 =	vnsel vm3, $0x0, v46;
	v8 =	vmul.f32 v38, v37;
	v50 =	vmul.f32 v43, v40  }
0x2ae: {  	v53 =	vld.idx.msk [tilespmem:v45+s13+$0x0], $0xffff;
	(xrf2) =	vadd.scan.msk.f32 $0xffff, v9;
	v6 =	vadd.f32 v16, v6  }
0x2af: {  	v52 =	vbroadcast v63, $0xF;
	v7 =	vld.idx.msk [tilespmem:v45+s14+$0x0], $0xffff;
	v51 =	vnsel vm4, $0x0, v10;
	v8 =	vadd.f32 v50, v8  }
0x2b0: {  	v54, _, _ =	vpop (xrf2);
	v6 =	vadd.f32 v51, v6  }
0x2b1: {  	v10 =	vnsel vm5, $0x0, v52;
	v9 =	vbroadcast v54, $0xF;
	(xrf2) =	vadd.scan.msk.f32 $0xffff, v8  }
0x2b2: {  	v4 =	vmul.f32 v5, v4;
	v6 =	vadd.f32 v10, v6  }
0x2b3: {  	v57 =	vbroadcast v61, $0xF;
	v55 =	vmul.f32 v49, v47;
	v56 =	vnsel vm6, $0x0, v9  }
0x2b4: {  	v2 =	vmul.f32 v3, v2;
	v3 =	vmul.f32 v7, v53;
	v58, _, _ =	vpop (xrf2);
	v6 =	vadd.f32 v56, v6  }
0x2b5: {  	v59 =	vnsel vm7, $0x0, v57;
	v4 =	vadd.f32 v55, v4;
	v5 =	vbroadcast v58, $0xF  }
0x2b6: {  	v6 =	vadd.f32 v59, v6  }
0x2b7: {  	v61 =	vbroadcast v12, $0xF;
	(xrf2) =	vadd.scan.msk.f32 $0xffff, v4;
	v60 =	vnsel vm8, $0x0, v5  }
0x2b8: {  	v2 =	vadd.f32 v3, v2;
	v3, _, _ =	vpop (xrf2);
	v4 =	vadd.f32 v60, v6  }
0x2b9: {  	v5 =	vnsel vm9, $0x0, v61;
	v3 =	vbroadcast v3, $0xF  }
0x2ba: {  	v4 =	vadd.f32 v5, v4  }
0x2bb: {  	(xrf2) =	vadd.scan.msk.f32 $0xffff, v2;
	v2 =	vnsel vm10, $0x0, v3;
	v3 =	vbroadcast v20, $0xF;
	v62, _, _ =	vpop (xrf2)  }
0x2bc: {  	v2 =	vadd.f32 v2, v4;
	v4 =	vbroadcast v62, $0xF  }
0x2bd: {  	v3 =	vnsel vm11, $0x0, v3  }
0x2be: {  	v2 =	vadd.f32 v3, v2;
	v3 =	vnsel vm12, $0x0, v4;
	_ =	sdelay $0x2  }
0x2bf: {  	v2 =	vadd.f32 v3, v2;
	v3, _, _ =	vpop (xrf2)  }
0x2c0: {  	v63 =	vbroadcast v14, $0xF;
	v3 =	vbroadcast v3, $0xF;
	_ =	sdelay $0x1  }
0x2c1: {  	v4 =	vnsel vm13, $0x0, v63;
	v3 =	vnsel vm14, $0x0, v3  }
0x2c2: {  	v2 =	vadd.f32 v4, v2;
	_ =	sdelay $0x1  }
0x2c3: {  	v2 =	vadd.f32 v3, v2;
	v3, _, _ =	vpop (xrf2)  }
0x2c4: {  	v3 =	vsel vm15, $0x0, v3  }
0x2c5: {  	s18 =	sadd.s32 $0x1, s18;
	v2 =	vadd.f32 v3, v2  }
0x2c6: {  	s19 =	sadd.s32 $0x10, s19;
	p0 =	sne.s32 s18, s9  }
.Ltmp3:
0x2c7: {  	[tilespmem:s19+$0x0] =	vst v2;
	(pc) =	sbr.rel @p0 .LBB2_1-.Ltmp3, $4  }
0x2c8: {  	[hbm4b:s8+s2] =	stream.linear.scatter [tilespmem:s17], [sflag:$0x2], $0x200, $0x38;
	[tilespmem:$0x10A00] =	vst v63  }
0x2c9: {  	_ =	swait.ge [sflag:s10], $0x200  }
0x2ca: {  	[sflag:s10] =	ssyncset.done $0x0  }
0x2cb: {  	[sflag:s10] =	ssyncadd.s32 $0xFFFFFE00  }
0x2cc: {  	_ =	sfence.sel $0x180000  }
0x2cd: {  	[bflag:$0x0] =	sbarrier.arrive $0xFFFF  }
0x2ce: {  	p0 =	sne.s32 s3, $0x0;
	_ =	strace $0x90000047  }
0x2cf: {  	s0 =	sadd.s32 @!p0 $0x100000, s0;
	[bflag:$0x2] =	sbarrier.arrive $0xFFFF  }
0x2d0: {  	[sflag:s0] =	ssyncadd.tile.s32 @!p0 $0x1;
	_ =	shalt  }
.Lfunc_end2:
_tile_overlayer_lowered:
.L_overlay_start_2:
0x2d1: {  	(tag) =	ssettag $0x2  }
0x2d2: {  	s0 =	rddreg [dreg:$0x0];
	s2 =	stileid.u32  }
0x2d3: {  	s1 =	rddreg [dreg:$0x1];
	p0 =	sne.s32 s2, $0x0  }
0x2d4: {  	s3 =	rddreg [dreg:$0x2];
	[bflag:$0x3] =	sbarrier.arrive $0xFFFF;
	s2 =	simm.s32 @!p0 $0x1C02  }
0x2d5: {  	[timem:s3], [sflag:s2] =	dma.local @!p0 [hbm:s0], s1  }
0x2d6: {  	s0 =	simm.s32 @!p0 $0x2  }
0x2d7: {  	_ =	swait.ge @!p0 [sflag:s0], s1  }
0x2d8: {  	s1 =	ssub.s32 @!p0 $0x0, s1;
	[sflag:s0] =	ssyncset.done @!p0 $0x0  }
0x2d9: {  	[sflag:s0] =	ssyncadd.s32 @!p0 s1  }
0x2da: {  	[bflag:$0x3] =	sbarrier.arrive $0xFFFF  }
0x2db: {  	_ =	shalt  }

</sc_bundles>
